<compile_context>
chip_gen: v7x
topology: tpu7x:2x2x1
jax: 0.10.2.dev20260603
libtpu: 0.0.44.dev20260713+nightly
codegen_flags: <defaults>
</compile_context>

<pallas_src>
import functools

import jax
import jax.numpy as jnp
from jax import lax
from jax.experimental import pallas as pl
from jax.experimental.pallas import tpu as pltpu
from jax.experimental.pallas import tpu_sc as plsc

NC = 2
NS = 16
L = 16


def _sc_gather(int_flat, lin_flat, xcat_flat, *, B, F, V, D):
    NW = NC * NS
    bpw = B // NW
    n_idx = bpw * F
    CH = 128
    n_ch = n_idx // CH
    assert n_idx % CH == 0 and D == 2 * L

    mesh = plsc.VectorSubcoreMesh(
        core_axis_name="c", subcore_axis_name="s",
        num_cores=NC, num_subcores=NS,
    )

    @functools.partial(
        pl.kernel,
        out_type=(
            jax.ShapeDtypeStruct((B, D), jnp.float32),
            jax.ShapeDtypeStruct((B, D), jnp.float32),
            jax.ShapeDtypeStruct((B * F,), jnp.float32),
        ),
        mesh=mesh,
        compiler_params=pltpu.CompilerParams(use_tc_tiling_on_sc=False),
        scratch_types=[
            pltpu.VMEM((n_idx,), jnp.int32),
            pltpu.VMEM((n_idx, D), jnp.float32),
            pltpu.VMEM((n_idx,), jnp.float32),
            pltpu.VMEM((bpw, D), jnp.float32),
            pltpu.VMEM((bpw, D), jnp.float32),
            pltpu.SemaphoreType.DMA,
            pltpu.SemaphoreType.DMA,
        ],
    )
    def k(int_hbm, lin_hbm, xcat_hbm, s_hbm, q_hbm, linraw_hbm,
          flat_v, rows_v, lin_v, s_v, q_v, sem_g, sem_l):
        wid = lax.axis_index("s") * NC + lax.axis_index("c")
        base = wid * bpw

        pltpu.sync_copy(xcat_hbm.at[pl.ds(base * F, n_idx)], flat_v)

        def idx_body(j, _):
            p0 = j * L
            pos = p0 + lax.iota(jnp.int32, L)
            off = (pos % F) * V
            flat_v[pl.ds(p0, L)] = flat_v[pl.ds(p0, L)] + off
            return ()
        lax.fori_loop(0, n_idx // L, idx_body, ())

        hs = []
        for c in range(n_ch):
            sl = pl.ds(c * CH, CH)
            hs.append(pltpu.async_copy(
                int_hbm.at[flat_v.at[sl]], rows_v.at[sl], sem_g))
            hs.append(pltpu.async_copy(
                lin_hbm.at[flat_v.at[sl]], lin_v.at[sl], sem_l))
        for h in hs:
            h.wait()

        def acc_body(s, _):
            r0 = s * F
            a_lo = rows_v[r0, pl.ds(0, L)]
            a_hi = rows_v[r0, pl.ds(L, L)]
            q_lo = a_lo * a_lo
            q_hi = a_hi * a_hi
            for f in range(1, F):
                v_lo = rows_v[r0 + f, pl.ds(0, L)]
                v_hi = rows_v[r0 + f, pl.ds(L, L)]
                a_lo = a_lo + v_lo
                a_hi = a_hi + v_hi
                q_lo = q_lo + v_lo * v_lo
                q_hi = q_hi + v_hi * v_hi
            s_v[s, pl.ds(0, L)] = a_lo
            s_v[s, pl.ds(L, L)] = a_hi
            q_v[s, pl.ds(0, L)] = q_lo
            q_v[s, pl.ds(L, L)] = q_hi
            return ()
        lax.fori_loop(0, bpw, acc_body, ())

        pltpu.sync_copy(s_v, s_hbm.at[pl.ds(base, bpw)])
        pltpu.sync_copy(q_v, q_hbm.at[pl.ds(base, bpw)])
        pltpu.sync_copy(lin_v, linraw_hbm.at[pl.ds(base * F, n_idx)])

    return k(int_flat, lin_flat, xcat_flat)


def _tc_combine(s_cat, q_cat, lin_raw, x_numeric, num_vecs, bias2d):
    B = s_cat.shape[0]

    def body(s_ref, q_ref, lin_ref, xn_ref, nv_ref, b_ref, o_ref):
        nv = nv_ref[...]
        xn = xn_ref[...]
        s_tot = s_ref[...]
        q_tot = q_ref[...]
        for n in range(xn.shape[1]):
            v = xn[:, n:n + 1] * nv[n:n + 1, :]
            s_tot = s_tot + v
            q_tot = q_tot + v * v
        inter = 0.5 * jnp.sum(s_tot * s_tot - q_tot, axis=1, keepdims=True)
        lin = jnp.sum(lin_ref[...], axis=1, keepdims=True)
        o_ref[...] = b_ref[...] + lin + inter

    return pl.pallas_call(
        body,
        out_shape=jax.ShapeDtypeStruct((B, 1), jnp.float32),
    )(s_cat, q_cat, lin_raw, x_numeric, num_vecs, bias2d)


def kernel(x_numeric, x_categorical, lin_tables, int_tables, num_vecs, bias):
    B, F = x_categorical.shape
    _, V, D = int_tables.shape
    int_flat = int_tables.reshape(F * V, D)
    lin_flat = lin_tables.reshape(F * V)
    xcat_flat = x_categorical.reshape(B * F)
    s_cat, q_cat, lin_raw = _sc_gather(
        int_flat, lin_flat, xcat_flat, B=B, F=F, V=V, D=D)
    out = _tc_combine(s_cat, q_cat, lin_raw.reshape(B, F),
                      x_numeric, num_vecs, bias.reshape(1, 1))
    return out.reshape(B)

# --- scband reference (transcript-rebuilt; emitter-appended) ---
"""Pipeline reference for scband-factorization-machine-17291538334347 (READ-ONLY COPY).

The authoritative reference and input builder live on the scoring server;
editing this copy changes nothing except your own understanding.
"""

import jax, jax.numpy as jnp
import numpy as np

B = 4096
F = 26
V = 100000
D = 32
NN = 13


def setup_inputs(seed: int = 0) -> dict:
    key = jax.random.key(seed)
    ks = jax.random.split(key, 6)
    x_numeric = jax.random.normal(ks[0], (B, NN), dtype=jnp.float32)
    x_categorical = jax.random.randint(ks[1], (B, F), 0, V, dtype=jnp.int32)
    # Learned parameters (stacked per-field embedding tables; all fields share vocab size V)
    lin_tables = jax.random.normal(ks[2], (F, V, 1), dtype=jnp.float32) * 0.01
    int_tables = jax.random.normal(ks[3], (F, V, D), dtype=jnp.float32) * 0.01
    num_vecs = jax.random.normal(ks[4], (NN, D), dtype=jnp.float32)
    bias = jnp.zeros((1,), dtype=jnp.float32)
    return {
        "x_numeric": x_numeric,
        "x_categorical": x_categorical,
        "lin_tables": lin_tables,
        "int_tables": int_tables,
        "num_vecs": num_vecs,
        "bias": bias,
    }


def reference(x_numeric, x_categorical, lin_tables, int_tables, num_vecs, bias):
    # Per-field embedding gather: table_i[x_categorical[:, i]]
    gather = jax.vmap(lambda tbl, idx: jnp.take(tbl, idx, axis=0), in_axes=(0, 1))
    # Linear (first-order) terms: [F, B, 1] -> [B, F] -> sum -> [B, 1]
    cat_lin = gather(lin_tables, x_categorical)
    linear_terms = bias + jnp.sum(jnp.transpose(cat_lin[:, :, 0], (1, 0)), axis=1, keepdims=True)
    # Second-order interaction vectors: [F, B, D] -> [B, F, D]
    cat_vecs = jnp.transpose(gather(int_tables, x_categorical), (1, 0, 2))
    numeric_vecs = x_numeric[:, :, None] * num_vecs[None, :, :]  # [B, NN, D]
    all_vectors = jnp.concatenate([cat_vecs, numeric_vecs], axis=1)  # [B, F+NN, D]
    # dropout_rate=0.0 -> identity (eval mode)
    sum_of_squares = jnp.sum(all_vectors, axis=1) ** 2
    square_of_sums = jnp.sum(all_vectors ** 2, axis=1)
    interaction_terms = 0.5 * jnp.sum(sum_of_squares - square_of_sums, axis=1, keepdims=True)
    logits = linear_terms + interaction_terms
    return jnp.squeeze(logits, axis=1)

if __name__ == "__main__":
    import jax
    _d = setup_inputs()
    print(jax.jit(kernel)(*tuple(_d.values())))

</pallas_src>

<mosaic_0001>
#map = affine_map<(d0, d1) -> (0, 0)>
#map1 = affine_map<(d0, d1) -> (0)>
module attributes {stable_mosaic.version = 14 : i64} {
  func.func @k(%arg0: i32, %arg1: i32, %arg2: memref<2600000x32xf32, #tpu.memory_space<hbm>>, %arg3: memref<2600000xf32, #tpu.memory_space<hbm>>, %arg4: memref<106496xi32, #tpu.memory_space<hbm>>, %arg5: memref<4096x32xf32, #tpu.memory_space<hbm>>, %arg6: memref<4096x32xf32, #tpu.memory_space<hbm>>, %arg7: memref<106496xf32, #tpu.memory_space<hbm>>, %arg8: memref<3328xi32, #tpu.memory_space<vmem>>, %arg9: memref<3328x32xf32, #tpu.memory_space<vmem>>, %arg10: memref<3328xf32, #tpu.memory_space<vmem>>, %arg11: memref<128x32xf32, #tpu.memory_space<vmem>>, %arg12: memref<128x32xf32, #tpu.memory_space<vmem>>, %arg13: memref<!tpu.dma_semaphore, #tpu.memory_space<semaphore_mem>>, %arg14: memref<!tpu.dma_semaphore, #tpu.memory_space<semaphore_mem>>) attributes {dimension_semantics = [#tpu.dimension_semantics<core_parallel>, #tpu.dimension_semantics<subcore_parallel>], iteration_bounds = array<i64: 2, 16>, scalar_prefetch = 0 : i64, scratch_operands = 7 : i64, tpu.core_type = #tpu.core_type<sc_vector_subcore>, window_params = [{transform_indices = #map}, {transform_indices = #map1}, {transform_indices = #map1}, {transform_indices = #map}, {transform_indices = #map}, {transform_indices = #map1}]} {
    %mul3A = arith.constant 2 : i32
    %mul3A_0 = arith.muli %arg1, %mul3A : i32
    %add3A = arith.addi %mul3A_0, %arg0 : i32
    %mul3A_1 = arith.constant 128 : i32
    %mul3A_2 = arith.muli %add3A, %mul3A_1 : i32
    %mul3A_3 = arith.constant 26 : i32
    %mul3A_4 = arith.muli %mul3A_2, %mul3A_3 : i32
    "tpu.region"() ({
      %run_scoped3A = tpu.sem_alloc : memref<!tpu.dma_semaphore, #tpu.memory_space<semaphore_mem>>
      %dma_start3A_742 = tpu.memref_slice %arg4[%mul3A_4] : memref<106496xi32, #tpu.memory_space<hbm>> -> memref<3328xi32, #tpu.memory_space<hbm>>
      %dma_start3A_743 = tpu.memref_slice %arg4[%mul3A_4] : memref<106496xi32, #tpu.memory_space<hbm>> -> memref<3328xi32, #tpu.memory_space<hbm>>
      tpu.enqueue_dma source(%dma_start3A_743 : memref<3328xi32, #tpu.memory_space<hbm>>) target(%arg8 : memref<3328xi32, #tpu.memory_space<vmem>>) target_semaphore(%run_scoped3A : memref<!tpu.dma_semaphore, #tpu.memory_space<semaphore_mem>>)
      %dma_wait3A_744 = tpu.memref_slice %arg4[%mul3A_4] : memref<106496xi32, #tpu.memory_space<hbm>> -> memref<3328xi32, #tpu.memory_space<hbm>>
      %dma_wait3A_745 = tpu.memref_slice %arg4[%mul3A_4] : memref<106496xi32, #tpu.memory_space<hbm>> -> memref<3328xi32, #tpu.memory_space<hbm>>
      tpu.wait_dma2 semaphore(%run_scoped3A : memref<!tpu.dma_semaphore, #tpu.memory_space<semaphore_mem>>) src(%dma_wait3A_745 : memref<3328xi32, #tpu.memory_space<hbm>>) dst(%arg8 : memref<3328xi32, #tpu.memory_space<vmem>>)
      tpu.yield
    }) : () -> ()
    %scan3A = arith.constant 0 : i32
    %scan3A_5 = arith.constant 208 : i32
    %scan3A_6 = arith.addi %scan3A, %scan3A_5 : i32
    %scan3A_7 = arith.constant 1 : i32
    scf.for %scan3A_742 = %scan3A to %scan3A_6 step %scan3A_7  : i32 {
      %mul3A_743 = arith.constant 16 : i32
      %mul3A_744 = arith.muli %scan3A_742, %mul3A_743 : i32
      %iota3A = tpu.iota {dimensions = array<i32: 0>} : vector<16xi32>
      %add3A_745 = vector.broadcast %mul3A_744 : i32 to vector<16xi32>
      %add3A_746 = arith.addi %add3A_745, %iota3A : vector<16xi32>
      %jit3A = arith.constant 26 : i32
      %eq3A = arith.constant 0 : i32
      %eq3A_747 = arith.cmpi eq, %jit3A, %eq3A : i32
      %jit3A_748 = arith.constant 1 : i32
      %select_n3A = arith.select %eq3A_747, %jit3A_748, %jit3A : i32
      %rem3A = vector.broadcast %select_n3A : i32 to vector<16xi32>
      %rem3A_749 = arith.remsi %add3A_746, %rem3A : vector<16xi32>
      %ne3A = arith.constant 0 : i32
      %ne3A_750 = vector.broadcast %ne3A : i32 to vector<16xi32>
      %ne3A_751 = arith.cmpi ne, %rem3A_749, %ne3A_750 : vector<16xi32>
      %lt3A = arith.constant 0 : i32
      %lt3A_752 = vector.broadcast %lt3A : i32 to vector<16xi32>
      %lt3A_753 = arith.cmpi slt, %rem3A_749, %lt3A_752 : vector<16xi32>
      %lt3A_754 = arith.constant 0 : i32
      %lt3A_755 = arith.cmpi slt, %select_n3A, %lt3A_754 : i32
      %ne3A_756 = vector.broadcast %lt3A_755 : i1 to vector<16xi1>
      %ne3A_757 = vector.broadcast %ne3A_756 : vector<16xi1> to vector<16xi1>
      %ne3A_758 = arith.xori %lt3A_753, %ne3A_757 : vector<16xi1>
      %and3A = arith.andi %ne3A_758, %ne3A_751 : vector<16xi1>
      %add3A_759 = vector.broadcast %select_n3A : i32 to vector<16xi32>
      %add3A_760 = arith.addi %rem3A_749, %add3A_759 : vector<16xi32>
      %select_n3A_761 = arith.select %and3A, %add3A_760, %rem3A_749 : vector<16xi1>, vector<16xi32>
      %mul3A_762 = arith.constant 100000 : i32
      %mul3A_763 = vector.broadcast %mul3A_762 : i32 to vector<16xi32>
      %mul3A_764 = arith.muli %select_n3A_761, %mul3A_763 : vector<16xi32>
      %get3A = arith.index_cast %mul3A_744 : i32 to index
      %get3A_765 = tpu.vector_load %arg8[%get3A] {strides = array<i32>} : memref<3328xi32, #tpu.memory_space<vmem>>, vector<16xi32>,
      %get3A_766 = vector.shape_cast %get3A_765 : vector<16xi32> to vector<16xi32>
      %add3A_767 = arith.addi %get3A_766, %mul3A_764 : vector<16xi32>
      %swap3A = arith.index_cast %mul3A_744 : i32 to index
      %swap3A_768 = tpu.vector_load %arg8[%swap3A] {strides = array<i32>} : memref<3328xi32, #tpu.memory_space<vmem>>, vector<16xi32>,
      %swap3A_769 = vector.shape_cast %swap3A_768 : vector<16xi32> to vector<16xi32>
      %swap3A_770 = vector.shape_cast %add3A_767 : vector<16xi32> to vector<16xi32>
      tpu.vector_store %arg8[%swap3A], %swap3A_770 {strides = array<i32>} : memref<3328xi32, #tpu.memory_space<vmem>>, vector<16xi32>,
    }
    %scan3A_8 = arith.constant 208 : i32
    %dma_start3A = arith.constant 0 : i32
    %dma_start3A_9 = arith.constant 0 : i32
    %dma_start3A_10 = tpu.memref_slice %arg9[%dma_start3A, %dma_start3A_9] : memref<3328x32xf32, #tpu.memory_space<vmem>> -> memref<128x32xf32, #tpu.memory_space<vmem>>
    %dma_start3A_11 = arith.constant 0 : i32
    %dma_start3A_12 = tpu.memref_slice %arg8[%dma_start3A_11] : memref<3328xi32, #tpu.memory_space<vmem>> -> memref<128xi32, #tpu.memory_space<vmem>>
    %dma_start3A_13 = arith.constant 0 : i32
    %dma_start3A_14 = arith.constant 0 : i32
    %dma_start3A_15 = tpu.memref_slice %arg2[%dma_start3A_13, %dma_start3A_14] : memref<2600000x32xf32, #tpu.memory_space<hbm>> -> memref<2600000x32xf32, #tpu.memory_space<hbm>>
    tpu.enqueue_indirect_dma source(%dma_start3A_15 : memref<2600000x32xf32, #tpu.memory_space<hbm>>) target(%dma_start3A_10 : memref<128x32xf32, #tpu.memory_space<vmem>>) offsets(%dma_start3A_12 : memref<128xi32, #tpu.memory_space<vmem>>) semaphore(%arg13 : memref<!tpu.dma_semaphore, #tpu.memory_space<semaphore_mem>>)
    %dma_start3A_16 = arith.constant 0 : i32
    %dma_start3A_17 = tpu.memref_slice %arg10[%dma_start3A_16] : memref<3328xf32, #tpu.memory_space<vmem>> -> memref<128xf32, #tpu.memory_space<vmem>>
    %dma_start3A_18 = arith.constant 0 : i32
    %dma_start3A_19 = tpu.memref_slice %arg8[%dma_start3A_18] : memref<3328xi32, #tpu.memory_space<vmem>> -> memref<128xi32, #tpu.memory_space<vmem>>
    %dma_start3A_20 = arith.constant 0 : i32
    %dma_start3A_21 = tpu.memref_slice %arg3[%dma_start3A_20] : memref<2600000xf32, #tpu.memory_space<hbm>> -> memref<2600000xf32, #tpu.memory_space<hbm>>
    tpu.enqueue_indirect_dma source(%dma_start3A_21 : memref<2600000xf32, #tpu.memory_space<hbm>>) target(%dma_start3A_17 : memref<128xf32, #tpu.memory_space<vmem>>) offsets(%dma_start3A_19 : memref<128xi32, #tpu.memory_space<vmem>>) semaphore(%arg14 : memref<!tpu.dma_semaphore, #tpu.memory_space<semaphore_mem>>)
    %dma_start3A_22 = arith.constant 128 : i32
    %dma_start3A_23 = arith.constant 0 : i32
    %dma_start3A_24 = tpu.memref_slice %arg9[%dma_start3A_22, %dma_start3A_23] : memref<3328x32xf32, #tpu.memory_space<vmem>> -> memref<128x32xf32, #tpu.memory_space<vmem>>
    %dma_start3A_25 = arith.constant 128 : i32
    %dma_start3A_26 = tpu.memref_slice %arg8[%dma_start3A_25] : memref<3328xi32, #tpu.memory_space<vmem>> -> memref<128xi32, #tpu.memory_space<vmem>>
    %dma_start3A_27 = arith.constant 0 : i32
    %dma_start3A_28 = arith.constant 0 : i32
    %dma_start3A_29 = tpu.memref_slice %arg2[%dma_start3A_27, %dma_start3A_28] : memref<2600000x32xf32, #tpu.memory_space<hbm>> -> memref<2600000x32xf32, #tpu.memory_space<hbm>>
    tpu.enqueue_indirect_dma source(%dma_start3A_29 : memref<2600000x32xf32, #tpu.memory_space<hbm>>) target(%dma_start3A_24 : memref<128x32xf32, #tpu.memory_space<vmem>>) offsets(%dma_start3A_26 : memref<128xi32, #tpu.memory_space<vmem>>) semaphore(%arg13 : memref<!tpu.dma_semaphore, #tpu.memory_space<semaphore_mem>>)
    %dma_start3A_30 = arith.constant 128 : i32
    %dma_start3A_31 = tpu.memref_slice %arg10[%dma_start3A_30] : memref<3328xf32, #tpu.memory_space<vmem>> -> memref<128xf32, #tpu.memory_space<vmem>>
    %dma_start3A_32 = arith.constant 128 : i32
    %dma_start3A_33 = tpu.memref_slice %arg8[%dma_start3A_32] : memref<3328xi32, #tpu.memory_space<vmem>> -> memref<128xi32, #tpu.memory_space<vmem>>
    %dma_start3A_34 = arith.constant 0 : i32
    %dma_start3A_35 = tpu.memref_slice %arg3[%dma_start3A_34] : memref<2600000xf32, #tpu.memory_space<hbm>> -> memref<2600000xf32, #tpu.memory_space<hbm>>
    tpu.enqueue_indirect_dma source(%dma_start3A_35 : memref<2600000xf32, #tpu.memory_space<hbm>>) target(%dma_start3A_31 : memref<128xf32, #tpu.memory_space<vmem>>) offsets(%dma_start3A_33 : memref<128xi32, #tpu.memory_space<vmem>>) semaphore(%arg14 : memref<!tpu.dma_semaphore, #tpu.memory_space<semaphore_mem>>)
    %dma_start3A_36 = arith.constant 256 : i32
    %dma_start3A_37 = arith.constant 0 : i32
    %dma_start3A_38 = tpu.memref_slice %arg9[%dma_start3A_36, %dma_start3A_37] : memref<3328x32xf32, #tpu.memory_space<vmem>> -> memref<128x32xf32, #tpu.memory_space<vmem>>
    %dma_start3A_39 = arith.constant 256 : i32
    %dma_start3A_40 = tpu.memref_slice %arg8[%dma_start3A_39] : memref<3328xi32, #tpu.memory_space<vmem>> -> memref<128xi32, #tpu.memory_space<vmem>>
    %dma_start3A_41 = arith.constant 0 : i32
    %dma_start3A_42 = arith.constant 0 : i32
    %dma_start3A_43 = tpu.memref_slice %arg2[%dma_start3A_41, %dma_start3A_42] : memref<2600000x32xf32, #tpu.memory_space<hbm>> -> memref<2600000x32xf32, #tpu.memory_space<hbm>>
    tpu.enqueue_indirect_dma source(%dma_start3A_43 : memref<2600000x32xf32, #tpu.memory_space<hbm>>) target(%dma_start3A_38 : memref<128x32xf32, #tpu.memory_space<vmem>>) offsets(%dma_start3A_40 : memref<128xi32, #tpu.memory_space<vmem>>) semaphore(%arg13 : memref<!tpu.dma_semaphore, #tpu.memory_space<semaphore_mem>>)
    %dma_start3A_44 = arith.constant 256 : i32
    %dma_start3A_45 = tpu.memref_slice %arg10[%dma_start3A_44] : memref<3328xf32, #tpu.memory_space<vmem>> -> memref<128xf32, #tpu.memory_space<vmem>>
    %dma_start3A_46 = arith.constant 256 : i32
    %dma_start3A_47 = tpu.memref_slice %arg8[%dma_start3A_46] : memref<3328xi32, #tpu.memory_space<vmem>> -> memref<128xi32, #tpu.memory_space<vmem>>
    %dma_start3A_48 = arith.constant 0 : i32
    %dma_start3A_49 = tpu.memref_slice %arg3[%dma_start3A_48] : memref<2600000xf32, #tpu.memory_space<hbm>> -> memref<2600000xf32, #tpu.memory_space<hbm>>
    tpu.enqueue_indirect_dma source(%dma_start3A_49 : memref<2600000xf32, #tpu.memory_space<hbm>>) target(%dma_start3A_45 : memref<128xf32, #tpu.memory_space<vmem>>) offsets(%dma_start3A_47 : memref<128xi32, #tpu.memory_space<vmem>>) semaphore(%arg14 : memref<!tpu.dma_semaphore, #tpu.memory_space<semaphore_mem>>)
    %dma_start3A_50 = arith.constant 384 : i32
    %dma_start3A_51 = arith.constant 0 : i32
    %dma_start3A_52 = tpu.memref_slice %arg9[%dma_start3A_50, %dma_start3A_51] : memref<3328x32xf32, #tpu.memory_space<vmem>> -> memref<128x32xf32, #tpu.memory_space<vmem>>
    %dma_start3A_53 = arith.constant 384 : i32
    %dma_start3A_54 = tpu.memref_slice %arg8[%dma_start3A_53] : memref<3328xi32, #tpu.memory_space<vmem>> -> memref<128xi32, #tpu.memory_space<vmem>>
    %dma_start3A_55 = arith.constant 0 : i32
    %dma_start3A_56 = arith.constant 0 : i32
    %dma_start3A_57 = tpu.memref_slice %arg2[%dma_start3A_55, %dma_start3A_56] : memref<2600000x32xf32, #tpu.memory_space<hbm>> -> memref<2600000x32xf32, #tpu.memory_space<hbm>>
    tpu.enqueue_indirect_dma source(%dma_start3A_57 : memref<2600000x32xf32, #tpu.memory_space<hbm>>) target(%dma_start3A_52 : memref<128x32xf32, #tpu.memory_space<vmem>>) offsets(%dma_start3A_54 : memref<128xi32, #tpu.memory_space<vmem>>) semaphore(%arg13 : memref<!tpu.dma_semaphore, #tpu.memory_space<semaphore_mem>>)
    %dma_start3A_58 = arith.constant 384 : i32
    %dma_start3A_59 = tpu.memref_slice %arg10[%dma_start3A_58] : memref<3328xf32, #tpu.memory_space<vmem>> -> memref<128xf32, #tpu.memory_space<vmem>>
    %dma_start3A_60 = arith.constant 384 : i32
    %dma_start3A_61 = tpu.memref_slice %arg8[%dma_start3A_60] : memref<3328xi32, #tpu.memory_space<vmem>> -> memref<128xi32, #tpu.memory_space<vmem>>
    %dma_start3A_62 = arith.constant 0 : i32
    %dma_start3A_63 = tpu.memref_slice %arg3[%dma_start3A_62] : memref<2600000xf32, #tpu.memory_space<hbm>> -> memref<2600000xf32, #tpu.memory_space<hbm>>
    tpu.enqueue_indirect_dma source(%dma_start3A_63 : memref<2600000xf32, #tpu.memory_space<hbm>>) target(%dma_start3A_59 : memref<128xf32, #tpu.memory_space<vmem>>) offsets(%dma_start3A_61 : memref<128xi32, #tpu.memory_space<vmem>>) semaphore(%arg14 : memref<!tpu.dma_semaphore, #tpu.memory_space<semaphore_mem>>)
    %dma_start3A_64 = arith.constant 512 : i32
    %dma_start3A_65 = arith.constant 0 : i32
    %dma_start3A_66 = tpu.memref_slice %arg9[%dma_start3A_64, %dma_start3A_65] : memref<3328x32xf32, #tpu.memory_space<vmem>> -> memref<128x32xf32, #tpu.memory_space<vmem>>
    %dma_start3A_67 = arith.constant 512 : i32
    %dma_start3A_68 = tpu.memref_slice %arg8[%dma_start3A_67] : memref<3328xi32, #tpu.memory_space<vmem>> -> memref<128xi32, #tpu.memory_space<vmem>>
    %dma_start3A_69 = arith.constant 0 : i32
    %dma_start3A_70 = arith.constant 0 : i32
    %dma_start3A_71 = tpu.memref_slice %arg2[%dma_start3A_69, %dma_start3A_70] : memref<2600000x32xf32, #tpu.memory_space<hbm>> -> memref<2600000x32xf32, #tpu.memory_space<hbm>>
    tpu.enqueue_indirect_dma source(%dma_start3A_71 : memref<2600000x32xf32, #tpu.memory_space<hbm>>) target(%dma_start3A_66 : memref<128x32xf32, #tpu.memory_space<vmem>>) offsets(%dma_start3A_68 : memref<128xi32, #tpu.memory_space<vmem>>) semaphore(%arg13 : memref<!tpu.dma_semaphore, #tpu.memory_space<semaphore_mem>>)
    %dma_start3A_72 = arith.constant 512 : i32
    %dma_start3A_73 = tpu.memref_slice %arg10[%dma_start3A_72] : memref<3328xf32, #tpu.memory_space<vmem>> -> memref<128xf32, #tpu.memory_space<vmem>>
    %dma_start3A_74 = arith.constant 512 : i32
    %dma_start3A_75 = tpu.memref_slice %arg8[%dma_start3A_74] : memref<3328xi32, #tpu.memory_space<vmem>> -> memref<128xi32, #tpu.memory_space<vmem>>
    %dma_start3A_76 = arith.constant 0 : i32
    %dma_start3A_77 = tpu.memref_slice %arg3[%dma_start3A_76] : memref<2600000xf32, #tpu.memory_space<hbm>> -> memref<2600000xf32, #tpu.memory_space<hbm>>
    tpu.enqueue_indirect_dma source(%dma_start3A_77 : memref<2600000xf32, #tpu.memory_space<hbm>>) target(%dma_start3A_73 : memref<128xf32, #tpu.memory_space<vmem>>) offsets(%dma_start3A_75 : memref<128xi32, #tpu.memory_space<vmem>>) semaphore(%arg14 : memref<!tpu.dma_semaphore, #tpu.memory_space<semaphore_mem>>)
    %dma_start3A_78 = arith.constant 640 : i32
    %dma_start3A_79 = arith.constant 0 : i32
    %dma_start3A_80 = tpu.memref_slice %arg9[%dma_start3A_78, %dma_start3A_79] : memref<3328x32xf32, #tpu.memory_space<vmem>> -> memref<128x32xf32, #tpu.memory_space<vmem>>
    %dma_start3A_81 = arith.constant 640 : i32
    %dma_start3A_82 = tpu.memref_slice %arg8[%dma_start3A_81] : memref<3328xi32, #tpu.memory_space<vmem>> -> memref<128xi32, #tpu.memory_space<vmem>>
    %dma_start3A_83 = arith.constant 0 : i32
    %dma_start3A_84 = arith.constant 0 : i32
    %dma_start3A_85 = tpu.memref_slice %arg2[%dma_start3A_83, %dma_start3A_84] : memref<2600000x32xf32, #tpu.memory_space<hbm>> -> memref<2600000x32xf32, #tpu.memory_space<hbm>>
    tpu.enqueue_indirect_dma source(%dma_start3A_85 : memref<2600000x32xf32, #tpu.memory_space<hbm>>) target(%dma_start3A_80 : memref<128x32xf32, #tpu.memory_space<vmem>>) offsets(%dma_start3A_82 : memref<128xi32, #tpu.memory_space<vmem>>) semaphore(%arg13 : memref<!tpu.dma_semaphore, #tpu.memory_space<semaphore_mem>>)
    %dma_start3A_86 = arith.constant 640 : i32
    %dma_start3A_87 = tpu.memref_slice %arg10[%dma_start3A_86] : memref<3328xf32, #tpu.memory_space<vmem>> -> memref<128xf32, #tpu.memory_space<vmem>>
    %dma_start3A_88 = arith.constant 640 : i32
    %dma_start3A_89 = tpu.memref_slice %arg8[%dma_start3A_88] : memref<3328xi32, #tpu.memory_space<vmem>> -> memref<128xi32, #tpu.memory_space<vmem>>
    %dma_start3A_90 = arith.constant 0 : i32
    %dma_start3A_91 = tpu.memref_slice %arg3[%dma_start3A_90] : memref<2600000xf32, #tpu.memory_space<hbm>> -> memref<2600000xf32, #tpu.memory_space<hbm>>
    tpu.enqueue_indirect_dma source(%dma_start3A_91 : memref<2600000xf32, #tpu.memory_space<hbm>>) target(%dma_start3A_87 : memref<128xf32, #tpu.memory_space<vmem>>) offsets(%dma_start3A_89 : memref<128xi32, #tpu.memory_space<vmem>>) semaphore(%arg14 : memref<!tpu.dma_semaphore, #tpu.memory_space<semaphore_mem>>)
    %dma_start3A_92 = arith.constant 768 : i32
    %dma_start3A_93 = arith.constant 0 : i32
    %dma_start3A_94 = tpu.memref_slice %arg9[%dma_start3A_92, %dma_start3A_93] : memref<3328x32xf32, #tpu.memory_space<vmem>> -> memref<128x32xf32, #tpu.memory_space<vmem>>
    %dma_start3A_95 = arith.constant 768 : i32
    %dma_start3A_96 = tpu.memref_slice %arg8[%dma_start3A_95] : memref<3328xi32, #tpu.memory_space<vmem>> -> memref<128xi32, #tpu.memory_space<vmem>>
    %dma_start3A_97 = arith.constant 0 : i32
    %dma_start3A_98 = arith.constant 0 : i32
    %dma_start3A_99 = tpu.memref_slice %arg2[%dma_start3A_97, %dma_start3A_98] : memref<2600000x32xf32, #tpu.memory_space<hbm>> -> memref<2600000x32xf32, #tpu.memory_space<hbm>>
    tpu.enqueue_indirect_dma source(%dma_start3A_99 : memref<2600000x32xf32, #tpu.memory_space<hbm>>) target(%dma_start3A_94 : memref<128x32xf32, #tpu.memory_space<vmem>>) offsets(%dma_start3A_96 : memref<128xi32, #tpu.memory_space<vmem>>) semaphore(%arg13 : memref<!tpu.dma_semaphore, #tpu.memory_space<semaphore_mem>>)
    %dma_start3A_100 = arith.constant 768 : i32
    %dma_start3A_101 = tpu.memref_slice %arg10[%dma_start3A_100] : memref<3328xf32, #tpu.memory_space<vmem>> -> memref<128xf32, #tpu.memory_space<vmem>>
    %dma_start3A_102 = arith.constant 768 : i32
    %dma_start3A_103 = tpu.memref_slice %arg8[%dma_start3A_102] : memref<3328xi32, #tpu.memory_space<vmem>> -> memref<128xi32, #tpu.memory_space<vmem>>
    %dma_start3A_104 = arith.constant 0 : i32
    %dma_start3A_105 = tpu.memref_slice %arg3[%dma_start3A_104] : memref<2600000xf32, #tpu.memory_space<hbm>> -> memref<2600000xf32, #tpu.memory_space<hbm>>
    tpu.enqueue_indirect_dma source(%dma_start3A_105 : memref<2600000xf32, #tpu.memory_space<hbm>>) target(%dma_start3A_101 : memref<128xf32, #tpu.memory_space<vmem>>) offsets(%dma_start3A_103 : memref<128xi32, #tpu.memory_space<vmem>>) semaphore(%arg14 : memref<!tpu.dma_semaphore, #tpu.memory_space<semaphore_mem>>)
    %dma_start3A_106 = arith.constant 896 : i32
    %dma_start3A_107 = arith.constant 0 : i32
    %dma_start3A_108 = tpu.memref_slice %arg9[%dma_start3A_106, %dma_start3A_107] : memref<3328x32xf32, #tpu.memory_space<vmem>> -> memref<128x32xf32, #tpu.memory_space<vmem>>
    %dma_start3A_109 = arith.constant 896 : i32
    %dma_start3A_110 = tpu.memref_slice %arg8[%dma_start3A_109] : memref<3328xi32, #tpu.memory_space<vmem>> -> memref<128xi32, #tpu.memory_space<vmem>>
    %dma_start3A_111 = arith.constant 0 : i32
    %dma_start3A_112 = arith.constant 0 : i32
    %dma_start3A_113 = tpu.memref_slice %arg2[%dma_start3A_111, %dma_start3A_112] : memref<2600000x32xf32, #tpu.memory_space<hbm>> -> memref<2600000x32xf32, #tpu.memory_space<hbm>>
    tpu.enqueue_indirect_dma source(%dma_start3A_113 : memref<2600000x32xf32, #tpu.memory_space<hbm>>) target(%dma_start3A_108 : memref<128x32xf32, #tpu.memory_space<vmem>>) offsets(%dma_start3A_110 : memref<128xi32, #tpu.memory_space<vmem>>) semaphore(%arg13 : memref<!tpu.dma_semaphore, #tpu.memory_space<semaphore_mem>>)
    %dma_start3A_114 = arith.constant 896 : i32
    %dma_start3A_115 = tpu.memref_slice %arg10[%dma_start3A_114] : memref<3328xf32, #tpu.memory_space<vmem>> -> memref<128xf32, #tpu.memory_space<vmem>>
    %dma_start3A_116 = arith.constant 896 : i32
    %dma_start3A_117 = tpu.memref_slice %arg8[%dma_start3A_116] : memref<3328xi32, #tpu.memory_space<vmem>> -> memref<128xi32, #tpu.memory_space<vmem>>
    %dma_start3A_118 = arith.constant 0 : i32
    %dma_start3A_119 = tpu.memref_slice %arg3[%dma_start3A_118] : memref<2600000xf32, #tpu.memory_space<hbm>> -> memref<2600000xf32, #tpu.memory_space<hbm>>
    tpu.enqueue_indirect_dma source(%dma_start3A_119 : memref<2600000xf32, #tpu.memory_space<hbm>>) target(%dma_start3A_115 : memref<128xf32, #tpu.memory_space<vmem>>) offsets(%dma_start3A_117 : memref<128xi32, #tpu.memory_space<vmem>>) semaphore(%arg14 : memref<!tpu.dma_semaphore, #tpu.memory_space<semaphore_mem>>)
    %dma_start3A_120 = arith.constant 1024 : i32
    %dma_start3A_121 = arith.constant 0 : i32
    %dma_start3A_122 = tpu.memref_slice %arg9[%dma_start3A_120, %dma_start3A_121] : memref<3328x32xf32, #tpu.memory_space<vmem>> -> memref<128x32xf32, #tpu.memory_space<vmem>>
    %dma_start3A_123 = arith.constant 1024 : i32
    %dma_start3A_124 = tpu.memref_slice %arg8[%dma_start3A_123] : memref<3328xi32, #tpu.memory_space<vmem>> -> memref<128xi32, #tpu.memory_space<vmem>>
    %dma_start3A_125 = arith.constant 0 : i32
    %dma_start3A_126 = arith.constant 0 : i32
    %dma_start3A_127 = tpu.memref_slice %arg2[%dma_start3A_125, %dma_start3A_126] : memref<2600000x32xf32, #tpu.memory_space<hbm>> -> memref<2600000x32xf32, #tpu.memory_space<hbm>>
    tpu.enqueue_indirect_dma source(%dma_start3A_127 : memref<2600000x32xf32, #tpu.memory_space<hbm>>) target(%dma_start3A_122 : memref<128x32xf32, #tpu.memory_space<vmem>>) offsets(%dma_start3A_124 : memref<128xi32, #tpu.memory_space<vmem>>) semaphore(%arg13 : memref<!tpu.dma_semaphore, #tpu.memory_space<semaphore_mem>>)
    %dma_start3A_128 = arith.constant 1024 : i32
    %dma_start3A_129 = tpu.memref_slice %arg10[%dma_start3A_128] : memref<3328xf32, #tpu.memory_space<vmem>> -> memref<128xf32, #tpu.memory_space<vmem>>
    %dma_start3A_130 = arith.constant 1024 : i32
    %dma_start3A_131 = tpu.memref_slice %arg8[%dma_start3A_130] : memref<3328xi32, #tpu.memory_space<vmem>> -> memref<128xi32, #tpu.memory_space<vmem>>
    %dma_start3A_132 = arith.constant 0 : i32
    %dma_start3A_133 = tpu.memref_slice %arg3[%dma_start3A_132] : memref<2600000xf32, #tpu.memory_space<hbm>> -> memref<2600000xf32, #tpu.memory_space<hbm>>
    tpu.enqueue_indirect_dma source(%dma_start3A_133 : memref<2600000xf32, #tpu.memory_space<hbm>>) target(%dma_start3A_129 : memref<128xf32, #tpu.memory_space<vmem>>) offsets(%dma_start3A_131 : memref<128xi32, #tpu.memory_space<vmem>>) semaphore(%arg14 : memref<!tpu.dma_semaphore, #tpu.memory_space<semaphore_mem>>)
    %dma_start3A_134 = arith.constant 1152 : i32
    %dma_start3A_135 = arith.constant 0 : i32
    %dma_start3A_136 = tpu.memref_slice %arg9[%dma_start3A_134, %dma_start3A_135] : memref<3328x32xf32, #tpu.memory_space<vmem>> -> memref<128x32xf32, #tpu.memory_space<vmem>>
    %dma_start3A_137 = arith.constant 1152 : i32
    %dma_start3A_138 = tpu.memref_slice %arg8[%dma_start3A_137] : memref<3328xi32, #tpu.memory_space<vmem>> -> memref<128xi32, #tpu.memory_space<vmem>>
    %dma_start3A_139 = arith.constant 0 : i32
    %dma_start3A_140 = arith.constant 0 : i32
    %dma_start3A_141 = tpu.memref_slice %arg2[%dma_start3A_139, %dma_start3A_140] : memref<2600000x32xf32, #tpu.memory_space<hbm>> -> memref<2600000x32xf32, #tpu.memory_space<hbm>>
    tpu.enqueue_indirect_dma source(%dma_start3A_141 : memref<2600000x32xf32, #tpu.memory_space<hbm>>) target(%dma_start3A_136 : memref<128x32xf32, #tpu.memory_space<vmem>>) offsets(%dma_start3A_138 : memref<128xi32, #tpu.memory_space<vmem>>) semaphore(%arg13 : memref<!tpu.dma_semaphore, #tpu.memory_space<semaphore_mem>>)
    %dma_start3A_142 = arith.constant 1152 : i32
    %dma_start3A_143 = tpu.memref_slice %arg10[%dma_start3A_142] : memref<3328xf32, #tpu.memory_space<vmem>> -> memref<128xf32, #tpu.memory_space<vmem>>
    %dma_start3A_144 = arith.constant 1152 : i32
    %dma_start3A_145 = tpu.memref_slice %arg8[%dma_start3A_144] : memref<3328xi32, #tpu.memory_space<vmem>> -> memref<128xi32, #tpu.memory_space<vmem>>
    %dma_start3A_146 = arith.constant 0 : i32
    %dma_start3A_147 = tpu.memref_slice %arg3[%dma_start3A_146] : memref<2600000xf32, #tpu.memory_space<hbm>> -> memref<2600000xf32, #tpu.memory_space<hbm>>
    tpu.enqueue_indirect_dma source(%dma_start3A_147 : memref<2600000xf32, #tpu.memory_space<hbm>>) target(%dma_start3A_143 : memref<128xf32, #tpu.memory_space<vmem>>) offsets(%dma_start3A_145 : memref<128xi32, #tpu.memory_space<vmem>>) semaphore(%arg14 : memref<!tpu.dma_semaphore, #tpu.memory_space<semaphore_mem>>)
    %dma_start3A_148 = arith.constant 1280 : i32
    %dma_start3A_149 = arith.constant 0 : i32
    %dma_start3A_150 = tpu.memref_slice %arg9[%dma_start3A_148, %dma_start3A_149] : memref<3328x32xf32, #tpu.memory_space<vmem>> -> memref<128x32xf32, #tpu.memory_space<vmem>>
    %dma_start3A_151 = arith.constant 1280 : i32
    %dma_start3A_152 = tpu.memref_slice %arg8[%dma_start3A_151] : memref<3328xi32, #tpu.memory_space<vmem>> -> memref<128xi32, #tpu.memory_space<vmem>>
    %dma_start3A_153 = arith.constant 0 : i32
    %dma_start3A_154 = arith.constant 0 : i32
    %dma_start3A_155 = tpu.memref_slice %arg2[%dma_start3A_153, %dma_start3A_154] : memref<2600000x32xf32, #tpu.memory_space<hbm>> -> memref<2600000x32xf32, #tpu.memory_space<hbm>>
    tpu.enqueue_indirect_dma source(%dma_start3A_155 : memref<2600000x32xf32, #tpu.memory_space<hbm>>) target(%dma_start3A_150 : memref<128x32xf32, #tpu.memory_space<vmem>>) offsets(%dma_start3A_152 : memref<128xi32, #tpu.memory_space<vmem>>) semaphore(%arg13 : memref<!tpu.dma_semaphore, #tpu.memory_space<semaphore_mem>>)
    %dma_start3A_156 = arith.constant 1280 : i32
    %dma_start3A_157 = tpu.memref_slice %arg10[%dma_start3A_156] : memref<3328xf32, #tpu.memory_space<vmem>> -> memref<128xf32, #tpu.memory_space<vmem>>
    %dma_start3A_158 = arith.constant 1280 : i32
    %dma_start3A_159 = tpu.memref_slice %arg8[%dma_start3A_158] : memref<3328xi32, #tpu.memory_space<vmem>> -> memref<128xi32, #tpu.memory_space<vmem>>
    %dma_start3A_160 = arith.constant 0 : i32
    %dma_start3A_161 = tpu.memref_slice %arg3[%dma_start3A_160] : memref<2600000xf32, #tpu.memory_space<hbm>> -> memref<2600000xf32, #tpu.memory_space<hbm>>
    tpu.enqueue_indirect_dma source(%dma_start3A_161 : memref<2600000xf32, #tpu.memory_space<hbm>>) target(%dma_start3A_157 : memref<128xf32, #tpu.memory_space<vmem>>) offsets(%dma_start3A_159 : memref<128xi32, #tpu.memory_space<vmem>>) semaphore(%arg14 : memref<!tpu.dma_semaphore, #tpu.memory_space<semaphore_mem>>)
    %dma_start3A_162 = arith.constant 1408 : i32
    %dma_start3A_163 = arith.constant 0 : i32
    %dma_start3A_164 = tpu.memref_slice %arg9[%dma_start3A_162, %dma_start3A_163] : memref<3328x32xf32, #tpu.memory_space<vmem>> -> memref<128x32xf32, #tpu.memory_space<vmem>>
    %dma_start3A_165 = arith.constant 1408 : i32
    %dma_start3A_166 = tpu.memref_slice %arg8[%dma_start3A_165] : memref<3328xi32, #tpu.memory_space<vmem>> -> memref<128xi32, #tpu.memory_space<vmem>>
    %dma_start3A_167 = arith.constant 0 : i32
    %dma_start3A_168 = arith.constant 0 : i32
    %dma_start3A_169 = tpu.memref_slice %arg2[%dma_start3A_167, %dma_start3A_168] : memref<2600000x32xf32, #tpu.memory_space<hbm>> -> memref<2600000x32xf32, #tpu.memory_space<hbm>>
    tpu.enqueue_indirect_dma source(%dma_start3A_169 : memref<2600000x32xf32, #tpu.memory_space<hbm>>) target(%dma_start3A_164 : memref<128x32xf32, #tpu.memory_space<vmem>>) offsets(%dma_start3A_166 : memref<128xi32, #tpu.memory_space<vmem>>) semaphore(%arg13 : memref<!tpu.dma_semaphore, #tpu.memory_space<semaphore_mem>>)
    %dma_start3A_170 = arith.constant 1408 : i32
    %dma_start3A_171 = tpu.memref_slice %arg10[%dma_start3A_170] : memref<3328xf32, #tpu.memory_space<vmem>> -> memref<128xf32, #tpu.memory_space<vmem>>
    %dma_start3A_172 = arith.constant 1408 : i32
    %dma_start3A_173 = tpu.memref_slice %arg8[%dma_start3A_172] : memref<3328xi32, #tpu.memory_space<vmem>> -> memref<128xi32, #tpu.memory_space<vmem>>
    %dma_start3A_174 = arith.constant 0 : i32
    %dma_start3A_175 = tpu.memref_slice %arg3[%dma_start3A_174] : memref<2600000xf32, #tpu.memory_space<hbm>> -> memref<2600000xf32, #tpu.memory_space<hbm>>
    tpu.enqueue_indirect_dma source(%dma_start3A_175 : memref<2600000xf32, #tpu.memory_space<hbm>>) target(%dma_start3A_171 : memref<128xf32, #tpu.memory_space<vmem>>) offsets(%dma_start3A_173 : memref<128xi32, #tpu.memory_space<vmem>>) semaphore(%arg14 : memref<!tpu.dma_semaphore, #tpu.memory_space<semaphore_mem>>)
    %dma_start3A_176 = arith.constant 1536 : i32
    %dma_start3A_177 = arith.constant 0 : i32
    %dma_start3A_178 = tpu.memref_slice %arg9[%dma_start3A_176, %dma_start3A_177] : memref<3328x32xf32, #tpu.memory_space<vmem>> -> memref<128x32xf32, #tpu.memory_space<vmem>>
    %dma_start3A_179 = arith.constant 1536 : i32
    %dma_start3A_180 = tpu.memref_slice %arg8[%dma_start3A_179] : memref<3328xi32, #tpu.memory_space<vmem>> -> memref<128xi32, #tpu.memory_space<vmem>>
    %dma_start3A_181 = arith.constant 0 : i32
    %dma_start3A_182 = arith.constant 0 : i32
    %dma_start3A_183 = tpu.memref_slice %arg2[%dma_start3A_181, %dma_start3A_182] : memref<2600000x32xf32, #tpu.memory_space<hbm>> -> memref<2600000x32xf32, #tpu.memory_space<hbm>>
    tpu.enqueue_indirect_dma source(%dma_start3A_183 : memref<2600000x32xf32, #tpu.memory_space<hbm>>) target(%dma_start3A_178 : memref<128x32xf32, #tpu.memory_space<vmem>>) offsets(%dma_start3A_180 : memref<128xi32, #tpu.memory_space<vmem>>) semaphore(%arg13 : memref<!tpu.dma_semaphore, #tpu.memory_space<semaphore_mem>>)
    %dma_start3A_184 = arith.constant 1536 : i32
    %dma_start3A_185 = tpu.memref_slice %arg10[%dma_start3A_184] : memref<3328xf32, #tpu.memory_space<vmem>> -> memref<128xf32, #tpu.memory_space<vmem>>
    %dma_start3A_186 = arith.constant 1536 : i32
    %dma_start3A_187 = tpu.memref_slice %arg8[%dma_start3A_186] : memref<3328xi32, #tpu.memory_space<vmem>> -> memref<128xi32, #tpu.memory_space<vmem>>
    %dma_start3A_188 = arith.constant 0 : i32
    %dma_start3A_189 = tpu.memref_slice %arg3[%dma_start3A_188] : memref<2600000xf32, #tpu.memory_space<hbm>> -> memref<2600000xf32, #tpu.memory_space<hbm>>
    tpu.enqueue_indirect_dma source(%dma_start3A_189 : memref<2600000xf32, #tpu.memory_space<hbm>>) target(%dma_start3A_185 : memref<128xf32, #tpu.memory_space<vmem>>) offsets(%dma_start3A_187 : memref<128xi32, #tpu.memory_space<vmem>>) semaphore(%arg14 : memref<!tpu.dma_semaphore, #tpu.memory_space<semaphore_mem>>)
    %dma_start3A_190 = arith.constant 1664 : i32
    %dma_start3A_191 = arith.constant 0 : i32
    %dma_start3A_192 = tpu.memref_slice %arg9[%dma_start3A_190, %dma_start3A_191] : memref<3328x32xf32, #tpu.memory_space<vmem>> -> memref<128x32xf32, #tpu.memory_space<vmem>>
    %dma_start3A_193 = arith.constant 1664 : i32
    %dma_start3A_194 = tpu.memref_slice %arg8[%dma_start3A_193] : memref<3328xi32, #tpu.memory_space<vmem>> -> memref<128xi32, #tpu.memory_space<vmem>>
    %dma_start3A_195 = arith.constant 0 : i32
    %dma_start3A_196 = arith.constant 0 : i32
    %dma_start3A_197 = tpu.memref_slice %arg2[%dma_start3A_195, %dma_start3A_196] : memref<2600000x32xf32, #tpu.memory_space<hbm>> -> memref<2600000x32xf32, #tpu.memory_space<hbm>>
    tpu.enqueue_indirect_dma source(%dma_start3A_197 : memref<2600000x32xf32, #tpu.memory_space<hbm>>) target(%dma_start3A_192 : memref<128x32xf32, #tpu.memory_space<vmem>>) offsets(%dma_start3A_194 : memref<128xi32, #tpu.memory_space<vmem>>) semaphore(%arg13 : memref<!tpu.dma_semaphore, #tpu.memory_space<semaphore_mem>>)
    %dma_start3A_198 = arith.constant 1664 : i32
    %dma_start3A_199 = tpu.memref_slice %arg10[%dma_start3A_198] : memref<3328xf32, #tpu.memory_space<vmem>> -> memref<128xf32, #tpu.memory_space<vmem>>
    %dma_start3A_200 = arith.constant 1664 : i32
    %dma_start3A_201 = tpu.memref_slice %arg8[%dma_start3A_200] : memref<3328xi32, #tpu.memory_space<vmem>> -> memref<128xi32, #tpu.memory_space<vmem>>
    %dma_start3A_202 = arith.constant 0 : i32
    %dma_start3A_203 = tpu.memref_slice %arg3[%dma_start3A_202] : memref<2600000xf32, #tpu.memory_space<hbm>> -> memref<2600000xf32, #tpu.memory_space<hbm>>
    tpu.enqueue_indirect_dma source(%dma_start3A_203 : memref<2600000xf32, #tpu.memory_space<hbm>>) target(%dma_start3A_199 : memref<128xf32, #tpu.memory_space<vmem>>) offsets(%dma_start3A_201 : memref<128xi32, #tpu.memory_space<vmem>>) semaphore(%arg14 : memref<!tpu.dma_semaphore, #tpu.memory_space<semaphore_mem>>)
    %dma_start3A_204 = arith.constant 1792 : i32
    %dma_start3A_205 = arith.constant 0 : i32
    %dma_start3A_206 = tpu.memref_slice %arg9[%dma_start3A_204, %dma_start3A_205] : memref<3328x32xf32, #tpu.memory_space<vmem>> -> memref<128x32xf32, #tpu.memory_space<vmem>>
    %dma_start3A_207 = arith.constant 1792 : i32
    %dma_start3A_208 = tpu.memref_slice %arg8[%dma_start3A_207] : memref<3328xi32, #tpu.memory_space<vmem>> -> memref<128xi32, #tpu.memory_space<vmem>>
    %dma_start3A_209 = arith.constant 0 : i32
    %dma_start3A_210 = arith.constant 0 : i32
    %dma_start3A_211 = tpu.memref_slice %arg2[%dma_start3A_209, %dma_start3A_210] : memref<2600000x32xf32, #tpu.memory_space<hbm>> -> memref<2600000x32xf32, #tpu.memory_space<hbm>>
    tpu.enqueue_indirect_dma source(%dma_start3A_211 : memref<2600000x32xf32, #tpu.memory_space<hbm>>) target(%dma_start3A_206 : memref<128x32xf32, #tpu.memory_space<vmem>>) offsets(%dma_start3A_208 : memref<128xi32, #tpu.memory_space<vmem>>) semaphore(%arg13 : memref<!tpu.dma_semaphore, #tpu.memory_space<semaphore_mem>>)
    %dma_start3A_212 = arith.constant 1792 : i32
    %dma_start3A_213 = tpu.memref_slice %arg10[%dma_start3A_212] : memref<3328xf32, #tpu.memory_space<vmem>> -> memref<128xf32, #tpu.memory_space<vmem>>
    %dma_start3A_214 = arith.constant 1792 : i32
    %dma_start3A_215 = tpu.memref_slice %arg8[%dma_start3A_214] : memref<3328xi32, #tpu.memory_space<vmem>> -> memref<128xi32, #tpu.memory_space<vmem>>
    %dma_start3A_216 = arith.constant 0 : i32
    %dma_start3A_217 = tpu.memref_slice %arg3[%dma_start3A_216] : memref<2600000xf32, #tpu.memory_space<hbm>> -> memref<2600000xf32, #tpu.memory_space<hbm>>
    tpu.enqueue_indirect_dma source(%dma_start3A_217 : memref<2600000xf32, #tpu.memory_space<hbm>>) target(%dma_start3A_213 : memref<128xf32, #tpu.memory_space<vmem>>) offsets(%dma_start3A_215 : memref<128xi32, #tpu.memory_space<vmem>>) semaphore(%arg14 : memref<!tpu.dma_semaphore, #tpu.memory_space<semaphore_mem>>)
    %dma_start3A_218 = arith.constant 1920 : i32
    %dma_start3A_219 = arith.constant 0 : i32
    %dma_start3A_220 = tpu.memref_slice %arg9[%dma_start3A_218, %dma_start3A_219] : memref<3328x32xf32, #tpu.memory_space<vmem>> -> memref<128x32xf32, #tpu.memory_space<vmem>>
    %dma_start3A_221 = arith.constant 1920 : i32
    %dma_start3A_222 = tpu.memref_slice %arg8[%dma_start3A_221] : memref<3328xi32, #tpu.memory_space<vmem>> -> memref<128xi32, #tpu.memory_space<vmem>>
    %dma_start3A_223 = arith.constant 0 : i32
    %dma_start3A_224 = arith.constant 0 : i32
    %dma_start3A_225 = tpu.memref_slice %arg2[%dma_start3A_223, %dma_start3A_224] : memref<2600000x32xf32, #tpu.memory_space<hbm>> -> memref<2600000x32xf32, #tpu.memory_space<hbm>>
    tpu.enqueue_indirect_dma source(%dma_start3A_225 : memref<2600000x32xf32, #tpu.memory_space<hbm>>) target(%dma_start3A_220 : memref<128x32xf32, #tpu.memory_space<vmem>>) offsets(%dma_start3A_222 : memref<128xi32, #tpu.memory_space<vmem>>) semaphore(%arg13 : memref<!tpu.dma_semaphore, #tpu.memory_space<semaphore_mem>>)
    %dma_start3A_226 = arith.constant 1920 : i32
    %dma_start3A_227 = tpu.memref_slice %arg10[%dma_start3A_226] : memref<3328xf32, #tpu.memory_space<vmem>> -> memref<128xf32, #tpu.memory_space<vmem>>
    %dma_start3A_228 = arith.constant 1920 : i32
    %dma_start3A_229 = tpu.memref_slice %arg8[%dma_start3A_228] : memref<3328xi32, #tpu.memory_space<vmem>> -> memref<128xi32, #tpu.memory_space<vmem>>
    %dma_start3A_230 = arith.constant 0 : i32
    %dma_start3A_231 = tpu.memref_slice %arg3[%dma_start3A_230] : memref<2600000xf32, #tpu.memory_space<hbm>> -> memref<2600000xf32, #tpu.memory_space<hbm>>
    tpu.enqueue_indirect_dma source(%dma_start3A_231 : memref<2600000xf32, #tpu.memory_space<hbm>>) target(%dma_start3A_227 : memref<128xf32, #tpu.memory_space<vmem>>) offsets(%dma_start3A_229 : memref<128xi32, #tpu.memory_space<vmem>>) semaphore(%arg14 : memref<!tpu.dma_semaphore, #tpu.memory_space<semaphore_mem>>)
    %dma_start3A_232 = arith.constant 2048 : i32
    %dma_start3A_233 = arith.constant 0 : i32
    %dma_start3A_234 = tpu.memref_slice %arg9[%dma_start3A_232, %dma_start3A_233] : memref<3328x32xf32, #tpu.memory_space<vmem>> -> memref<128x32xf32, #tpu.memory_space<vmem>>
    %dma_start3A_235 = arith.constant 2048 : i32
    %dma_start3A_236 = tpu.memref_slice %arg8[%dma_start3A_235] : memref<3328xi32, #tpu.memory_space<vmem>> -> memref<128xi32, #tpu.memory_space<vmem>>
    %dma_start3A_237 = arith.constant 0 : i32
    %dma_start3A_238 = arith.constant 0 : i32
    %dma_start3A_239 = tpu.memref_slice %arg2[%dma_start3A_237, %dma_start3A_238] : memref<2600000x32xf32, #tpu.memory_space<hbm>> -> memref<2600000x32xf32, #tpu.memory_space<hbm>>
    tpu.enqueue_indirect_dma source(%dma_start3A_239 : memref<2600000x32xf32, #tpu.memory_space<hbm>>) target(%dma_start3A_234 : memref<128x32xf32, #tpu.memory_space<vmem>>) offsets(%dma_start3A_236 : memref<128xi32, #tpu.memory_space<vmem>>) semaphore(%arg13 : memref<!tpu.dma_semaphore, #tpu.memory_space<semaphore_mem>>)
    %dma_start3A_240 = arith.constant 2048 : i32
    %dma_start3A_241 = tpu.memref_slice %arg10[%dma_start3A_240] : memref<3328xf32, #tpu.memory_space<vmem>> -> memref<128xf32, #tpu.memory_space<vmem>>
    %dma_start3A_242 = arith.constant 2048 : i32
    %dma_start3A_243 = tpu.memref_slice %arg8[%dma_start3A_242] : memref<3328xi32, #tpu.memory_space<vmem>> -> memref<128xi32, #tpu.memory_space<vmem>>
    %dma_start3A_244 = arith.constant 0 : i32
    %dma_start3A_245 = tpu.memref_slice %arg3[%dma_start3A_244] : memref<2600000xf32, #tpu.memory_space<hbm>> -> memref<2600000xf32, #tpu.memory_space<hbm>>
    tpu.enqueue_indirect_dma source(%dma_start3A_245 : memref<2600000xf32, #tpu.memory_space<hbm>>) target(%dma_start3A_241 : memref<128xf32, #tpu.memory_space<vmem>>) offsets(%dma_start3A_243 : memref<128xi32, #tpu.memory_space<vmem>>) semaphore(%arg14 : memref<!tpu.dma_semaphore, #tpu.memory_space<semaphore_mem>>)
    %dma_start3A_246 = arith.constant 2176 : i32
    %dma_start3A_247 = arith.constant 0 : i32
    %dma_start3A_248 = tpu.memref_slice %arg9[%dma_start3A_246, %dma_start3A_247] : memref<3328x32xf32, #tpu.memory_space<vmem>> -> memref<128x32xf32, #tpu.memory_space<vmem>>
    %dma_start3A_249 = arith.constant 2176 : i32
    %dma_start3A_250 = tpu.memref_slice %arg8[%dma_start3A_249] : memref<3328xi32, #tpu.memory_space<vmem>> -> memref<128xi32, #tpu.memory_space<vmem>>
    %dma_start3A_251 = arith.constant 0 : i32
    %dma_start3A_252 = arith.constant 0 : i32
    %dma_start3A_253 = tpu.memref_slice %arg2[%dma_start3A_251, %dma_start3A_252] : memref<2600000x32xf32, #tpu.memory_space<hbm>> -> memref<2600000x32xf32, #tpu.memory_space<hbm>>
    tpu.enqueue_indirect_dma source(%dma_start3A_253 : memref<2600000x32xf32, #tpu.memory_space<hbm>>) target(%dma_start3A_248 : memref<128x32xf32, #tpu.memory_space<vmem>>) offsets(%dma_start3A_250 : memref<128xi32, #tpu.memory_space<vmem>>) semaphore(%arg13 : memref<!tpu.dma_semaphore, #tpu.memory_space<semaphore_mem>>)
    %dma_start3A_254 = arith.constant 2176 : i32
    %dma_start3A_255 = tpu.memref_slice %arg10[%dma_start3A_254] : memref<3328xf32, #tpu.memory_space<vmem>> -> memref<128xf32, #tpu.memory_space<vmem>>
    %dma_start3A_256 = arith.constant 2176 : i32
    %dma_start3A_257 = tpu.memref_slice %arg8[%dma_start3A_256] : memref<3328xi32, #tpu.memory_space<vmem>> -> memref<128xi32, #tpu.memory_space<vmem>>
    %dma_start3A_258 = arith.constant 0 : i32
    %dma_start3A_259 = tpu.memref_slice %arg3[%dma_start3A_258] : memref<2600000xf32, #tpu.memory_space<hbm>> -> memref<2600000xf32, #tpu.memory_space<hbm>>
    tpu.enqueue_indirect_dma source(%dma_start3A_259 : memref<2600000xf32, #tpu.memory_space<hbm>>) target(%dma_start3A_255 : memref<128xf32, #tpu.memory_space<vmem>>) offsets(%dma_start3A_257 : memref<128xi32, #tpu.memory_space<vmem>>) semaphore(%arg14 : memref<!tpu.dma_semaphore, #tpu.memory_space<semaphore_mem>>)
    %dma_start3A_260 = arith.constant 2304 : i32
    %dma_start3A_261 = arith.constant 0 : i32
    %dma_start3A_262 = tpu.memref_slice %arg9[%dma_start3A_260, %dma_start3A_261] : memref<3328x32xf32, #tpu.memory_space<vmem>> -> memref<128x32xf32, #tpu.memory_space<vmem>>
    %dma_start3A_263 = arith.constant 2304 : i32
    %dma_start3A_264 = tpu.memref_slice %arg8[%dma_start3A_263] : memref<3328xi32, #tpu.memory_space<vmem>> -> memref<128xi32, #tpu.memory_space<vmem>>
    %dma_start3A_265 = arith.constant 0 : i32
    %dma_start3A_266 = arith.constant 0 : i32
    %dma_start3A_267 = tpu.memref_slice %arg2[%dma_start3A_265, %dma_start3A_266] : memref<2600000x32xf32, #tpu.memory_space<hbm>> -> memref<2600000x32xf32, #tpu.memory_space<hbm>>
    tpu.enqueue_indirect_dma source(%dma_start3A_267 : memref<2600000x32xf32, #tpu.memory_space<hbm>>) target(%dma_start3A_262 : memref<128x32xf32, #tpu.memory_space<vmem>>) offsets(%dma_start3A_264 : memref<128xi32, #tpu.memory_space<vmem>>) semaphore(%arg13 : memref<!tpu.dma_semaphore, #tpu.memory_space<semaphore_mem>>)
    %dma_start3A_268 = arith.constant 2304 : i32
    %dma_start3A_269 = tpu.memref_slice %arg10[%dma_start3A_268] : memref<3328xf32, #tpu.memory_space<vmem>> -> memref<128xf32, #tpu.memory_space<vmem>>
    %dma_start3A_270 = arith.constant 2304 : i32
    %dma_start3A_271 = tpu.memref_slice %arg8[%dma_start3A_270] : memref<3328xi32, #tpu.memory_space<vmem>> -> memref<128xi32, #tpu.memory_space<vmem>>
    %dma_start3A_272 = arith.constant 0 : i32
    %dma_start3A_273 = tpu.memref_slice %arg3[%dma_start3A_272] : memref<2600000xf32, #tpu.memory_space<hbm>> -> memref<2600000xf32, #tpu.memory_space<hbm>>
    tpu.enqueue_indirect_dma source(%dma_start3A_273 : memref<2600000xf32, #tpu.memory_space<hbm>>) target(%dma_start3A_269 : memref<128xf32, #tpu.memory_space<vmem>>) offsets(%dma_start3A_271 : memref<128xi32, #tpu.memory_space<vmem>>) semaphore(%arg14 : memref<!tpu.dma_semaphore, #tpu.memory_space<semaphore_mem>>)
    %dma_start3A_274 = arith.constant 2432 : i32
    %dma_start3A_275 = arith.constant 0 : i32
    %dma_start3A_276 = tpu.memref_slice %arg9[%dma_start3A_274, %dma_start3A_275] : memref<3328x32xf32, #tpu.memory_space<vmem>> -> memref<128x32xf32, #tpu.memory_space<vmem>>
    %dma_start3A_277 = arith.constant 2432 : i32
    %dma_start3A_278 = tpu.memref_slice %arg8[%dma_start3A_277] : memref<3328xi32, #tpu.memory_space<vmem>> -> memref<128xi32, #tpu.memory_space<vmem>>
    %dma_start3A_279 = arith.constant 0 : i32
    %dma_start3A_280 = arith.constant 0 : i32
    %dma_start3A_281 = tpu.memref_slice %arg2[%dma_start3A_279, %dma_start3A_280] : memref<2600000x32xf32, #tpu.memory_space<hbm>> -> memref<2600000x32xf32, #tpu.memory_space<hbm>>
    tpu.enqueue_indirect_dma source(%dma_start3A_281 : memref<2600000x32xf32, #tpu.memory_space<hbm>>) target(%dma_start3A_276 : memref<128x32xf32, #tpu.memory_space<vmem>>) offsets(%dma_start3A_278 : memref<128xi32, #tpu.memory_space<vmem>>) semaphore(%arg13 : memref<!tpu.dma_semaphore, #tpu.memory_space<semaphore_mem>>)
    %dma_start3A_282 = arith.constant 2432 : i32
    %dma_start3A_283 = tpu.memref_slice %arg10[%dma_start3A_282] : memref<3328xf32, #tpu.memory_space<vmem>> -> memref<128xf32, #tpu.memory_space<vmem>>
    %dma_start3A_284 = arith.constant 2432 : i32
    %dma_start3A_285 = tpu.memref_slice %arg8[%dma_start3A_284] : memref<3328xi32, #tpu.memory_space<vmem>> -> memref<128xi32, #tpu.memory_space<vmem>>
    %dma_start3A_286 = arith.constant 0 : i32
    %dma_start3A_287 = tpu.memref_slice %arg3[%dma_start3A_286] : memref<2600000xf32, #tpu.memory_space<hbm>> -> memref<2600000xf32, #tpu.memory_space<hbm>>
    tpu.enqueue_indirect_dma source(%dma_start3A_287 : memref<2600000xf32, #tpu.memory_space<hbm>>) target(%dma_start3A_283 : memref<128xf32, #tpu.memory_space<vmem>>) offsets(%dma_start3A_285 : memref<128xi32, #tpu.memory_space<vmem>>) semaphore(%arg14 : memref<!tpu.dma_semaphore, #tpu.memory_space<semaphore_mem>>)
    %dma_start3A_288 = arith.constant 2560 : i32
    %dma_start3A_289 = arith.constant 0 : i32
    %dma_start3A_290 = tpu.memref_slice %arg9[%dma_start3A_288, %dma_start3A_289] : memref<3328x32xf32, #tpu.memory_space<vmem>> -> memref<128x32xf32, #tpu.memory_space<vmem>>
    %dma_start3A_291 = arith.constant 2560 : i32
    %dma_start3A_292 = tpu.memref_slice %arg8[%dma_start3A_291] : memref<3328xi32, #tpu.memory_space<vmem>> -> memref<128xi32, #tpu.memory_space<vmem>>
    %dma_start3A_293 = arith.constant 0 : i32
    %dma_start3A_294 = arith.constant 0 : i32
    %dma_start3A_295 = tpu.memref_slice %arg2[%dma_start3A_293, %dma_start3A_294] : memref<2600000x32xf32, #tpu.memory_space<hbm>> -> memref<2600000x32xf32, #tpu.memory_space<hbm>>
    tpu.enqueue_indirect_dma source(%dma_start3A_295 : memref<2600000x32xf32, #tpu.memory_space<hbm>>) target(%dma_start3A_290 : memref<128x32xf32, #tpu.memory_space<vmem>>) offsets(%dma_start3A_292 : memref<128xi32, #tpu.memory_space<vmem>>) semaphore(%arg13 : memref<!tpu.dma_semaphore, #tpu.memory_space<semaphore_mem>>)
    %dma_start3A_296 = arith.constant 2560 : i32
    %dma_start3A_297 = tpu.memref_slice %arg10[%dma_start3A_296] : memref<3328xf32, #tpu.memory_space<vmem>> -> memref<128xf32, #tpu.memory_space<vmem>>
    %dma_start3A_298 = arith.constant 2560 : i32
    %dma_start3A_299 = tpu.memref_slice %arg8[%dma_start3A_298] : memref<3328xi32, #tpu.memory_space<vmem>> -> memref<128xi32, #tpu.memory_space<vmem>>
    %dma_start3A_300 = arith.constant 0 : i32
    %dma_start3A_301 = tpu.memref_slice %arg3[%dma_start3A_300] : memref<2600000xf32, #tpu.memory_space<hbm>> -> memref<2600000xf32, #tpu.memory_space<hbm>>
    tpu.enqueue_indirect_dma source(%dma_start3A_301 : memref<2600000xf32, #tpu.memory_space<hbm>>) target(%dma_start3A_297 : memref<128xf32, #tpu.memory_space<vmem>>) offsets(%dma_start3A_299 : memref<128xi32, #tpu.memory_space<vmem>>) semaphore(%arg14 : memref<!tpu.dma_semaphore, #tpu.memory_space<semaphore_mem>>)
    %dma_start3A_302 = arith.constant 2688 : i32
    %dma_start3A_303 = arith.constant 0 : i32
    %dma_start3A_304 = tpu.memref_slice %arg9[%dma_start3A_302, %dma_start3A_303] : memref<3328x32xf32, #tpu.memory_space<vmem>> -> memref<128x32xf32, #tpu.memory_space<vmem>>
    %dma_start3A_305 = arith.constant 2688 : i32
    %dma_start3A_306 = tpu.memref_slice %arg8[%dma_start3A_305] : memref<3328xi32, #tpu.memory_space<vmem>> -> memref<128xi32, #tpu.memory_space<vmem>>
    %dma_start3A_307 = arith.constant 0 : i32
    %dma_start3A_308 = arith.constant 0 : i32
    %dma_start3A_309 = tpu.memref_slice %arg2[%dma_start3A_307, %dma_start3A_308] : memref<2600000x32xf32, #tpu.memory_space<hbm>> -> memref<2600000x32xf32, #tpu.memory_space<hbm>>
    tpu.enqueue_indirect_dma source(%dma_start3A_309 : memref<2600000x32xf32, #tpu.memory_space<hbm>>) target(%dma_start3A_304 : memref<128x32xf32, #tpu.memory_space<vmem>>) offsets(%dma_start3A_306 : memref<128xi32, #tpu.memory_space<vmem>>) semaphore(%arg13 : memref<!tpu.dma_semaphore, #tpu.memory_space<semaphore_mem>>)
    %dma_start3A_310 = arith.constant 2688 : i32
    %dma_start3A_311 = tpu.memref_slice %arg10[%dma_start3A_310] : memref<3328xf32, #tpu.memory_space<vmem>> -> memref<128xf32, #tpu.memory_space<vmem>>
    %dma_start3A_312 = arith.constant 2688 : i32
    %dma_start3A_313 = tpu.memref_slice %arg8[%dma_start3A_312] : memref<3328xi32, #tpu.memory_space<vmem>> -> memref<128xi32, #tpu.memory_space<vmem>>
    %dma_start3A_314 = arith.constant 0 : i32
    %dma_start3A_315 = tpu.memref_slice %arg3[%dma_start3A_314] : memref<2600000xf32, #tpu.memory_space<hbm>> -> memref<2600000xf32, #tpu.memory_space<hbm>>
    tpu.enqueue_indirect_dma source(%dma_start3A_315 : memref<2600000xf32, #tpu.memory_space<hbm>>) target(%dma_start3A_311 : memref<128xf32, #tpu.memory_space<vmem>>) offsets(%dma_start3A_313 : memref<128xi32, #tpu.memory_space<vmem>>) semaphore(%arg14 : memref<!tpu.dma_semaphore, #tpu.memory_space<semaphore_mem>>)
    %dma_start3A_316 = arith.constant 2816 : i32
    %dma_start3A_317 = arith.constant 0 : i32
    %dma_start3A_318 = tpu.memref_slice %arg9[%dma_start3A_316, %dma_start3A_317] : memref<3328x32xf32, #tpu.memory_space<vmem>> -> memref<128x32xf32, #tpu.memory_space<vmem>>
    %dma_start3A_319 = arith.constant 2816 : i32
    %dma_start3A_320 = tpu.memref_slice %arg8[%dma_start3A_319] : memref<3328xi32, #tpu.memory_space<vmem>> -> memref<128xi32, #tpu.memory_space<vmem>>
    %dma_start3A_321 = arith.constant 0 : i32
    %dma_start3A_322 = arith.constant 0 : i32
    %dma_start3A_323 = tpu.memref_slice %arg2[%dma_start3A_321, %dma_start3A_322] : memref<2600000x32xf32, #tpu.memory_space<hbm>> -> memref<2600000x32xf32, #tpu.memory_space<hbm>>
    tpu.enqueue_indirect_dma source(%dma_start3A_323 : memref<2600000x32xf32, #tpu.memory_space<hbm>>) target(%dma_start3A_318 : memref<128x32xf32, #tpu.memory_space<vmem>>) offsets(%dma_start3A_320 : memref<128xi32, #tpu.memory_space<vmem>>) semaphore(%arg13 : memref<!tpu.dma_semaphore, #tpu.memory_space<semaphore_mem>>)
    %dma_start3A_324 = arith.constant 2816 : i32
    %dma_start3A_325 = tpu.memref_slice %arg10[%dma_start3A_324] : memref<3328xf32, #tpu.memory_space<vmem>> -> memref<128xf32, #tpu.memory_space<vmem>>
    %dma_start3A_326 = arith.constant 2816 : i32
    %dma_start3A_327 = tpu.memref_slice %arg8[%dma_start3A_326] : memref<3328xi32, #tpu.memory_space<vmem>> -> memref<128xi32, #tpu.memory_space<vmem>>
    %dma_start3A_328 = arith.constant 0 : i32
    %dma_start3A_329 = tpu.memref_slice %arg3[%dma_start3A_328] : memref<2600000xf32, #tpu.memory_space<hbm>> -> memref<2600000xf32, #tpu.memory_space<hbm>>
    tpu.enqueue_indirect_dma source(%dma_start3A_329 : memref<2600000xf32, #tpu.memory_space<hbm>>) target(%dma_start3A_325 : memref<128xf32, #tpu.memory_space<vmem>>) offsets(%dma_start3A_327 : memref<128xi32, #tpu.memory_space<vmem>>) semaphore(%arg14 : memref<!tpu.dma_semaphore, #tpu.memory_space<semaphore_mem>>)
    %dma_start3A_330 = arith.constant 2944 : i32
    %dma_start3A_331 = arith.constant 0 : i32
    %dma_start3A_332 = tpu.memref_slice %arg9[%dma_start3A_330, %dma_start3A_331] : memref<3328x32xf32, #tpu.memory_space<vmem>> -> memref<128x32xf32, #tpu.memory_space<vmem>>
    %dma_start3A_333 = arith.constant 2944 : i32
    %dma_start3A_334 = tpu.memref_slice %arg8[%dma_start3A_333] : memref<3328xi32, #tpu.memory_space<vmem>> -> memref<128xi32, #tpu.memory_space<vmem>>
    %dma_start3A_335 = arith.constant 0 : i32
    %dma_start3A_336 = arith.constant 0 : i32
    %dma_start3A_337 = tpu.memref_slice %arg2[%dma_start3A_335, %dma_start3A_336] : memref<2600000x32xf32, #tpu.memory_space<hbm>> -> memref<2600000x32xf32, #tpu.memory_space<hbm>>
    tpu.enqueue_indirect_dma source(%dma_start3A_337 : memref<2600000x32xf32, #tpu.memory_space<hbm>>) target(%dma_start3A_332 : memref<128x32xf32, #tpu.memory_space<vmem>>) offsets(%dma_start3A_334 : memref<128xi32, #tpu.memory_space<vmem>>) semaphore(%arg13 : memref<!tpu.dma_semaphore, #tpu.memory_space<semaphore_mem>>)
    %dma_start3A_338 = arith.constant 2944 : i32
    %dma_start3A_339 = tpu.memref_slice %arg10[%dma_start3A_338] : memref<3328xf32, #tpu.memory_space<vmem>> -> memref<128xf32, #tpu.memory_space<vmem>>
    %dma_start3A_340 = arith.constant 2944 : i32
    %dma_start3A_341 = tpu.memref_slice %arg8[%dma_start3A_340] : memref<3328xi32, #tpu.memory_space<vmem>> -> memref<128xi32, #tpu.memory_space<vmem>>
    %dma_start3A_342 = arith.constant 0 : i32
    %dma_start3A_343 = tpu.memref_slice %arg3[%dma_start3A_342] : memref<2600000xf32, #tpu.memory_space<hbm>> -> memref<2600000xf32, #tpu.memory_space<hbm>>
    tpu.enqueue_indirect_dma source(%dma_start3A_343 : memref<2600000xf32, #tpu.memory_space<hbm>>) target(%dma_start3A_339 : memref<128xf32, #tpu.memory_space<vmem>>) offsets(%dma_start3A_341 : memref<128xi32, #tpu.memory_space<vmem>>) semaphore(%arg14 : memref<!tpu.dma_semaphore, #tpu.memory_space<semaphore_mem>>)
    %dma_start3A_344 = arith.constant 3072 : i32
    %dma_start3A_345 = arith.constant 0 : i32
    %dma_start3A_346 = tpu.memref_slice %arg9[%dma_start3A_344, %dma_start3A_345] : memref<3328x32xf32, #tpu.memory_space<vmem>> -> memref<128x32xf32, #tpu.memory_space<vmem>>
    %dma_start3A_347 = arith.constant 3072 : i32
    %dma_start3A_348 = tpu.memref_slice %arg8[%dma_start3A_347] : memref<3328xi32, #tpu.memory_space<vmem>> -> memref<128xi32, #tpu.memory_space<vmem>>
    %dma_start3A_349 = arith.constant 0 : i32
    %dma_start3A_350 = arith.constant 0 : i32
    %dma_start3A_351 = tpu.memref_slice %arg2[%dma_start3A_349, %dma_start3A_350] : memref<2600000x32xf32, #tpu.memory_space<hbm>> -> memref<2600000x32xf32, #tpu.memory_space<hbm>>
    tpu.enqueue_indirect_dma source(%dma_start3A_351 : memref<2600000x32xf32, #tpu.memory_space<hbm>>) target(%dma_start3A_346 : memref<128x32xf32, #tpu.memory_space<vmem>>) offsets(%dma_start3A_348 : memref<128xi32, #tpu.memory_space<vmem>>) semaphore(%arg13 : memref<!tpu.dma_semaphore, #tpu.memory_space<semaphore_mem>>)
    %dma_start3A_352 = arith.constant 3072 : i32
    %dma_start3A_353 = tpu.memref_slice %arg10[%dma_start3A_352] : memref<3328xf32, #tpu.memory_space<vmem>> -> memref<128xf32, #tpu.memory_space<vmem>>
    %dma_start3A_354 = arith.constant 3072 : i32
    %dma_start3A_355 = tpu.memref_slice %arg8[%dma_start3A_354] : memref<3328xi32, #tpu.memory_space<vmem>> -> memref<128xi32, #tpu.memory_space<vmem>>
    %dma_start3A_356 = arith.constant 0 : i32
    %dma_start3A_357 = tpu.memref_slice %arg3[%dma_start3A_356] : memref<2600000xf32, #tpu.memory_space<hbm>> -> memref<2600000xf32, #tpu.memory_space<hbm>>
    tpu.enqueue_indirect_dma source(%dma_start3A_357 : memref<2600000xf32, #tpu.memory_space<hbm>>) target(%dma_start3A_353 : memref<128xf32, #tpu.memory_space<vmem>>) offsets(%dma_start3A_355 : memref<128xi32, #tpu.memory_space<vmem>>) semaphore(%arg14 : memref<!tpu.dma_semaphore, #tpu.memory_space<semaphore_mem>>)
    %dma_start3A_358 = arith.constant 3200 : i32
    %dma_start3A_359 = arith.constant 0 : i32
    %dma_start3A_360 = tpu.memref_slice %arg9[%dma_start3A_358, %dma_start3A_359] : memref<3328x32xf32, #tpu.memory_space<vmem>> -> memref<128x32xf32, #tpu.memory_space<vmem>>
    %dma_start3A_361 = arith.constant 3200 : i32
    %dma_start3A_362 = tpu.memref_slice %arg8[%dma_start3A_361] : memref<3328xi32, #tpu.memory_space<vmem>> -> memref<128xi32, #tpu.memory_space<vmem>>
    %dma_start3A_363 = arith.constant 0 : i32
    %dma_start3A_364 = arith.constant 0 : i32
    %dma_start3A_365 = tpu.memref_slice %arg2[%dma_start3A_363, %dma_start3A_364] : memref<2600000x32xf32, #tpu.memory_space<hbm>> -> memref<2600000x32xf32, #tpu.memory_space<hbm>>
    tpu.enqueue_indirect_dma source(%dma_start3A_365 : memref<2600000x32xf32, #tpu.memory_space<hbm>>) target(%dma_start3A_360 : memref<128x32xf32, #tpu.memory_space<vmem>>) offsets(%dma_start3A_362 : memref<128xi32, #tpu.memory_space<vmem>>) semaphore(%arg13 : memref<!tpu.dma_semaphore, #tpu.memory_space<semaphore_mem>>)
    %dma_start3A_366 = arith.constant 3200 : i32
    %dma_start3A_367 = tpu.memref_slice %arg10[%dma_start3A_366] : memref<3328xf32, #tpu.memory_space<vmem>> -> memref<128xf32, #tpu.memory_space<vmem>>
    %dma_start3A_368 = arith.constant 3200 : i32
    %dma_start3A_369 = tpu.memref_slice %arg8[%dma_start3A_368] : memref<3328xi32, #tpu.memory_space<vmem>> -> memref<128xi32, #tpu.memory_space<vmem>>
    %dma_start3A_370 = arith.constant 0 : i32
    %dma_start3A_371 = tpu.memref_slice %arg3[%dma_start3A_370] : memref<2600000xf32, #tpu.memory_space<hbm>> -> memref<2600000xf32, #tpu.memory_space<hbm>>
    tpu.enqueue_indirect_dma source(%dma_start3A_371 : memref<2600000xf32, #tpu.memory_space<hbm>>) target(%dma_start3A_367 : memref<128xf32, #tpu.memory_space<vmem>>) offsets(%dma_start3A_369 : memref<128xi32, #tpu.memory_space<vmem>>) semaphore(%arg14 : memref<!tpu.dma_semaphore, #tpu.memory_space<semaphore_mem>>)
    %dma_wait3A = arith.constant 0 : i32
    %dma_wait3A_372 = arith.constant 0 : i32
    %dma_wait3A_373 = tpu.memref_slice %arg9[%dma_wait3A, %dma_wait3A_372] : memref<3328x32xf32, #tpu.memory_space<vmem>> -> memref<128x32xf32, #tpu.memory_space<vmem>>
    %dma_wait3A_374 = arith.constant 0 : i32
    %dma_wait3A_375 = tpu.memref_slice %arg8[%dma_wait3A_374] : memref<3328xi32, #tpu.memory_space<vmem>> -> memref<128xi32, #tpu.memory_space<vmem>>
    %dma_wait3A_376 = arith.constant 0 : i32
    %dma_wait3A_377 = arith.constant 0 : i32
    %dma_wait3A_378 = tpu.memref_slice %arg2[%dma_wait3A_376, %dma_wait3A_377] : memref<2600000x32xf32, #tpu.memory_space<hbm>> -> memref<2600000x32xf32, #tpu.memory_space<hbm>>
    tpu.wait_indirect_dma semaphore(%arg13 : memref<!tpu.dma_semaphore, #tpu.memory_space<semaphore_mem>>) src(%dma_wait3A_378 : memref<2600000x32xf32, #tpu.memory_space<hbm>>) dst(%dma_wait3A_373 : memref<128x32xf32, #tpu.memory_space<vmem>>)
    %dma_wait3A_379 = arith.constant 0 : i32
    %dma_wait3A_380 = tpu.memref_slice %arg10[%dma_wait3A_379] : memref<3328xf32, #tpu.memory_space<vmem>> -> memref<128xf32, #tpu.memory_space<vmem>>
    %dma_wait3A_381 = arith.constant 0 : i32
    %dma_wait3A_382 = tpu.memref_slice %arg8[%dma_wait3A_381] : memref<3328xi32, #tpu.memory_space<vmem>> -> memref<128xi32, #tpu.memory_space<vmem>>
    %dma_wait3A_383 = arith.constant 0 : i32
    %dma_wait3A_384 = tpu.memref_slice %arg3[%dma_wait3A_383] : memref<2600000xf32, #tpu.memory_space<hbm>> -> memref<2600000xf32, #tpu.memory_space<hbm>>
    tpu.wait_indirect_dma semaphore(%arg14 : memref<!tpu.dma_semaphore, #tpu.memory_space<semaphore_mem>>) src(%dma_wait3A_384 : memref<2600000xf32, #tpu.memory_space<hbm>>) dst(%dma_wait3A_380 : memref<128xf32, #tpu.memory_space<vmem>>)
    %dma_wait3A_385 = arith.constant 128 : i32
    %dma_wait3A_386 = arith.constant 0 : i32
    %dma_wait3A_387 = tpu.memref_slice %arg9[%dma_wait3A_385, %dma_wait3A_386] : memref<3328x32xf32, #tpu.memory_space<vmem>> -> memref<128x32xf32, #tpu.memory_space<vmem>>
    %dma_wait3A_388 = arith.constant 128 : i32
    %dma_wait3A_389 = tpu.memref_slice %arg8[%dma_wait3A_388] : memref<3328xi32, #tpu.memory_space<vmem>> -> memref<128xi32, #tpu.memory_space<vmem>>
    %dma_wait3A_390 = arith.constant 0 : i32
    %dma_wait3A_391 = arith.constant 0 : i32
    %dma_wait3A_392 = tpu.memref_slice %arg2[%dma_wait3A_390, %dma_wait3A_391] : memref<2600000x32xf32, #tpu.memory_space<hbm>> -> memref<2600000x32xf32, #tpu.memory_space<hbm>>
    tpu.wait_indirect_dma semaphore(%arg13 : memref<!tpu.dma_semaphore, #tpu.memory_space<semaphore_mem>>) src(%dma_wait3A_392 : memref<2600000x32xf32, #tpu.memory_space<hbm>>) dst(%dma_wait3A_387 : memref<128x32xf32, #tpu.memory_space<vmem>>)
    %dma_wait3A_393 = arith.constant 128 : i32
    %dma_wait3A_394 = tpu.memref_slice %arg10[%dma_wait3A_393] : memref<3328xf32, #tpu.memory_space<vmem>> -> memref<128xf32, #tpu.memory_space<vmem>>
    %dma_wait3A_395 = arith.constant 128 : i32
    %dma_wait3A_396 = tpu.memref_slice %arg8[%dma_wait3A_395] : memref<3328xi32, #tpu.memory_space<vmem>> -> memref<128xi32, #tpu.memory_space<vmem>>
    %dma_wait3A_397 = arith.constant 0 : i32
    %dma_wait3A_398 = tpu.memref_slice %arg3[%dma_wait3A_397] : memref<2600000xf32, #tpu.memory_space<hbm>> -> memref<2600000xf32, #tpu.memory_space<hbm>>
    tpu.wait_indirect_dma semaphore(%arg14 : memref<!tpu.dma_semaphore, #tpu.memory_space<semaphore_mem>>) src(%dma_wait3A_398 : memref<2600000xf32, #tpu.memory_space<hbm>>) dst(%dma_wait3A_394 : memref<128xf32, #tpu.memory_space<vmem>>)
    %dma_wait3A_399 = arith.constant 256 : i32
    %dma_wait3A_400 = arith.constant 0 : i32
    %dma_wait3A_401 = tpu.memref_slice %arg9[%dma_wait3A_399, %dma_wait3A_400] : memref<3328x32xf32, #tpu.memory_space<vmem>> -> memref<128x32xf32, #tpu.memory_space<vmem>>
    %dma_wait3A_402 = arith.constant 256 : i32
    %dma_wait3A_403 = tpu.memref_slice %arg8[%dma_wait3A_402] : memref<3328xi32, #tpu.memory_space<vmem>> -> memref<128xi32, #tpu.memory_space<vmem>>
    %dma_wait3A_404 = arith.constant 0 : i32
    %dma_wait3A_405 = arith.constant 0 : i32
    %dma_wait3A_406 = tpu.memref_slice %arg2[%dma_wait3A_404, %dma_wait3A_405] : memref<2600000x32xf32, #tpu.memory_space<hbm>> -> memref<2600000x32xf32, #tpu.memory_space<hbm>>
    tpu.wait_indirect_dma semaphore(%arg13 : memref<!tpu.dma_semaphore, #tpu.memory_space<semaphore_mem>>) src(%dma_wait3A_406 : memref<2600000x32xf32, #tpu.memory_space<hbm>>) dst(%dma_wait3A_401 : memref<128x32xf32, #tpu.memory_space<vmem>>)
    %dma_wait3A_407 = arith.constant 256 : i32
    %dma_wait3A_408 = tpu.memref_slice %arg10[%dma_wait3A_407] : memref<3328xf32, #tpu.memory_space<vmem>> -> memref<128xf32, #tpu.memory_space<vmem>>
    %dma_wait3A_409 = arith.constant 256 : i32
    %dma_wait3A_410 = tpu.memref_slice %arg8[%dma_wait3A_409] : memref<3328xi32, #tpu.memory_space<vmem>> -> memref<128xi32, #tpu.memory_space<vmem>>
    %dma_wait3A_411 = arith.constant 0 : i32
    %dma_wait3A_412 = tpu.memref_slice %arg3[%dma_wait3A_411] : memref<2600000xf32, #tpu.memory_space<hbm>> -> memref<2600000xf32, #tpu.memory_space<hbm>>
    tpu.wait_indirect_dma semaphore(%arg14 : memref<!tpu.dma_semaphore, #tpu.memory_space<semaphore_mem>>) src(%dma_wait3A_412 : memref<2600000xf32, #tpu.memory_space<hbm>>) dst(%dma_wait3A_408 : memref<128xf32, #tpu.memory_space<vmem>>)
    %dma_wait3A_413 = arith.constant 384 : i32
    %dma_wait3A_414 = arith.constant 0 : i32
    %dma_wait3A_415 = tpu.memref_slice %arg9[%dma_wait3A_413, %dma_wait3A_414] : memref<3328x32xf32, #tpu.memory_space<vmem>> -> memref<128x32xf32, #tpu.memory_space<vmem>>
    %dma_wait3A_416 = arith.constant 384 : i32
    %dma_wait3A_417 = tpu.memref_slice %arg8[%dma_wait3A_416] : memref<3328xi32, #tpu.memory_space<vmem>> -> memref<128xi32, #tpu.memory_space<vmem>>
    %dma_wait3A_418 = arith.constant 0 : i32
    %dma_wait3A_419 = arith.constant 0 : i32
    %dma_wait3A_420 = tpu.memref_slice %arg2[%dma_wait3A_418, %dma_wait3A_419] : memref<2600000x32xf32, #tpu.memory_space<hbm>> -> memref<2600000x32xf32, #tpu.memory_space<hbm>>
    tpu.wait_indirect_dma semaphore(%arg13 : memref<!tpu.dma_semaphore, #tpu.memory_space<semaphore_mem>>) src(%dma_wait3A_420 : memref<2600000x32xf32, #tpu.memory_space<hbm>>) dst(%dma_wait3A_415 : memref<128x32xf32, #tpu.memory_space<vmem>>)
    %dma_wait3A_421 = arith.constant 384 : i32
    %dma_wait3A_422 = tpu.memref_slice %arg10[%dma_wait3A_421] : memref<3328xf32, #tpu.memory_space<vmem>> -> memref<128xf32, #tpu.memory_space<vmem>>
    %dma_wait3A_423 = arith.constant 384 : i32
    %dma_wait3A_424 = tpu.memref_slice %arg8[%dma_wait3A_423] : memref<3328xi32, #tpu.memory_space<vmem>> -> memref<128xi32, #tpu.memory_space<vmem>>
    %dma_wait3A_425 = arith.constant 0 : i32
    %dma_wait3A_426 = tpu.memref_slice %arg3[%dma_wait3A_425] : memref<2600000xf32, #tpu.memory_space<hbm>> -> memref<2600000xf32, #tpu.memory_space<hbm>>
    tpu.wait_indirect_dma semaphore(%arg14 : memref<!tpu.dma_semaphore, #tpu.memory_space<semaphore_mem>>) src(%dma_wait3A_426 : memref<2600000xf32, #tpu.memory_space<hbm>>) dst(%dma_wait3A_422 : memref<128xf32, #tpu.memory_space<vmem>>)
    %dma_wait3A_427 = arith.constant 512 : i32
    %dma_wait3A_428 = arith.constant 0 : i32
    %dma_wait3A_429 = tpu.memref_slice %arg9[%dma_wait3A_427, %dma_wait3A_428] : memref<3328x32xf32, #tpu.memory_space<vmem>> -> memref<128x32xf32, #tpu.memory_space<vmem>>
    %dma_wait3A_430 = arith.constant 512 : i32
    %dma_wait3A_431 = tpu.memref_slice %arg8[%dma_wait3A_430] : memref<3328xi32, #tpu.memory_space<vmem>> -> memref<128xi32, #tpu.memory_space<vmem>>
    %dma_wait3A_432 = arith.constant 0 : i32
    %dma_wait3A_433 = arith.constant 0 : i32
    %dma_wait3A_434 = tpu.memref_slice %arg2[%dma_wait3A_432, %dma_wait3A_433] : memref<2600000x32xf32, #tpu.memory_space<hbm>> -> memref<2600000x32xf32, #tpu.memory_space<hbm>>
    tpu.wait_indirect_dma semaphore(%arg13 : memref<!tpu.dma_semaphore, #tpu.memory_space<semaphore_mem>>) src(%dma_wait3A_434 : memref<2600000x32xf32, #tpu.memory_space<hbm>>) dst(%dma_wait3A_429 : memref<128x32xf32, #tpu.memory_space<vmem>>)
    %dma_wait3A_435 = arith.constant 512 : i32
    %dma_wait3A_436 = tpu.memref_slice %arg10[%dma_wait3A_435] : memref<3328xf32, #tpu.memory_space<vmem>> -> memref<128xf32, #tpu.memory_space<vmem>>
    %dma_wait3A_437 = arith.constant 512 : i32
    %dma_wait3A_438 = tpu.memref_slice %arg8[%dma_wait3A_437] : memref<3328xi32, #tpu.memory_space<vmem>> -> memref<128xi32, #tpu.memory_space<vmem>>
    %dma_wait3A_439 = arith.constant 0 : i32
    %dma_wait3A_440 = tpu.memref_slice %arg3[%dma_wait3A_439] : memref<2600000xf32, #tpu.memory_space<hbm>> -> memref<2600000xf32, #tpu.memory_space<hbm>>
    tpu.wait_indirect_dma semaphore(%arg14 : memref<!tpu.dma_semaphore, #tpu.memory_space<semaphore_mem>>) src(%dma_wait3A_440 : memref<2600000xf32, #tpu.memory_space<hbm>>) dst(%dma_wait3A_436 : memref<128xf32, #tpu.memory_space<vmem>>)
    %dma_wait3A_441 = arith.constant 640 : i32
    %dma_wait3A_442 = arith.constant 0 : i32
    %dma_wait3A_443 = tpu.memref_slice %arg9[%dma_wait3A_441, %dma_wait3A_442] : memref<3328x32xf32, #tpu.memory_space<vmem>> -> memref<128x32xf32, #tpu.memory_space<vmem>>
    %dma_wait3A_444 = arith.constant 640 : i32
    %dma_wait3A_445 = tpu.memref_slice %arg8[%dma_wait3A_444] : memref<3328xi32, #tpu.memory_space<vmem>> -> memref<128xi32, #tpu.memory_space<vmem>>
    %dma_wait3A_446 = arith.constant 0 : i32
    %dma_wait3A_447 = arith.constant 0 : i32
    %dma_wait3A_448 = tpu.memref_slice %arg2[%dma_wait3A_446, %dma_wait3A_447] : memref<2600000x32xf32, #tpu.memory_space<hbm>> -> memref<2600000x32xf32, #tpu.memory_space<hbm>>
    tpu.wait_indirect_dma semaphore(%arg13 : memref<!tpu.dma_semaphore, #tpu.memory_space<semaphore_mem>>) src(%dma_wait3A_448 : memref<2600000x32xf32, #tpu.memory_space<hbm>>) dst(%dma_wait3A_443 : memref<128x32xf32, #tpu.memory_space<vmem>>)
    %dma_wait3A_449 = arith.constant 640 : i32
    %dma_wait3A_450 = tpu.memref_slice %arg10[%dma_wait3A_449] : memref<3328xf32, #tpu.memory_space<vmem>> -> memref<128xf32, #tpu.memory_space<vmem>>
    %dma_wait3A_451 = arith.constant 640 : i32
    %dma_wait3A_452 = tpu.memref_slice %arg8[%dma_wait3A_451] : memref<3328xi32, #tpu.memory_space<vmem>> -> memref<128xi32, #tpu.memory_space<vmem>>
    %dma_wait3A_453 = arith.constant 0 : i32
    %dma_wait3A_454 = tpu.memref_slice %arg3[%dma_wait3A_453] : memref<2600000xf32, #tpu.memory_space<hbm>> -> memref<2600000xf32, #tpu.memory_space<hbm>>
    tpu.wait_indirect_dma semaphore(%arg14 : memref<!tpu.dma_semaphore, #tpu.memory_space<semaphore_mem>>) src(%dma_wait3A_454 : memref<2600000xf32, #tpu.memory_space<hbm>>) dst(%dma_wait3A_450 : memref<128xf32, #tpu.memory_space<vmem>>)
    %dma_wait3A_455 = arith.constant 768 : i32
    %dma_wait3A_456 = arith.constant 0 : i32
    %dma_wait3A_457 = tpu.memref_slice %arg9[%dma_wait3A_455, %dma_wait3A_456] : memref<3328x32xf32, #tpu.memory_space<vmem>> -> memref<128x32xf32, #tpu.memory_space<vmem>>
    %dma_wait3A_458 = arith.constant 768 : i32
    %dma_wait3A_459 = tpu.memref_slice %arg8[%dma_wait3A_458] : memref<3328xi32, #tpu.memory_space<vmem>> -> memref<128xi32, #tpu.memory_space<vmem>>
    %dma_wait3A_460 = arith.constant 0 : i32
    %dma_wait3A_461 = arith.constant 0 : i32
    %dma_wait3A_462 = tpu.memref_slice %arg2[%dma_wait3A_460, %dma_wait3A_461] : memref<2600000x32xf32, #tpu.memory_space<hbm>> -> memref<2600000x32xf32, #tpu.memory_space<hbm>>
    tpu.wait_indirect_dma semaphore(%arg13 : memref<!tpu.dma_semaphore, #tpu.memory_space<semaphore_mem>>) src(%dma_wait3A_462 : memref<2600000x32xf32, #tpu.memory_space<hbm>>) dst(%dma_wait3A_457 : memref<128x32xf32, #tpu.memory_space<vmem>>)
    %dma_wait3A_463 = arith.constant 768 : i32
    %dma_wait3A_464 = tpu.memref_slice %arg10[%dma_wait3A_463] : memref<3328xf32, #tpu.memory_space<vmem>> -> memref<128xf32, #tpu.memory_space<vmem>>
    %dma_wait3A_465 = arith.constant 768 : i32
    %dma_wait3A_466 = tpu.memref_slice %arg8[%dma_wait3A_465] : memref<3328xi32, #tpu.memory_space<vmem>> -> memref<128xi32, #tpu.memory_space<vmem>>
    %dma_wait3A_467 = arith.constant 0 : i32
    %dma_wait3A_468 = tpu.memref_slice %arg3[%dma_wait3A_467] : memref<2600000xf32, #tpu.memory_space<hbm>> -> memref<2600000xf32, #tpu.memory_space<hbm>>
    tpu.wait_indirect_dma semaphore(%arg14 : memref<!tpu.dma_semaphore, #tpu.memory_space<semaphore_mem>>) src(%dma_wait3A_468 : memref<2600000xf32, #tpu.memory_space<hbm>>) dst(%dma_wait3A_464 : memref<128xf32, #tpu.memory_space<vmem>>)
    %dma_wait3A_469 = arith.constant 896 : i32
    %dma_wait3A_470 = arith.constant 0 : i32
    %dma_wait3A_471 = tpu.memref_slice %arg9[%dma_wait3A_469, %dma_wait3A_470] : memref<3328x32xf32, #tpu.memory_space<vmem>> -> memref<128x32xf32, #tpu.memory_space<vmem>>
    %dma_wait3A_472 = arith.constant 896 : i32
    %dma_wait3A_473 = tpu.memref_slice %arg8[%dma_wait3A_472] : memref<3328xi32, #tpu.memory_space<vmem>> -> memref<128xi32, #tpu.memory_space<vmem>>
    %dma_wait3A_474 = arith.constant 0 : i32
    %dma_wait3A_475 = arith.constant 0 : i32
    %dma_wait3A_476 = tpu.memref_slice %arg2[%dma_wait3A_474, %dma_wait3A_475] : memref<2600000x32xf32, #tpu.memory_space<hbm>> -> memref<2600000x32xf32, #tpu.memory_space<hbm>>
    tpu.wait_indirect_dma semaphore(%arg13 : memref<!tpu.dma_semaphore, #tpu.memory_space<semaphore_mem>>) src(%dma_wait3A_476 : memref<2600000x32xf32, #tpu.memory_space<hbm>>) dst(%dma_wait3A_471 : memref<128x32xf32, #tpu.memory_space<vmem>>)
    %dma_wait3A_477 = arith.constant 896 : i32
    %dma_wait3A_478 = tpu.memref_slice %arg10[%dma_wait3A_477] : memref<3328xf32, #tpu.memory_space<vmem>> -> memref<128xf32, #tpu.memory_space<vmem>>
    %dma_wait3A_479 = arith.constant 896 : i32
    %dma_wait3A_480 = tpu.memref_slice %arg8[%dma_wait3A_479] : memref<3328xi32, #tpu.memory_space<vmem>> -> memref<128xi32, #tpu.memory_space<vmem>>
    %dma_wait3A_481 = arith.constant 0 : i32
    %dma_wait3A_482 = tpu.memref_slice %arg3[%dma_wait3A_481] : memref<2600000xf32, #tpu.memory_space<hbm>> -> memref<2600000xf32, #tpu.memory_space<hbm>>
    tpu.wait_indirect_dma semaphore(%arg14 : memref<!tpu.dma_semaphore, #tpu.memory_space<semaphore_mem>>) src(%dma_wait3A_482 : memref<2600000xf32, #tpu.memory_space<hbm>>) dst(%dma_wait3A_478 : memref<128xf32, #tpu.memory_space<vmem>>)
    %dma_wait3A_483 = arith.constant 1024 : i32
    %dma_wait3A_484 = arith.constant 0 : i32
    %dma_wait3A_485 = tpu.memref_slice %arg9[%dma_wait3A_483, %dma_wait3A_484] : memref<3328x32xf32, #tpu.memory_space<vmem>> -> memref<128x32xf32, #tpu.memory_space<vmem>>
    %dma_wait3A_486 = arith.constant 1024 : i32
    %dma_wait3A_487 = tpu.memref_slice %arg8[%dma_wait3A_486] : memref<3328xi32, #tpu.memory_space<vmem>> -> memref<128xi32, #tpu.memory_space<vmem>>
    %dma_wait3A_488 = arith.constant 0 : i32
    %dma_wait3A_489 = arith.constant 0 : i32
    %dma_wait3A_490 = tpu.memref_slice %arg2[%dma_wait3A_488, %dma_wait3A_489] : memref<2600000x32xf32, #tpu.memory_space<hbm>> -> memref<2600000x32xf32, #tpu.memory_space<hbm>>
    tpu.wait_indirect_dma semaphore(%arg13 : memref<!tpu.dma_semaphore, #tpu.memory_space<semaphore_mem>>) src(%dma_wait3A_490 : memref<2600000x32xf32, #tpu.memory_space<hbm>>) dst(%dma_wait3A_485 : memref<128x32xf32, #tpu.memory_space<vmem>>)
    %dma_wait3A_491 = arith.constant 1024 : i32
    %dma_wait3A_492 = tpu.memref_slice %arg10[%dma_wait3A_491] : memref<3328xf32, #tpu.memory_space<vmem>> -> memref<128xf32, #tpu.memory_space<vmem>>
    %dma_wait3A_493 = arith.constant 1024 : i32
    %dma_wait3A_494 = tpu.memref_slice %arg8[%dma_wait3A_493] : memref<3328xi32, #tpu.memory_space<vmem>> -> memref<128xi32, #tpu.memory_space<vmem>>
    %dma_wait3A_495 = arith.constant 0 : i32
    %dma_wait3A_496 = tpu.memref_slice %arg3[%dma_wait3A_495] : memref<2600000xf32, #tpu.memory_space<hbm>> -> memref<2600000xf32, #tpu.memory_space<hbm>>
    tpu.wait_indirect_dma semaphore(%arg14 : memref<!tpu.dma_semaphore, #tpu.memory_space<semaphore_mem>>) src(%dma_wait3A_496 : memref<2600000xf32, #tpu.memory_space<hbm>>) dst(%dma_wait3A_492 : memref<128xf32, #tpu.memory_space<vmem>>)
    %dma_wait3A_497 = arith.constant 1152 : i32
    %dma_wait3A_498 = arith.constant 0 : i32
    %dma_wait3A_499 = tpu.memref_slice %arg9[%dma_wait3A_497, %dma_wait3A_498] : memref<3328x32xf32, #tpu.memory_space<vmem>> -> memref<128x32xf32, #tpu.memory_space<vmem>>
    %dma_wait3A_500 = arith.constant 1152 : i32
    %dma_wait3A_501 = tpu.memref_slice %arg8[%dma_wait3A_500] : memref<3328xi32, #tpu.memory_space<vmem>> -> memref<128xi32, #tpu.memory_space<vmem>>
    %dma_wait3A_502 = arith.constant 0 : i32
    %dma_wait3A_503 = arith.constant 0 : i32
    %dma_wait3A_504 = tpu.memref_slice %arg2[%dma_wait3A_502, %dma_wait3A_503] : memref<2600000x32xf32, #tpu.memory_space<hbm>> -> memref<2600000x32xf32, #tpu.memory_space<hbm>>
    tpu.wait_indirect_dma semaphore(%arg13 : memref<!tpu.dma_semaphore, #tpu.memory_space<semaphore_mem>>) src(%dma_wait3A_504 : memref<2600000x32xf32, #tpu.memory_space<hbm>>) dst(%dma_wait3A_499 : memref<128x32xf32, #tpu.memory_space<vmem>>)
    %dma_wait3A_505 = arith.constant 1152 : i32
    %dma_wait3A_506 = tpu.memref_slice %arg10[%dma_wait3A_505] : memref<3328xf32, #tpu.memory_space<vmem>> -> memref<128xf32, #tpu.memory_space<vmem>>
    %dma_wait3A_507 = arith.constant 1152 : i32
    %dma_wait3A_508 = tpu.memref_slice %arg8[%dma_wait3A_507] : memref<3328xi32, #tpu.memory_space<vmem>> -> memref<128xi32, #tpu.memory_space<vmem>>
    %dma_wait3A_509 = arith.constant 0 : i32
    %dma_wait3A_510 = tpu.memref_slice %arg3[%dma_wait3A_509] : memref<2600000xf32, #tpu.memory_space<hbm>> -> memref<2600000xf32, #tpu.memory_space<hbm>>
    tpu.wait_indirect_dma semaphore(%arg14 : memref<!tpu.dma_semaphore, #tpu.memory_space<semaphore_mem>>) src(%dma_wait3A_510 : memref<2600000xf32, #tpu.memory_space<hbm>>) dst(%dma_wait3A_506 : memref<128xf32, #tpu.memory_space<vmem>>)
    %dma_wait3A_511 = arith.constant 1280 : i32
    %dma_wait3A_512 = arith.constant 0 : i32
    %dma_wait3A_513 = tpu.memref_slice %arg9[%dma_wait3A_511, %dma_wait3A_512] : memref<3328x32xf32, #tpu.memory_space<vmem>> -> memref<128x32xf32, #tpu.memory_space<vmem>>
    %dma_wait3A_514 = arith.constant 1280 : i32
    %dma_wait3A_515 = tpu.memref_slice %arg8[%dma_wait3A_514] : memref<3328xi32, #tpu.memory_space<vmem>> -> memref<128xi32, #tpu.memory_space<vmem>>
    %dma_wait3A_516 = arith.constant 0 : i32
    %dma_wait3A_517 = arith.constant 0 : i32
    %dma_wait3A_518 = tpu.memref_slice %arg2[%dma_wait3A_516, %dma_wait3A_517] : memref<2600000x32xf32, #tpu.memory_space<hbm>> -> memref<2600000x32xf32, #tpu.memory_space<hbm>>
    tpu.wait_indirect_dma semaphore(%arg13 : memref<!tpu.dma_semaphore, #tpu.memory_space<semaphore_mem>>) src(%dma_wait3A_518 : memref<2600000x32xf32, #tpu.memory_space<hbm>>) dst(%dma_wait3A_513 : memref<128x32xf32, #tpu.memory_space<vmem>>)
    %dma_wait3A_519 = arith.constant 1280 : i32
    %dma_wait3A_520 = tpu.memref_slice %arg10[%dma_wait3A_519] : memref<3328xf32, #tpu.memory_space<vmem>> -> memref<128xf32, #tpu.memory_space<vmem>>
    %dma_wait3A_521 = arith.constant 1280 : i32
    %dma_wait3A_522 = tpu.memref_slice %arg8[%dma_wait3A_521] : memref<3328xi32, #tpu.memory_space<vmem>> -> memref<128xi32, #tpu.memory_space<vmem>>
    %dma_wait3A_523 = arith.constant 0 : i32
    %dma_wait3A_524 = tpu.memref_slice %arg3[%dma_wait3A_523] : memref<2600000xf32, #tpu.memory_space<hbm>> -> memref<2600000xf32, #tpu.memory_space<hbm>>
    tpu.wait_indirect_dma semaphore(%arg14 : memref<!tpu.dma_semaphore, #tpu.memory_space<semaphore_mem>>) src(%dma_wait3A_524 : memref<2600000xf32, #tpu.memory_space<hbm>>) dst(%dma_wait3A_520 : memref<128xf32, #tpu.memory_space<vmem>>)
    %dma_wait3A_525 = arith.constant 1408 : i32
    %dma_wait3A_526 = arith.constant 0 : i32
    %dma_wait3A_527 = tpu.memref_slice %arg9[%dma_wait3A_525, %dma_wait3A_526] : memref<3328x32xf32, #tpu.memory_space<vmem>> -> memref<128x32xf32, #tpu.memory_space<vmem>>
    %dma_wait3A_528 = arith.constant 1408 : i32
    %dma_wait3A_529 = tpu.memref_slice %arg8[%dma_wait3A_528] : memref<3328xi32, #tpu.memory_space<vmem>> -> memref<128xi32, #tpu.memory_space<vmem>>
    %dma_wait3A_530 = arith.constant 0 : i32
    %dma_wait3A_531 = arith.constant 0 : i32
    %dma_wait3A_532 = tpu.memref_slice %arg2[%dma_wait3A_530, %dma_wait3A_531] : memref<2600000x32xf32, #tpu.memory_space<hbm>> -> memref<2600000x32xf32, #tpu.memory_space<hbm>>
    tpu.wait_indirect_dma semaphore(%arg13 : memref<!tpu.dma_semaphore, #tpu.memory_space<semaphore_mem>>) src(%dma_wait3A_532 : memref<2600000x32xf32, #tpu.memory_space<hbm>>) dst(%dma_wait3A_527 : memref<128x32xf32, #tpu.memory_space<vmem>>)
    %dma_wait3A_533 = arith.constant 1408 : i32
    %dma_wait3A_534 = tpu.memref_slice %arg10[%dma_wait3A_533] : memref<3328xf32, #tpu.memory_space<vmem>> -> memref<128xf32, #tpu.memory_space<vmem>>
    %dma_wait3A_535 = arith.constant 1408 : i32
    %dma_wait3A_536 = tpu.memref_slice %arg8[%dma_wait3A_535] : memref<3328xi32, #tpu.memory_space<vmem>> -> memref<128xi32, #tpu.memory_space<vmem>>
    %dma_wait3A_537 = arith.constant 0 : i32
    %dma_wait3A_538 = tpu.memref_slice %arg3[%dma_wait3A_537] : memref<2600000xf32, #tpu.memory_space<hbm>> -> memref<2600000xf32, #tpu.memory_space<hbm>>
    tpu.wait_indirect_dma semaphore(%arg14 : memref<!tpu.dma_semaphore, #tpu.memory_space<semaphore_mem>>) src(%dma_wait3A_538 : memref<2600000xf32, #tpu.memory_space<hbm>>) dst(%dma_wait3A_534 : memref<128xf32, #tpu.memory_space<vmem>>)
    %dma_wait3A_539 = arith.constant 1536 : i32
    %dma_wait3A_540 = arith.constant 0 : i32
    %dma_wait3A_541 = tpu.memref_slice %arg9[%dma_wait3A_539, %dma_wait3A_540] : memref<3328x32xf32, #tpu.memory_space<vmem>> -> memref<128x32xf32, #tpu.memory_space<vmem>>
    %dma_wait3A_542 = arith.constant 1536 : i32
    %dma_wait3A_543 = tpu.memref_slice %arg8[%dma_wait3A_542] : memref<3328xi32, #tpu.memory_space<vmem>> -> memref<128xi32, #tpu.memory_space<vmem>>
    %dma_wait3A_544 = arith.constant 0 : i32
    %dma_wait3A_545 = arith.constant 0 : i32
    %dma_wait3A_546 = tpu.memref_slice %arg2[%dma_wait3A_544, %dma_wait3A_545] : memref<2600000x32xf32, #tpu.memory_space<hbm>> -> memref<2600000x32xf32, #tpu.memory_space<hbm>>
    tpu.wait_indirect_dma semaphore(%arg13 : memref<!tpu.dma_semaphore, #tpu.memory_space<semaphore_mem>>) src(%dma_wait3A_546 : memref<2600000x32xf32, #tpu.memory_space<hbm>>) dst(%dma_wait3A_541 : memref<128x32xf32, #tpu.memory_space<vmem>>)
    %dma_wait3A_547 = arith.constant 1536 : i32
    %dma_wait3A_548 = tpu.memref_slice %arg10[%dma_wait3A_547] : memref<3328xf32, #tpu.memory_space<vmem>> -> memref<128xf32, #tpu.memory_space<vmem>>
    %dma_wait3A_549 = arith.constant 1536 : i32
    %dma_wait3A_550 = tpu.memref_slice %arg8[%dma_wait3A_549] : memref<3328xi32, #tpu.memory_space<vmem>> -> memref<128xi32, #tpu.memory_space<vmem>>
    %dma_wait3A_551 = arith.constant 0 : i32
    %dma_wait3A_552 = tpu.memref_slice %arg3[%dma_wait3A_551] : memref<2600000xf32, #tpu.memory_space<hbm>> -> memref<2600000xf32, #tpu.memory_space<hbm>>
    tpu.wait_indirect_dma semaphore(%arg14 : memref<!tpu.dma_semaphore, #tpu.memory_space<semaphore_mem>>) src(%dma_wait3A_552 : memref<2600000xf32, #tpu.memory_space<hbm>>) dst(%dma_wait3A_548 : memref<128xf32, #tpu.memory_space<vmem>>)
    %dma_wait3A_553 = arith.constant 1664 : i32
    %dma_wait3A_554 = arith.constant 0 : i32
    %dma_wait3A_555 = tpu.memref_slice %arg9[%dma_wait3A_553, %dma_wait3A_554] : memref<3328x32xf32, #tpu.memory_space<vmem>> -> memref<128x32xf32, #tpu.memory_space<vmem>>
    %dma_wait3A_556 = arith.constant 1664 : i32
    %dma_wait3A_557 = tpu.memref_slice %arg8[%dma_wait3A_556] : memref<3328xi32, #tpu.memory_space<vmem>> -> memref<128xi32, #tpu.memory_space<vmem>>
    %dma_wait3A_558 = arith.constant 0 : i32
    %dma_wait3A_559 = arith.constant 0 : i32
    %dma_wait3A_560 = tpu.memref_slice %arg2[%dma_wait3A_558, %dma_wait3A_559] : memref<2600000x32xf32, #tpu.memory_space<hbm>> -> memref<2600000x32xf32, #tpu.memory_space<hbm>>
    tpu.wait_indirect_dma semaphore(%arg13 : memref<!tpu.dma_semaphore, #tpu.memory_space<semaphore_mem>>) src(%dma_wait3A_560 : memref<2600000x32xf32, #tpu.memory_space<hbm>>) dst(%dma_wait3A_555 : memref<128x32xf32, #tpu.memory_space<vmem>>)
    %dma_wait3A_561 = arith.constant 1664 : i32
    %dma_wait3A_562 = tpu.memref_slice %arg10[%dma_wait3A_561] : memref<3328xf32, #tpu.memory_space<vmem>> -> memref<128xf32, #tpu.memory_space<vmem>>
    %dma_wait3A_563 = arith.constant 1664 : i32
    %dma_wait3A_564 = tpu.memref_slice %arg8[%dma_wait3A_563] : memref<3328xi32, #tpu.memory_space<vmem>> -> memref<128xi32, #tpu.memory_space<vmem>>
    %dma_wait3A_565 = arith.constant 0 : i32
    %dma_wait3A_566 = tpu.memref_slice %arg3[%dma_wait3A_565] : memref<2600000xf32, #tpu.memory_space<hbm>> -> memref<2600000xf32, #tpu.memory_space<hbm>>
    tpu.wait_indirect_dma semaphore(%arg14 : memref<!tpu.dma_semaphore, #tpu.memory_space<semaphore_mem>>) src(%dma_wait3A_566 : memref<2600000xf32, #tpu.memory_space<hbm>>) dst(%dma_wait3A_562 : memref<128xf32, #tpu.memory_space<vmem>>)
    %dma_wait3A_567 = arith.constant 1792 : i32
    %dma_wait3A_568 = arith.constant 0 : i32
    %dma_wait3A_569 = tpu.memref_slice %arg9[%dma_wait3A_567, %dma_wait3A_568] : memref<3328x32xf32, #tpu.memory_space<vmem>> -> memref<128x32xf32, #tpu.memory_space<vmem>>
    %dma_wait3A_570 = arith.constant 1792 : i32
    %dma_wait3A_571 = tpu.memref_slice %arg8[%dma_wait3A_570] : memref<3328xi32, #tpu.memory_space<vmem>> -> memref<128xi32, #tpu.memory_space<vmem>>
    %dma_wait3A_572 = arith.constant 0 : i32
    %dma_wait3A_573 = arith.constant 0 : i32
    %dma_wait3A_574 = tpu.memref_slice %arg2[%dma_wait3A_572, %dma_wait3A_573] : memref<2600000x32xf32, #tpu.memory_space<hbm>> -> memref<2600000x32xf32, #tpu.memory_space<hbm>>
    tpu.wait_indirect_dma semaphore(%arg13 : memref<!tpu.dma_semaphore, #tpu.memory_space<semaphore_mem>>) src(%dma_wait3A_574 : memref<2600000x32xf32, #tpu.memory_space<hbm>>) dst(%dma_wait3A_569 : memref<128x32xf32, #tpu.memory_space<vmem>>)
    %dma_wait3A_575 = arith.constant 1792 : i32
    %dma_wait3A_576 = tpu.memref_slice %arg10[%dma_wait3A_575] : memref<3328xf32, #tpu.memory_space<vmem>> -> memref<128xf32, #tpu.memory_space<vmem>>
    %dma_wait3A_577 = arith.constant 1792 : i32
    %dma_wait3A_578 = tpu.memref_slice %arg8[%dma_wait3A_577] : memref<3328xi32, #tpu.memory_space<vmem>> -> memref<128xi32, #tpu.memory_space<vmem>>
    %dma_wait3A_579 = arith.constant 0 : i32
    %dma_wait3A_580 = tpu.memref_slice %arg3[%dma_wait3A_579] : memref<2600000xf32, #tpu.memory_space<hbm>> -> memref<2600000xf32, #tpu.memory_space<hbm>>
    tpu.wait_indirect_dma semaphore(%arg14 : memref<!tpu.dma_semaphore, #tpu.memory_space<semaphore_mem>>) src(%dma_wait3A_580 : memref<2600000xf32, #tpu.memory_space<hbm>>) dst(%dma_wait3A_576 : memref<128xf32, #tpu.memory_space<vmem>>)
    %dma_wait3A_581 = arith.constant 1920 : i32
    %dma_wait3A_582 = arith.constant 0 : i32
    %dma_wait3A_583 = tpu.memref_slice %arg9[%dma_wait3A_581, %dma_wait3A_582] : memref<3328x32xf32, #tpu.memory_space<vmem>> -> memref<128x32xf32, #tpu.memory_space<vmem>>
    %dma_wait3A_584 = arith.constant 1920 : i32
    %dma_wait3A_585 = tpu.memref_slice %arg8[%dma_wait3A_584] : memref<3328xi32, #tpu.memory_space<vmem>> -> memref<128xi32, #tpu.memory_space<vmem>>
    %dma_wait3A_586 = arith.constant 0 : i32
    %dma_wait3A_587 = arith.constant 0 : i32
    %dma_wait3A_588 = tpu.memref_slice %arg2[%dma_wait3A_586, %dma_wait3A_587] : memref<2600000x32xf32, #tpu.memory_space<hbm>> -> memref<2600000x32xf32, #tpu.memory_space<hbm>>
    tpu.wait_indirect_dma semaphore(%arg13 : memref<!tpu.dma_semaphore, #tpu.memory_space<semaphore_mem>>) src(%dma_wait3A_588 : memref<2600000x32xf32, #tpu.memory_space<hbm>>) dst(%dma_wait3A_583 : memref<128x32xf32, #tpu.memory_space<vmem>>)
    %dma_wait3A_589 = arith.constant 1920 : i32
    %dma_wait3A_590 = tpu.memref_slice %arg10[%dma_wait3A_589] : memref<3328xf32, #tpu.memory_space<vmem>> -> memref<128xf32, #tpu.memory_space<vmem>>
    %dma_wait3A_591 = arith.constant 1920 : i32
    %dma_wait3A_592 = tpu.memref_slice %arg8[%dma_wait3A_591] : memref<3328xi32, #tpu.memory_space<vmem>> -> memref<128xi32, #tpu.memory_space<vmem>>
    %dma_wait3A_593 = arith.constant 0 : i32
    %dma_wait3A_594 = tpu.memref_slice %arg3[%dma_wait3A_593] : memref<2600000xf32, #tpu.memory_space<hbm>> -> memref<2600000xf32, #tpu.memory_space<hbm>>
    tpu.wait_indirect_dma semaphore(%arg14 : memref<!tpu.dma_semaphore, #tpu.memory_space<semaphore_mem>>) src(%dma_wait3A_594 : memref<2600000xf32, #tpu.memory_space<hbm>>) dst(%dma_wait3A_590 : memref<128xf32, #tpu.memory_space<vmem>>)
    %dma_wait3A_595 = arith.constant 2048 : i32
    %dma_wait3A_596 = arith.constant 0 : i32
    %dma_wait3A_597 = tpu.memref_slice %arg9[%dma_wait3A_595, %dma_wait3A_596] : memref<3328x32xf32, #tpu.memory_space<vmem>> -> memref<128x32xf32, #tpu.memory_space<vmem>>
    %dma_wait3A_598 = arith.constant 2048 : i32
    %dma_wait3A_599 = tpu.memref_slice %arg8[%dma_wait3A_598] : memref<3328xi32, #tpu.memory_space<vmem>> -> memref<128xi32, #tpu.memory_space<vmem>>
    %dma_wait3A_600 = arith.constant 0 : i32
    %dma_wait3A_601 = arith.constant 0 : i32
    %dma_wait3A_602 = tpu.memref_slice %arg2[%dma_wait3A_600, %dma_wait3A_601] : memref<2600000x32xf32, #tpu.memory_space<hbm>> -> memref<2600000x32xf32, #tpu.memory_space<hbm>>
    tpu.wait_indirect_dma semaphore(%arg13 : memref<!tpu.dma_semaphore, #tpu.memory_space<semaphore_mem>>) src(%dma_wait3A_602 : memref<2600000x32xf32, #tpu.memory_space<hbm>>) dst(%dma_wait3A_597 : memref<128x32xf32, #tpu.memory_space<vmem>>)
    %dma_wait3A_603 = arith.constant 2048 : i32
    %dma_wait3A_604 = tpu.memref_slice %arg10[%dma_wait3A_603] : memref<3328xf32, #tpu.memory_space<vmem>> -> memref<128xf32, #tpu.memory_space<vmem>>
    %dma_wait3A_605 = arith.constant 2048 : i32
    %dma_wait3A_606 = tpu.memref_slice %arg8[%dma_wait3A_605] : memref<3328xi32, #tpu.memory_space<vmem>> -> memref<128xi32, #tpu.memory_space<vmem>>
    %dma_wait3A_607 = arith.constant 0 : i32
    %dma_wait3A_608 = tpu.memref_slice %arg3[%dma_wait3A_607] : memref<2600000xf32, #tpu.memory_space<hbm>> -> memref<2600000xf32, #tpu.memory_space<hbm>>
    tpu.wait_indirect_dma semaphore(%arg14 : memref<!tpu.dma_semaphore, #tpu.memory_space<semaphore_mem>>) src(%dma_wait3A_608 : memref<2600000xf32, #tpu.memory_space<hbm>>) dst(%dma_wait3A_604 : memref<128xf32, #tpu.memory_space<vmem>>)
    %dma_wait3A_609 = arith.constant 2176 : i32
    %dma_wait3A_610 = arith.constant 0 : i32
    %dma_wait3A_611 = tpu.memref_slice %arg9[%dma_wait3A_609, %dma_wait3A_610] : memref<3328x32xf32, #tpu.memory_space<vmem>> -> memref<128x32xf32, #tpu.memory_space<vmem>>
    %dma_wait3A_612 = arith.constant 2176 : i32
    %dma_wait3A_613 = tpu.memref_slice %arg8[%dma_wait3A_612] : memref<3328xi32, #tpu.memory_space<vmem>> -> memref<128xi32, #tpu.memory_space<vmem>>
    %dma_wait3A_614 = arith.constant 0 : i32
    %dma_wait3A_615 = arith.constant 0 : i32
    %dma_wait3A_616 = tpu.memref_slice %arg2[%dma_wait3A_614, %dma_wait3A_615] : memref<2600000x32xf32, #tpu.memory_space<hbm>> -> memref<2600000x32xf32, #tpu.memory_space<hbm>>
    tpu.wait_indirect_dma semaphore(%arg13 : memref<!tpu.dma_semaphore, #tpu.memory_space<semaphore_mem>>) src(%dma_wait3A_616 : memref<2600000x32xf32, #tpu.memory_space<hbm>>) dst(%dma_wait3A_611 : memref<128x32xf32, #tpu.memory_space<vmem>>)
    %dma_wait3A_617 = arith.constant 2176 : i32
    %dma_wait3A_618 = tpu.memref_slice %arg10[%dma_wait3A_617] : memref<3328xf32, #tpu.memory_space<vmem>> -> memref<128xf32, #tpu.memory_space<vmem>>
    %dma_wait3A_619 = arith.constant 2176 : i32
    %dma_wait3A_620 = tpu.memref_slice %arg8[%dma_wait3A_619] : memref<3328xi32, #tpu.memory_space<vmem>> -> memref<128xi32, #tpu.memory_space<vmem>>
    %dma_wait3A_621 = arith.constant 0 : i32
    %dma_wait3A_622 = tpu.memref_slice %arg3[%dma_wait3A_621] : memref<2600000xf32, #tpu.memory_space<hbm>> -> memref<2600000xf32, #tpu.memory_space<hbm>>
    tpu.wait_indirect_dma semaphore(%arg14 : memref<!tpu.dma_semaphore, #tpu.memory_space<semaphore_mem>>) src(%dma_wait3A_622 : memref<2600000xf32, #tpu.memory_space<hbm>>) dst(%dma_wait3A_618 : memref<128xf32, #tpu.memory_space<vmem>>)
    %dma_wait3A_623 = arith.constant 2304 : i32
    %dma_wait3A_624 = arith.constant 0 : i32
    %dma_wait3A_625 = tpu.memref_slice %arg9[%dma_wait3A_623, %dma_wait3A_624] : memref<3328x32xf32, #tpu.memory_space<vmem>> -> memref<128x32xf32, #tpu.memory_space<vmem>>
    %dma_wait3A_626 = arith.constant 2304 : i32
    %dma_wait3A_627 = tpu.memref_slice %arg8[%dma_wait3A_626] : memref<3328xi32, #tpu.memory_space<vmem>> -> memref<128xi32, #tpu.memory_space<vmem>>
    %dma_wait3A_628 = arith.constant 0 : i32
    %dma_wait3A_629 = arith.constant 0 : i32
    %dma_wait3A_630 = tpu.memref_slice %arg2[%dma_wait3A_628, %dma_wait3A_629] : memref<2600000x32xf32, #tpu.memory_space<hbm>> -> memref<2600000x32xf32, #tpu.memory_space<hbm>>
    tpu.wait_indirect_dma semaphore(%arg13 : memref<!tpu.dma_semaphore, #tpu.memory_space<semaphore_mem>>) src(%dma_wait3A_630 : memref<2600000x32xf32, #tpu.memory_space<hbm>>) dst(%dma_wait3A_625 : memref<128x32xf32, #tpu.memory_space<vmem>>)
    %dma_wait3A_631 = arith.constant 2304 : i32
    %dma_wait3A_632 = tpu.memref_slice %arg10[%dma_wait3A_631] : memref<3328xf32, #tpu.memory_space<vmem>> -> memref<128xf32, #tpu.memory_space<vmem>>
    %dma_wait3A_633 = arith.constant 2304 : i32
    %dma_wait3A_634 = tpu.memref_slice %arg8[%dma_wait3A_633] : memref<3328xi32, #tpu.memory_space<vmem>> -> memref<128xi32, #tpu.memory_space<vmem>>
    %dma_wait3A_635 = arith.constant 0 : i32
    %dma_wait3A_636 = tpu.memref_slice %arg3[%dma_wait3A_635] : memref<2600000xf32, #tpu.memory_space<hbm>> -> memref<2600000xf32, #tpu.memory_space<hbm>>
    tpu.wait_indirect_dma semaphore(%arg14 : memref<!tpu.dma_semaphore, #tpu.memory_space<semaphore_mem>>) src(%dma_wait3A_636 : memref<2600000xf32, #tpu.memory_space<hbm>>) dst(%dma_wait3A_632 : memref<128xf32, #tpu.memory_space<vmem>>)
    %dma_wait3A_637 = arith.constant 2432 : i32
    %dma_wait3A_638 = arith.constant 0 : i32
    %dma_wait3A_639 = tpu.memref_slice %arg9[%dma_wait3A_637, %dma_wait3A_638] : memref<3328x32xf32, #tpu.memory_space<vmem>> -> memref<128x32xf32, #tpu.memory_space<vmem>>
    %dma_wait3A_640 = arith.constant 2432 : i32
    %dma_wait3A_641 = tpu.memref_slice %arg8[%dma_wait3A_640] : memref<3328xi32, #tpu.memory_space<vmem>> -> memref<128xi32, #tpu.memory_space<vmem>>
    %dma_wait3A_642 = arith.constant 0 : i32
    %dma_wait3A_643 = arith.constant 0 : i32
    %dma_wait3A_644 = tpu.memref_slice %arg2[%dma_wait3A_642, %dma_wait3A_643] : memref<2600000x32xf32, #tpu.memory_space<hbm>> -> memref<2600000x32xf32, #tpu.memory_space<hbm>>
    tpu.wait_indirect_dma semaphore(%arg13 : memref<!tpu.dma_semaphore, #tpu.memory_space<semaphore_mem>>) src(%dma_wait3A_644 : memref<2600000x32xf32, #tpu.memory_space<hbm>>) dst(%dma_wait3A_639 : memref<128x32xf32, #tpu.memory_space<vmem>>)
    %dma_wait3A_645 = arith.constant 2432 : i32
    %dma_wait3A_646 = tpu.memref_slice %arg10[%dma_wait3A_645] : memref<3328xf32, #tpu.memory_space<vmem>> -> memref<128xf32, #tpu.memory_space<vmem>>
    %dma_wait3A_647 = arith.constant 2432 : i32
    %dma_wait3A_648 = tpu.memref_slice %arg8[%dma_wait3A_647] : memref<3328xi32, #tpu.memory_space<vmem>> -> memref<128xi32, #tpu.memory_space<vmem>>
    %dma_wait3A_649 = arith.constant 0 : i32
    %dma_wait3A_650 = tpu.memref_slice %arg3[%dma_wait3A_649] : memref<2600000xf32, #tpu.memory_space<hbm>> -> memref<2600000xf32, #tpu.memory_space<hbm>>
    tpu.wait_indirect_dma semaphore(%arg14 : memref<!tpu.dma_semaphore, #tpu.memory_space<semaphore_mem>>) src(%dma_wait3A_650 : memref<2600000xf32, #tpu.memory_space<hbm>>) dst(%dma_wait3A_646 : memref<128xf32, #tpu.memory_space<vmem>>)
    %dma_wait3A_651 = arith.constant 2560 : i32
    %dma_wait3A_652 = arith.constant 0 : i32
    %dma_wait3A_653 = tpu.memref_slice %arg9[%dma_wait3A_651, %dma_wait3A_652] : memref<3328x32xf32, #tpu.memory_space<vmem>> -> memref<128x32xf32, #tpu.memory_space<vmem>>
    %dma_wait3A_654 = arith.constant 2560 : i32
    %dma_wait3A_655 = tpu.memref_slice %arg8[%dma_wait3A_654] : memref<3328xi32, #tpu.memory_space<vmem>> -> memref<128xi32, #tpu.memory_space<vmem>>
    %dma_wait3A_656 = arith.constant 0 : i32
    %dma_wait3A_657 = arith.constant 0 : i32
    %dma_wait3A_658 = tpu.memref_slice %arg2[%dma_wait3A_656, %dma_wait3A_657] : memref<2600000x32xf32, #tpu.memory_space<hbm>> -> memref<2600000x32xf32, #tpu.memory_space<hbm>>
    tpu.wait_indirect_dma semaphore(%arg13 : memref<!tpu.dma_semaphore, #tpu.memory_space<semaphore_mem>>) src(%dma_wait3A_658 : memref<2600000x32xf32, #tpu.memory_space<hbm>>) dst(%dma_wait3A_653 : memref<128x32xf32, #tpu.memory_space<vmem>>)
    %dma_wait3A_659 = arith.constant 2560 : i32
    %dma_wait3A_660 = tpu.memref_slice %arg10[%dma_wait3A_659] : memref<3328xf32, #tpu.memory_space<vmem>> -> memref<128xf32, #tpu.memory_space<vmem>>
    %dma_wait3A_661 = arith.constant 2560 : i32
    %dma_wait3A_662 = tpu.memref_slice %arg8[%dma_wait3A_661] : memref<3328xi32, #tpu.memory_space<vmem>> -> memref<128xi32, #tpu.memory_space<vmem>>
    %dma_wait3A_663 = arith.constant 0 : i32
    %dma_wait3A_664 = tpu.memref_slice %arg3[%dma_wait3A_663] : memref<2600000xf32, #tpu.memory_space<hbm>> -> memref<2600000xf32, #tpu.memory_space<hbm>>
    tpu.wait_indirect_dma semaphore(%arg14 : memref<!tpu.dma_semaphore, #tpu.memory_space<semaphore_mem>>) src(%dma_wait3A_664 : memref<2600000xf32, #tpu.memory_space<hbm>>) dst(%dma_wait3A_660 : memref<128xf32, #tpu.memory_space<vmem>>)
    %dma_wait3A_665 = arith.constant 2688 : i32
    %dma_wait3A_666 = arith.constant 0 : i32
    %dma_wait3A_667 = tpu.memref_slice %arg9[%dma_wait3A_665, %dma_wait3A_666] : memref<3328x32xf32, #tpu.memory_space<vmem>> -> memref<128x32xf32, #tpu.memory_space<vmem>>
    %dma_wait3A_668 = arith.constant 2688 : i32
    %dma_wait3A_669 = tpu.memref_slice %arg8[%dma_wait3A_668] : memref<3328xi32, #tpu.memory_space<vmem>> -> memref<128xi32, #tpu.memory_space<vmem>>
    %dma_wait3A_670 = arith.constant 0 : i32
    %dma_wait3A_671 = arith.constant 0 : i32
    %dma_wait3A_672 = tpu.memref_slice %arg2[%dma_wait3A_670, %dma_wait3A_671] : memref<2600000x32xf32, #tpu.memory_space<hbm>> -> memref<2600000x32xf32, #tpu.memory_space<hbm>>
    tpu.wait_indirect_dma semaphore(%arg13 : memref<!tpu.dma_semaphore, #tpu.memory_space<semaphore_mem>>) src(%dma_wait3A_672 : memref<2600000x32xf32, #tpu.memory_space<hbm>>) dst(%dma_wait3A_667 : memref<128x32xf32, #tpu.memory_space<vmem>>)
    %dma_wait3A_673 = arith.constant 2688 : i32
    %dma_wait3A_674 = tpu.memref_slice %arg10[%dma_wait3A_673] : memref<3328xf32, #tpu.memory_space<vmem>> -> memref<128xf32, #tpu.memory_space<vmem>>
    %dma_wait3A_675 = arith.constant 2688 : i32
    %dma_wait3A_676 = tpu.memref_slice %arg8[%dma_wait3A_675] : memref<3328xi32, #tpu.memory_space<vmem>> -> memref<128xi32, #tpu.memory_space<vmem>>
    %dma_wait3A_677 = arith.constant 0 : i32
    %dma_wait3A_678 = tpu.memref_slice %arg3[%dma_wait3A_677] : memref<2600000xf32, #tpu.memory_space<hbm>> -> memref<2600000xf32, #tpu.memory_space<hbm>>
    tpu.wait_indirect_dma semaphore(%arg14 : memref<!tpu.dma_semaphore, #tpu.memory_space<semaphore_mem>>) src(%dma_wait3A_678 : memref<2600000xf32, #tpu.memory_space<hbm>>) dst(%dma_wait3A_674 : memref<128xf32, #tpu.memory_space<vmem>>)
    %dma_wait3A_679 = arith.constant 2816 : i32
    %dma_wait3A_680 = arith.constant 0 : i32
    %dma_wait3A_681 = tpu.memref_slice %arg9[%dma_wait3A_679, %dma_wait3A_680] : memref<3328x32xf32, #tpu.memory_space<vmem>> -> memref<128x32xf32, #tpu.memory_space<vmem>>
    %dma_wait3A_682 = arith.constant 2816 : i32
    %dma_wait3A_683 = tpu.memref_slice %arg8[%dma_wait3A_682] : memref<3328xi32, #tpu.memory_space<vmem>> -> memref<128xi32, #tpu.memory_space<vmem>>
    %dma_wait3A_684 = arith.constant 0 : i32
    %dma_wait3A_685 = arith.constant 0 : i32
    %dma_wait3A_686 = tpu.memref_slice %arg2[%dma_wait3A_684, %dma_wait3A_685] : memref<2600000x32xf32, #tpu.memory_space<hbm>> -> memref<2600000x32xf32, #tpu.memory_space<hbm>>
    tpu.wait_indirect_dma semaphore(%arg13 : memref<!tpu.dma_semaphore, #tpu.memory_space<semaphore_mem>>) src(%dma_wait3A_686 : memref<2600000x32xf32, #tpu.memory_space<hbm>>) dst(%dma_wait3A_681 : memref<128x32xf32, #tpu.memory_space<vmem>>)
    %dma_wait3A_687 = arith.constant 2816 : i32
    %dma_wait3A_688 = tpu.memref_slice %arg10[%dma_wait3A_687] : memref<3328xf32, #tpu.memory_space<vmem>> -> memref<128xf32, #tpu.memory_space<vmem>>
    %dma_wait3A_689 = arith.constant 2816 : i32
    %dma_wait3A_690 = tpu.memref_slice %arg8[%dma_wait3A_689] : memref<3328xi32, #tpu.memory_space<vmem>> -> memref<128xi32, #tpu.memory_space<vmem>>
    %dma_wait3A_691 = arith.constant 0 : i32
    %dma_wait3A_692 = tpu.memref_slice %arg3[%dma_wait3A_691] : memref<2600000xf32, #tpu.memory_space<hbm>> -> memref<2600000xf32, #tpu.memory_space<hbm>>
    tpu.wait_indirect_dma semaphore(%arg14 : memref<!tpu.dma_semaphore, #tpu.memory_space<semaphore_mem>>) src(%dma_wait3A_692 : memref<2600000xf32, #tpu.memory_space<hbm>>) dst(%dma_wait3A_688 : memref<128xf32, #tpu.memory_space<vmem>>)
    %dma_wait3A_693 = arith.constant 2944 : i32
    %dma_wait3A_694 = arith.constant 0 : i32
    %dma_wait3A_695 = tpu.memref_slice %arg9[%dma_wait3A_693, %dma_wait3A_694] : memref<3328x32xf32, #tpu.memory_space<vmem>> -> memref<128x32xf32, #tpu.memory_space<vmem>>
    %dma_wait3A_696 = arith.constant 2944 : i32
    %dma_wait3A_697 = tpu.memref_slice %arg8[%dma_wait3A_696] : memref<3328xi32, #tpu.memory_space<vmem>> -> memref<128xi32, #tpu.memory_space<vmem>>
    %dma_wait3A_698 = arith.constant 0 : i32
    %dma_wait3A_699 = arith.constant 0 : i32
    %dma_wait3A_700 = tpu.memref_slice %arg2[%dma_wait3A_698, %dma_wait3A_699] : memref<2600000x32xf32, #tpu.memory_space<hbm>> -> memref<2600000x32xf32, #tpu.memory_space<hbm>>
    tpu.wait_indirect_dma semaphore(%arg13 : memref<!tpu.dma_semaphore, #tpu.memory_space<semaphore_mem>>) src(%dma_wait3A_700 : memref<2600000x32xf32, #tpu.memory_space<hbm>>) dst(%dma_wait3A_695 : memref<128x32xf32, #tpu.memory_space<vmem>>)
    %dma_wait3A_701 = arith.constant 2944 : i32
    %dma_wait3A_702 = tpu.memref_slice %arg10[%dma_wait3A_701] : memref<3328xf32, #tpu.memory_space<vmem>> -> memref<128xf32, #tpu.memory_space<vmem>>
    %dma_wait3A_703 = arith.constant 2944 : i32
    %dma_wait3A_704 = tpu.memref_slice %arg8[%dma_wait3A_703] : memref<3328xi32, #tpu.memory_space<vmem>> -> memref<128xi32, #tpu.memory_space<vmem>>
    %dma_wait3A_705 = arith.constant 0 : i32
    %dma_wait3A_706 = tpu.memref_slice %arg3[%dma_wait3A_705] : memref<2600000xf32, #tpu.memory_space<hbm>> -> memref<2600000xf32, #tpu.memory_space<hbm>>
    tpu.wait_indirect_dma semaphore(%arg14 : memref<!tpu.dma_semaphore, #tpu.memory_space<semaphore_mem>>) src(%dma_wait3A_706 : memref<2600000xf32, #tpu.memory_space<hbm>>) dst(%dma_wait3A_702 : memref<128xf32, #tpu.memory_space<vmem>>)
    %dma_wait3A_707 = arith.constant 3072 : i32
    %dma_wait3A_708 = arith.constant 0 : i32
    %dma_wait3A_709 = tpu.memref_slice %arg9[%dma_wait3A_707, %dma_wait3A_708] : memref<3328x32xf32, #tpu.memory_space<vmem>> -> memref<128x32xf32, #tpu.memory_space<vmem>>
    %dma_wait3A_710 = arith.constant 3072 : i32
    %dma_wait3A_711 = tpu.memref_slice %arg8[%dma_wait3A_710] : memref<3328xi32, #tpu.memory_space<vmem>> -> memref<128xi32, #tpu.memory_space<vmem>>
    %dma_wait3A_712 = arith.constant 0 : i32
    %dma_wait3A_713 = arith.constant 0 : i32
    %dma_wait3A_714 = tpu.memref_slice %arg2[%dma_wait3A_712, %dma_wait3A_713] : memref<2600000x32xf32, #tpu.memory_space<hbm>> -> memref<2600000x32xf32, #tpu.memory_space<hbm>>
    tpu.wait_indirect_dma semaphore(%arg13 : memref<!tpu.dma_semaphore, #tpu.memory_space<semaphore_mem>>) src(%dma_wait3A_714 : memref<2600000x32xf32, #tpu.memory_space<hbm>>) dst(%dma_wait3A_709 : memref<128x32xf32, #tpu.memory_space<vmem>>)
    %dma_wait3A_715 = arith.constant 3072 : i32
    %dma_wait3A_716 = tpu.memref_slice %arg10[%dma_wait3A_715] : memref<3328xf32, #tpu.memory_space<vmem>> -> memref<128xf32, #tpu.memory_space<vmem>>
    %dma_wait3A_717 = arith.constant 3072 : i32
    %dma_wait3A_718 = tpu.memref_slice %arg8[%dma_wait3A_717] : memref<3328xi32, #tpu.memory_space<vmem>> -> memref<128xi32, #tpu.memory_space<vmem>>
    %dma_wait3A_719 = arith.constant 0 : i32
    %dma_wait3A_720 = tpu.memref_slice %arg3[%dma_wait3A_719] : memref<2600000xf32, #tpu.memory_space<hbm>> -> memref<2600000xf32, #tpu.memory_space<hbm>>
    tpu.wait_indirect_dma semaphore(%arg14 : memref<!tpu.dma_semaphore, #tpu.memory_space<semaphore_mem>>) src(%dma_wait3A_720 : memref<2600000xf32, #tpu.memory_space<hbm>>) dst(%dma_wait3A_716 : memref<128xf32, #tpu.memory_space<vmem>>)
    %dma_wait3A_721 = arith.constant 3200 : i32
    %dma_wait3A_722 = arith.constant 0 : i32
    %dma_wait3A_723 = tpu.memref_slice %arg9[%dma_wait3A_721, %dma_wait3A_722] : memref<3328x32xf32, #tpu.memory_space<vmem>> -> memref<128x32xf32, #tpu.memory_space<vmem>>
    %dma_wait3A_724 = arith.constant 3200 : i32
    %dma_wait3A_725 = tpu.memref_slice %arg8[%dma_wait3A_724] : memref<3328xi32, #tpu.memory_space<vmem>> -> memref<128xi32, #tpu.memory_space<vmem>>
    %dma_wait3A_726 = arith.constant 0 : i32
    %dma_wait3A_727 = arith.constant 0 : i32
    %dma_wait3A_728 = tpu.memref_slice %arg2[%dma_wait3A_726, %dma_wait3A_727] : memref<2600000x32xf32, #tpu.memory_space<hbm>> -> memref<2600000x32xf32, #tpu.memory_space<hbm>>
    tpu.wait_indirect_dma semaphore(%arg13 : memref<!tpu.dma_semaphore, #tpu.memory_space<semaphore_mem>>) src(%dma_wait3A_728 : memref<2600000x32xf32, #tpu.memory_space<hbm>>) dst(%dma_wait3A_723 : memref<128x32xf32, #tpu.memory_space<vmem>>)
    %dma_wait3A_729 = arith.constant 3200 : i32
    %dma_wait3A_730 = tpu.memref_slice %arg10[%dma_wait3A_729] : memref<3328xf32, #tpu.memory_space<vmem>> -> memref<128xf32, #tpu.memory_space<vmem>>
    %dma_wait3A_731 = arith.constant 3200 : i32
    %dma_wait3A_732 = tpu.memref_slice %arg8[%dma_wait3A_731] : memref<3328xi32, #tpu.memory_space<vmem>> -> memref<128xi32, #tpu.memory_space<vmem>>
    %dma_wait3A_733 = arith.constant 0 : i32
    %dma_wait3A_734 = tpu.memref_slice %arg3[%dma_wait3A_733] : memref<2600000xf32, #tpu.memory_space<hbm>> -> memref<2600000xf32, #tpu.memory_space<hbm>>
    tpu.wait_indirect_dma semaphore(%arg14 : memref<!tpu.dma_semaphore, #tpu.memory_space<semaphore_mem>>) src(%dma_wait3A_734 : memref<2600000xf32, #tpu.memory_space<hbm>>) dst(%dma_wait3A_730 : memref<128xf32, #tpu.memory_space<vmem>>)
    %scan3A_735 = arith.constant 0 : i32
    %scan3A_736 = arith.constant 128 : i32
    %scan3A_737 = arith.addi %scan3A_735, %scan3A_736 : i32
    %scan3A_738 = arith.constant 1 : i32
    scf.for %scan3A_742 = %scan3A_735 to %scan3A_737 step %scan3A_738  : i32 {
      %mul3A_743 = arith.constant 26 : i32
      %mul3A_744 = arith.muli %scan3A_742, %mul3A_743 : i32
      %get3A = arith.index_cast %mul3A_744 : i32 to index
      %get3A_745 = arith.constant 0 : index
      %get3A_746 = tpu.vector_load %arg9[%get3A, %get3A_745] {strides = array<i32>} : memref<3328x32xf32, #tpu.memory_space<vmem>>, vector<1x16xf32>,
      %get3A_747 = vector.shape_cast %get3A_746 : vector<1x16xf32> to vector<16xf32>
      %get3A_748 = arith.index_cast %mul3A_744 : i32 to index
      %get3A_749 = arith.constant 16 : index
      %get3A_750 = tpu.vector_load %arg9[%get3A_748, %get3A_749] {strides = array<i32>} : memref<3328x32xf32, #tpu.memory_space<vmem>>, vector<1x16xf32>,
      %get3A_751 = vector.shape_cast %get3A_750 : vector<1x16xf32> to vector<16xf32>
      %mul3A_752 = arith.mulf %get3A_747, %get3A_747 : vector<16xf32>
      %mul3A_753 = arith.mulf %get3A_751, %get3A_751 : vector<16xf32>
      %add3A_754 = arith.constant 1 : i32
      %add3A_755 = arith.addi %mul3A_744, %add3A_754 : i32
      %get3A_756 = arith.index_cast %add3A_755 : i32 to index
      %get3A_757 = arith.constant 0 : index
      %get3A_758 = tpu.vector_load %arg9[%get3A_756, %get3A_757] {strides = array<i32>} : memref<3328x32xf32, #tpu.memory_space<vmem>>, vector<1x16xf32>,
      %get3A_759 = vector.shape_cast %get3A_758 : vector<1x16xf32> to vector<16xf32>
      %add3A_760 = arith.constant 1 : i32
      %add3A_761 = arith.addi %mul3A_744, %add3A_760 : i32
      %get3A_762 = arith.index_cast %add3A_761 : i32 to index
      %get3A_763 = arith.constant 16 : index
      %get3A_764 = tpu.vector_load %arg9[%get3A_762, %get3A_763] {strides = array<i32>} : memref<3328x32xf32, #tpu.memory_space<vmem>>, vector<1x16xf32>,
      %get3A_765 = vector.shape_cast %get3A_764 : vector<1x16xf32> to vector<16xf32>
      %add3A_766 = arith.addf %get3A_747, %get3A_759 : vector<16xf32>
      %add3A_767 = arith.addf %get3A_751, %get3A_765 : vector<16xf32>
      %mul3A_768 = arith.mulf %get3A_759, %get3A_759 : vector<16xf32>
      %add3A_769 = arith.addf %mul3A_752, %mul3A_768 : vector<16xf32>
      %mul3A_770 = arith.mulf %get3A_765, %get3A_765 : vector<16xf32>
      %add3A_771 = arith.addf %mul3A_753, %mul3A_770 : vector<16xf32>
      %add3A_772 = arith.constant 2 : i32
      %add3A_773 = arith.addi %mul3A_744, %add3A_772 : i32
      %get3A_774 = arith.index_cast %add3A_773 : i32 to index
      %get3A_775 = arith.constant 0 : index
      %get3A_776 = tpu.vector_load %arg9[%get3A_774, %get3A_775] {strides = array<i32>} : memref<3328x32xf32, #tpu.memory_space<vmem>>, vector<1x16xf32>,
      %get3A_777 = vector.shape_cast %get3A_776 : vector<1x16xf32> to vector<16xf32>
      %add3A_778 = arith.constant 2 : i32
      %add3A_779 = arith.addi %mul3A_744, %add3A_778 : i32
      %get3A_780 = arith.index_cast %add3A_779 : i32 to index
      %get3A_781 = arith.constant 16 : index
      %get3A_782 = tpu.vector_load %arg9[%get3A_780, %get3A_781] {strides = array<i32>} : memref<3328x32xf32, #tpu.memory_space<vmem>>, vector<1x16xf32>,
      %get3A_783 = vector.shape_cast %get3A_782 : vector<1x16xf32> to vector<16xf32>
      %add3A_784 = arith.addf %add3A_766, %get3A_777 : vector<16xf32>
      %add3A_785 = arith.addf %add3A_767, %get3A_783 : vector<16xf32>
      %mul3A_786 = arith.mulf %get3A_777, %get3A_777 : vector<16xf32>
      %add3A_787 = arith.addf %add3A_769, %mul3A_786 : vector<16xf32>
      %mul3A_788 = arith.mulf %get3A_783, %get3A_783 : vector<16xf32>
      %add3A_789 = arith.addf %add3A_771, %mul3A_788 : vector<16xf32>
      %add3A_790 = arith.constant 3 : i32
      %add3A_791 = arith.addi %mul3A_744, %add3A_790 : i32
      %get3A_792 = arith.index_cast %add3A_791 : i32 to index
      %get3A_793 = arith.constant 0 : index
      %get3A_794 = tpu.vector_load %arg9[%get3A_792, %get3A_793] {strides = array<i32>} : memref<3328x32xf32, #tpu.memory_space<vmem>>, vector<1x16xf32>,
      %get3A_795 = vector.shape_cast %get3A_794 : vector<1x16xf32> to vector<16xf32>
      %add3A_796 = arith.constant 3 : i32
      %add3A_797 = arith.addi %mul3A_744, %add3A_796 : i32
      %get3A_798 = arith.index_cast %add3A_797 : i32 to index
      %get3A_799 = arith.constant 16 : index
      %get3A_800 = tpu.vector_load %arg9[%get3A_798, %get3A_799] {strides = array<i32>} : memref<3328x32xf32, #tpu.memory_space<vmem>>, vector<1x16xf32>,
      %get3A_801 = vector.shape_cast %get3A_800 : vector<1x16xf32> to vector<16xf32>
      %add3A_802 = arith.addf %add3A_784, %get3A_795 : vector<16xf32>
      %add3A_803 = arith.addf %add3A_785, %get3A_801 : vector<16xf32>
      %mul3A_804 = arith.mulf %get3A_795, %get3A_795 : vector<16xf32>
      %add3A_805 = arith.addf %add3A_787, %mul3A_804 : vector<16xf32>
      %mul3A_806 = arith.mulf %get3A_801, %get3A_801 : vector<16xf32>
      %add3A_807 = arith.addf %add3A_789, %mul3A_806 : vector<16xf32>
      %add3A_808 = arith.constant 4 : i32
      %add3A_809 = arith.addi %mul3A_744, %add3A_808 : i32
      %get3A_810 = arith.index_cast %add3A_809 : i32 to index
      %get3A_811 = arith.constant 0 : index
      %get3A_812 = tpu.vector_load %arg9[%get3A_810, %get3A_811] {strides = array<i32>} : memref<3328x32xf32, #tpu.memory_space<vmem>>, vector<1x16xf32>,
      %get3A_813 = vector.shape_cast %get3A_812 : vector<1x16xf32> to vector<16xf32>
      %add3A_814 = arith.constant 4 : i32
      %add3A_815 = arith.addi %mul3A_744, %add3A_814 : i32
      %get3A_816 = arith.index_cast %add3A_815 : i32 to index
      %get3A_817 = arith.constant 16 : index
      %get3A_818 = tpu.vector_load %arg9[%get3A_816, %get3A_817] {strides = array<i32>} : memref<3328x32xf32, #tpu.memory_space<vmem>>, vector<1x16xf32>,
      %get3A_819 = vector.shape_cast %get3A_818 : vector<1x16xf32> to vector<16xf32>
      %add3A_820 = arith.addf %add3A_802, %get3A_813 : vector<16xf32>
      %add3A_821 = arith.addf %add3A_803, %get3A_819 : vector<16xf32>
      %mul3A_822 = arith.mulf %get3A_813, %get3A_813 : vector<16xf32>
      %add3A_823 = arith.addf %add3A_805, %mul3A_822 : vector<16xf32>
      %mul3A_824 = arith.mulf %get3A_819, %get3A_819 : vector<16xf32>
      %add3A_825 = arith.addf %add3A_807, %mul3A_824 : vector<16xf32>
      %add3A_826 = arith.constant 5 : i32
      %add3A_827 = arith.addi %mul3A_744, %add3A_826 : i32
      %get3A_828 = arith.index_cast %add3A_827 : i32 to index
      %get3A_829 = arith.constant 0 : index
      %get3A_830 = tpu.vector_load %arg9[%get3A_828, %get3A_829] {strides = array<i32>} : memref<3328x32xf32, #tpu.memory_space<vmem>>, vector<1x16xf32>,
      %get3A_831 = vector.shape_cast %get3A_830 : vector<1x16xf32> to vector<16xf32>
      %add3A_832 = arith.constant 5 : i32
      %add3A_833 = arith.addi %mul3A_744, %add3A_832 : i32
      %get3A_834 = arith.index_cast %add3A_833 : i32 to index
      %get3A_835 = arith.constant 16 : index
      %get3A_836 = tpu.vector_load %arg9[%get3A_834, %get3A_835] {strides = array<i32>} : memref<3328x32xf32, #tpu.memory_space<vmem>>, vector<1x16xf32>,
      %get3A_837 = vector.shape_cast %get3A_836 : vector<1x16xf32> to vector<16xf32>
      %add3A_838 = arith.addf %add3A_820, %get3A_831 : vector<16xf32>
      %add3A_839 = arith.addf %add3A_821, %get3A_837 : vector<16xf32>
      %mul3A_840 = arith.mulf %get3A_831, %get3A_831 : vector<16xf32>
      %add3A_841 = arith.addf %add3A_823, %mul3A_840 : vector<16xf32>
      %mul3A_842 = arith.mulf %get3A_837, %get3A_837 : vector<16xf32>
      %add3A_843 = arith.addf %add3A_825, %mul3A_842 : vector<16xf32>
      %add3A_844 = arith.constant 6 : i32
      %add3A_845 = arith.addi %mul3A_744, %add3A_844 : i32
      %get3A_846 = arith.index_cast %add3A_845 : i32 to index
      %get3A_847 = arith.constant 0 : index
      %get3A_848 = tpu.vector_load %arg9[%get3A_846, %get3A_847] {strides = array<i32>} : memref<3328x32xf32, #tpu.memory_space<vmem>>, vector<1x16xf32>,
      %get3A_849 = vector.shape_cast %get3A_848 : vector<1x16xf32> to vector<16xf32>
      %add3A_850 = arith.constant 6 : i32
      %add3A_851 = arith.addi %mul3A_744, %add3A_850 : i32
      %get3A_852 = arith.index_cast %add3A_851 : i32 to index
      %get3A_853 = arith.constant 16 : index
      %get3A_854 = tpu.vector_load %arg9[%get3A_852, %get3A_853] {strides = array<i32>} : memref<3328x32xf32, #tpu.memory_space<vmem>>, vector<1x16xf32>,
      %get3A_855 = vector.shape_cast %get3A_854 : vector<1x16xf32> to vector<16xf32>
      %add3A_856 = arith.addf %add3A_838, %get3A_849 : vector<16xf32>
      %add3A_857 = arith.addf %add3A_839, %get3A_855 : vector<16xf32>
      %mul3A_858 = arith.mulf %get3A_849, %get3A_849 : vector<16xf32>
      %add3A_859 = arith.addf %add3A_841, %mul3A_858 : vector<16xf32>
      %mul3A_860 = arith.mulf %get3A_855, %get3A_855 : vector<16xf32>
      %add3A_861 = arith.addf %add3A_843, %mul3A_860 : vector<16xf32>
      %add3A_862 = arith.constant 7 : i32
      %add3A_863 = arith.addi %mul3A_744, %add3A_862 : i32
      %get3A_864 = arith.index_cast %add3A_863 : i32 to index
      %get3A_865 = arith.constant 0 : index
      %get3A_866 = tpu.vector_load %arg9[%get3A_864, %get3A_865] {strides = array<i32>} : memref<3328x32xf32, #tpu.memory_space<vmem>>, vector<1x16xf32>,
      %get3A_867 = vector.shape_cast %get3A_866 : vector<1x16xf32> to vector<16xf32>
      %add3A_868 = arith.constant 7 : i32
      %add3A_869 = arith.addi %mul3A_744, %add3A_868 : i32
      %get3A_870 = arith.index_cast %add3A_869 : i32 to index
      %get3A_871 = arith.constant 16 : index
      %get3A_872 = tpu.vector_load %arg9[%get3A_870, %get3A_871] {strides = array<i32>} : memref<3328x32xf32, #tpu.memory_space<vmem>>, vector<1x16xf32>,
      %get3A_873 = vector.shape_cast %get3A_872 : vector<1x16xf32> to vector<16xf32>
      %add3A_874 = arith.addf %add3A_856, %get3A_867 : vector<16xf32>
      %add3A_875 = arith.addf %add3A_857, %get3A_873 : vector<16xf32>
      %mul3A_876 = arith.mulf %get3A_867, %get3A_867 : vector<16xf32>
      %add3A_877 = arith.addf %add3A_859, %mul3A_876 : vector<16xf32>
      %mul3A_878 = arith.mulf %get3A_873, %get3A_873 : vector<16xf32>
      %add3A_879 = arith.addf %add3A_861, %mul3A_878 : vector<16xf32>
      %add3A_880 = arith.constant 8 : i32
      %add3A_881 = arith.addi %mul3A_744, %add3A_880 : i32
      %get3A_882 = arith.index_cast %add3A_881 : i32 to index
      %get3A_883 = arith.constant 0 : index
      %get3A_884 = tpu.vector_load %arg9[%get3A_882, %get3A_883] {strides = array<i32>} : memref<3328x32xf32, #tpu.memory_space<vmem>>, vector<1x16xf32>,
      %get3A_885 = vector.shape_cast %get3A_884 : vector<1x16xf32> to vector<16xf32>
      %add3A_886 = arith.constant 8 : i32
      %add3A_887 = arith.addi %mul3A_744, %add3A_886 : i32
      %get3A_888 = arith.index_cast %add3A_887 : i32 to index
      %get3A_889 = arith.constant 16 : index
      %get3A_890 = tpu.vector_load %arg9[%get3A_888, %get3A_889] {strides = array<i32>} : memref<3328x32xf32, #tpu.memory_space<vmem>>, vector<1x16xf32>,
      %get3A_891 = vector.shape_cast %get3A_890 : vector<1x16xf32> to vector<16xf32>
      %add3A_892 = arith.addf %add3A_874, %get3A_885 : vector<16xf32>
      %add3A_893 = arith.addf %add3A_875, %get3A_891 : vector<16xf32>
      %mul3A_894 = arith.mulf %get3A_885, %get3A_885 : vector<16xf32>
      %add3A_895 = arith.addf %add3A_877, %mul3A_894 : vector<16xf32>
      %mul3A_896 = arith.mulf %get3A_891, %get3A_891 : vector<16xf32>
      %add3A_897 = arith.addf %add3A_879, %mul3A_896 : vector<16xf32>
      %add3A_898 = arith.constant 9 : i32
      %add3A_899 = arith.addi %mul3A_744, %add3A_898 : i32
      %get3A_900 = arith.index_cast %add3A_899 : i32 to index
      %get3A_901 = arith.constant 0 : index
      %get3A_902 = tpu.vector_load %arg9[%get3A_900, %get3A_901] {strides = array<i32>} : memref<3328x32xf32, #tpu.memory_space<vmem>>, vector<1x16xf32>,
      %get3A_903 = vector.shape_cast %get3A_902 : vector<1x16xf32> to vector<16xf32>
      %add3A_904 = arith.constant 9 : i32
      %add3A_905 = arith.addi %mul3A_744, %add3A_904 : i32
      %get3A_906 = arith.index_cast %add3A_905 : i32 to index
      %get3A_907 = arith.constant 16 : index
      %get3A_908 = tpu.vector_load %arg9[%get3A_906, %get3A_907] {strides = array<i32>} : memref<3328x32xf32, #tpu.memory_space<vmem>>, vector<1x16xf32>,
      %get3A_909 = vector.shape_cast %get3A_908 : vector<1x16xf32> to vector<16xf32>
      %add3A_910 = arith.addf %add3A_892, %get3A_903 : vector<16xf32>
      %add3A_911 = arith.addf %add3A_893, %get3A_909 : vector<16xf32>
      %mul3A_912 = arith.mulf %get3A_903, %get3A_903 : vector<16xf32>
      %add3A_913 = arith.addf %add3A_895, %mul3A_912 : vector<16xf32>
      %mul3A_914 = arith.mulf %get3A_909, %get3A_909 : vector<16xf32>
      %add3A_915 = arith.addf %add3A_897, %mul3A_914 : vector<16xf32>
      %add3A_916 = arith.constant 10 : i32
      %add3A_917 = arith.addi %mul3A_744, %add3A_916 : i32
      %get3A_918 = arith.index_cast %add3A_917 : i32 to index
      %get3A_919 = arith.constant 0 : index
      %get3A_920 = tpu.vector_load %arg9[%get3A_918, %get3A_919] {strides = array<i32>} : memref<3328x32xf32, #tpu.memory_space<vmem>>, vector<1x16xf32>,
      %get3A_921 = vector.shape_cast %get3A_920 : vector<1x16xf32> to vector<16xf32>
      %add3A_922 = arith.constant 10 : i32
      %add3A_923 = arith.addi %mul3A_744, %add3A_922 : i32
      %get3A_924 = arith.index_cast %add3A_923 : i32 to index
      %get3A_925 = arith.constant 16 : index
      %get3A_926 = tpu.vector_load %arg9[%get3A_924, %get3A_925] {strides = array<i32>} : memref<3328x32xf32, #tpu.memory_space<vmem>>, vector<1x16xf32>,
      %get3A_927 = vector.shape_cast %get3A_926 : vector<1x16xf32> to vector<16xf32>
      %add3A_928 = arith.addf %add3A_910, %get3A_921 : vector<16xf32>
      %add3A_929 = arith.addf %add3A_911, %get3A_927 : vector<16xf32>
      %mul3A_930 = arith.mulf %get3A_921, %get3A_921 : vector<16xf32>
      %add3A_931 = arith.addf %add3A_913, %mul3A_930 : vector<16xf32>
      %mul3A_932 = arith.mulf %get3A_927, %get3A_927 : vector<16xf32>
      %add3A_933 = arith.addf %add3A_915, %mul3A_932 : vector<16xf32>
      %add3A_934 = arith.constant 11 : i32
      %add3A_935 = arith.addi %mul3A_744, %add3A_934 : i32
      %get3A_936 = arith.index_cast %add3A_935 : i32 to index
      %get3A_937 = arith.constant 0 : index
      %get3A_938 = tpu.vector_load %arg9[%get3A_936, %get3A_937] {strides = array<i32>} : memref<3328x32xf32, #tpu.memory_space<vmem>>, vector<1x16xf32>,
      %get3A_939 = vector.shape_cast %get3A_938 : vector<1x16xf32> to vector<16xf32>
      %add3A_940 = arith.constant 11 : i32
      %add3A_941 = arith.addi %mul3A_744, %add3A_940 : i32
      %get3A_942 = arith.index_cast %add3A_941 : i32 to index
      %get3A_943 = arith.constant 16 : index
      %get3A_944 = tpu.vector_load %arg9[%get3A_942, %get3A_943] {strides = array<i32>} : memref<3328x32xf32, #tpu.memory_space<vmem>>, vector<1x16xf32>,
      %get3A_945 = vector.shape_cast %get3A_944 : vector<1x16xf32> to vector<16xf32>
      %add3A_946 = arith.addf %add3A_928, %get3A_939 : vector<16xf32>
      %add3A_947 = arith.addf %add3A_929, %get3A_945 : vector<16xf32>
      %mul3A_948 = arith.mulf %get3A_939, %get3A_939 : vector<16xf32>
      %add3A_949 = arith.addf %add3A_931, %mul3A_948 : vector<16xf32>
      %mul3A_950 = arith.mulf %get3A_945, %get3A_945 : vector<16xf32>
      %add3A_951 = arith.addf %add3A_933, %mul3A_950 : vector<16xf32>
      %add3A_952 = arith.constant 12 : i32
      %add3A_953 = arith.addi %mul3A_744, %add3A_952 : i32
      %get3A_954 = arith.index_cast %add3A_953 : i32 to index
      %get3A_955 = arith.constant 0 : index
      %get3A_956 = tpu.vector_load %arg9[%get3A_954, %get3A_955] {strides = array<i32>} : memref<3328x32xf32, #tpu.memory_space<vmem>>, vector<1x16xf32>,
      %get3A_957 = vector.shape_cast %get3A_956 : vector<1x16xf32> to vector<16xf32>
      %add3A_958 = arith.constant 12 : i32
      %add3A_959 = arith.addi %mul3A_744, %add3A_958 : i32
      %get3A_960 = arith.index_cast %add3A_959 : i32 to index
      %get3A_961 = arith.constant 16 : index
      %get3A_962 = tpu.vector_load %arg9[%get3A_960, %get3A_961] {strides = array<i32>} : memref<3328x32xf32, #tpu.memory_space<vmem>>, vector<1x16xf32>,
      %get3A_963 = vector.shape_cast %get3A_962 : vector<1x16xf32> to vector<16xf32>
      %add3A_964 = arith.addf %add3A_946, %get3A_957 : vector<16xf32>
      %add3A_965 = arith.addf %add3A_947, %get3A_963 : vector<16xf32>
      %mul3A_966 = arith.mulf %get3A_957, %get3A_957 : vector<16xf32>
      %add3A_967 = arith.addf %add3A_949, %mul3A_966 : vector<16xf32>
      %mul3A_968 = arith.mulf %get3A_963, %get3A_963 : vector<16xf32>
      %add3A_969 = arith.addf %add3A_951, %mul3A_968 : vector<16xf32>
      %add3A_970 = arith.constant 13 : i32
      %add3A_971 = arith.addi %mul3A_744, %add3A_970 : i32
      %get3A_972 = arith.index_cast %add3A_971 : i32 to index
      %get3A_973 = arith.constant 0 : index
      %get3A_974 = tpu.vector_load %arg9[%get3A_972, %get3A_973] {strides = array<i32>} : memref<3328x32xf32, #tpu.memory_space<vmem>>, vector<1x16xf32>,
      %get3A_975 = vector.shape_cast %get3A_974 : vector<1x16xf32> to vector<16xf32>
      %add3A_976 = arith.constant 13 : i32
      %add3A_977 = arith.addi %mul3A_744, %add3A_976 : i32
      %get3A_978 = arith.index_cast %add3A_977 : i32 to index
      %get3A_979 = arith.constant 16 : index
      %get3A_980 = tpu.vector_load %arg9[%get3A_978, %get3A_979] {strides = array<i32>} : memref<3328x32xf32, #tpu.memory_space<vmem>>, vector<1x16xf32>,
      %get3A_981 = vector.shape_cast %get3A_980 : vector<1x16xf32> to vector<16xf32>
      %add3A_982 = arith.addf %add3A_964, %get3A_975 : vector<16xf32>
      %add3A_983 = arith.addf %add3A_965, %get3A_981 : vector<16xf32>
      %mul3A_984 = arith.mulf %get3A_975, %get3A_975 : vector<16xf32>
      %add3A_985 = arith.addf %add3A_967, %mul3A_984 : vector<16xf32>
      %mul3A_986 = arith.mulf %get3A_981, %get3A_981 : vector<16xf32>
      %add3A_987 = arith.addf %add3A_969, %mul3A_986 : vector<16xf32>
      %add3A_988 = arith.constant 14 : i32
      %add3A_989 = arith.addi %mul3A_744, %add3A_988 : i32
      %get3A_990 = arith.index_cast %add3A_989 : i32 to index
      %get3A_991 = arith.constant 0 : index
      %get3A_992 = tpu.vector_load %arg9[%get3A_990, %get3A_991] {strides = array<i32>} : memref<3328x32xf32, #tpu.memory_space<vmem>>, vector<1x16xf32>,
      %get3A_993 = vector.shape_cast %get3A_992 : vector<1x16xf32> to vector<16xf32>
      %add3A_994 = arith.constant 14 : i32
      %add3A_995 = arith.addi %mul3A_744, %add3A_994 : i32
      %get3A_996 = arith.index_cast %add3A_995 : i32 to index
      %get3A_997 = arith.constant 16 : index
      %get3A_998 = tpu.vector_load %arg9[%get3A_996, %get3A_997] {strides = array<i32>} : memref<3328x32xf32, #tpu.memory_space<vmem>>, vector<1x16xf32>,
      %get3A_999 = vector.shape_cast %get3A_998 : vector<1x16xf32> to vector<16xf32>
      %add3A_1000 = arith.addf %add3A_982, %get3A_993 : vector<16xf32>
      %add3A_1001 = arith.addf %add3A_983, %get3A_999 : vector<16xf32>
      %mul3A_1002 = arith.mulf %get3A_993, %get3A_993 : vector<16xf32>
      %add3A_1003 = arith.addf %add3A_985, %mul3A_1002 : vector<16xf32>
      %mul3A_1004 = arith.mulf %get3A_999, %get3A_999 : vector<16xf32>
      %add3A_1005 = arith.addf %add3A_987, %mul3A_1004 : vector<16xf32>
      %add3A_1006 = arith.constant 15 : i32
      %add3A_1007 = arith.addi %mul3A_744, %add3A_1006 : i32
      %get3A_1008 = arith.index_cast %add3A_1007 : i32 to index
      %get3A_1009 = arith.constant 0 : index
      %get3A_1010 = tpu.vector_load %arg9[%get3A_1008, %get3A_1009] {strides = array<i32>} : memref<3328x32xf32, #tpu.memory_space<vmem>>, vector<1x16xf32>,
      %get3A_1011 = vector.shape_cast %get3A_1010 : vector<1x16xf32> to vector<16xf32>
      %add3A_1012 = arith.constant 15 : i32
      %add3A_1013 = arith.addi %mul3A_744, %add3A_1012 : i32
      %get3A_1014 = arith.index_cast %add3A_1013 : i32 to index
      %get3A_1015 = arith.constant 16 : index
      %get3A_1016 = tpu.vector_load %arg9[%get3A_1014, %get3A_1015] {strides = array<i32>} : memref<3328x32xf32, #tpu.memory_space<vmem>>, vector<1x16xf32>,
      %get3A_1017 = vector.shape_cast %get3A_1016 : vector<1x16xf32> to vector<16xf32>
      %add3A_1018 = arith.addf %add3A_1000, %get3A_1011 : vector<16xf32>
      %add3A_1019 = arith.addf %add3A_1001, %get3A_1017 : vector<16xf32>
      %mul3A_1020 = arith.mulf %get3A_1011, %get3A_1011 : vector<16xf32>
      %add3A_1021 = arith.addf %add3A_1003, %mul3A_1020 : vector<16xf32>
      %mul3A_1022 = arith.mulf %get3A_1017, %get3A_1017 : vector<16xf32>
      %add3A_1023 = arith.addf %add3A_1005, %mul3A_1022 : vector<16xf32>
      %add3A_1024 = arith.constant 16 : i32
      %add3A_1025 = arith.addi %mul3A_744, %add3A_1024 : i32
      %get3A_1026 = arith.index_cast %add3A_1025 : i32 to index
      %get3A_1027 = arith.constant 0 : index
      %get3A_1028 = tpu.vector_load %arg9[%get3A_1026, %get3A_1027] {strides = array<i32>} : memref<3328x32xf32, #tpu.memory_space<vmem>>, vector<1x16xf32>,
      %get3A_1029 = vector.shape_cast %get3A_1028 : vector<1x16xf32> to vector<16xf32>
      %add3A_1030 = arith.constant 16 : i32
      %add3A_1031 = arith.addi %mul3A_744, %add3A_1030 : i32
      %get3A_1032 = arith.index_cast %add3A_1031 : i32 to index
      %get3A_1033 = arith.constant 16 : index
      %get3A_1034 = tpu.vector_load %arg9[%get3A_1032, %get3A_1033] {strides = array<i32>} : memref<3328x32xf32, #tpu.memory_space<vmem>>, vector<1x16xf32>,
      %get3A_1035 = vector.shape_cast %get3A_1034 : vector<1x16xf32> to vector<16xf32>
      %add3A_1036 = arith.addf %add3A_1018, %get3A_1029 : vector<16xf32>
      %add3A_1037 = arith.addf %add3A_1019, %get3A_1035 : vector<16xf32>
      %mul3A_1038 = arith.mulf %get3A_1029, %get3A_1029 : vector<16xf32>
      %add3A_1039 = arith.addf %add3A_1021, %mul3A_1038 : vector<16xf32>
      %mul3A_1040 = arith.mulf %get3A_1035, %get3A_1035 : vector<16xf32>
      %add3A_1041 = arith.addf %add3A_1023, %mul3A_1040 : vector<16xf32>
      %add3A_1042 = arith.constant 17 : i32
      %add3A_1043 = arith.addi %mul3A_744, %add3A_1042 : i32
      %get3A_1044 = arith.index_cast %add3A_1043 : i32 to index
      %get3A_1045 = arith.constant 0 : index
      %get3A_1046 = tpu.vector_load %arg9[%get3A_1044, %get3A_1045] {strides = array<i32>} : memref<3328x32xf32, #tpu.memory_space<vmem>>, vector<1x16xf32>,
      %get3A_1047 = vector.shape_cast %get3A_1046 : vector<1x16xf32> to vector<16xf32>
      %add3A_1048 = arith.constant 17 : i32
      %add3A_1049 = arith.addi %mul3A_744, %add3A_1048 : i32
      %get3A_1050 = arith.index_cast %add3A_1049 : i32 to index
      %get3A_1051 = arith.constant 16 : index
      %get3A_1052 = tpu.vector_load %arg9[%get3A_1050, %get3A_1051] {strides = array<i32>} : memref<3328x32xf32, #tpu.memory_space<vmem>>, vector<1x16xf32>,
      %get3A_1053 = vector.shape_cast %get3A_1052 : vector<1x16xf32> to vector<16xf32>
      %add3A_1054 = arith.addf %add3A_1036, %get3A_1047 : vector<16xf32>
      %add3A_1055 = arith.addf %add3A_1037, %get3A_1053 : vector<16xf32>
      %mul3A_1056 = arith.mulf %get3A_1047, %get3A_1047 : vector<16xf32>
      %add3A_1057 = arith.addf %add3A_1039, %mul3A_1056 : vector<16xf32>
      %mul3A_1058 = arith.mulf %get3A_1053, %get3A_1053 : vector<16xf32>
      %add3A_1059 = arith.addf %add3A_1041, %mul3A_1058 : vector<16xf32>
      %add3A_1060 = arith.constant 18 : i32
      %add3A_1061 = arith.addi %mul3A_744, %add3A_1060 : i32
      %get3A_1062 = arith.index_cast %add3A_1061 : i32 to index
      %get3A_1063 = arith.constant 0 : index
      %get3A_1064 = tpu.vector_load %arg9[%get3A_1062, %get3A_1063] {strides = array<i32>} : memref<3328x32xf32, #tpu.memory_space<vmem>>, vector<1x16xf32>,
      %get3A_1065 = vector.shape_cast %get3A_1064 : vector<1x16xf32> to vector<16xf32>
      %add3A_1066 = arith.constant 18 : i32
      %add3A_1067 = arith.addi %mul3A_744, %add3A_1066 : i32
      %get3A_1068 = arith.index_cast %add3A_1067 : i32 to index
      %get3A_1069 = arith.constant 16 : index
      %get3A_1070 = tpu.vector_load %arg9[%get3A_1068, %get3A_1069] {strides = array<i32>} : memref<3328x32xf32, #tpu.memory_space<vmem>>, vector<1x16xf32>,
      %get3A_1071 = vector.shape_cast %get3A_1070 : vector<1x16xf32> to vector<16xf32>
      %add3A_1072 = arith.addf %add3A_1054, %get3A_1065 : vector<16xf32>
      %add3A_1073 = arith.addf %add3A_1055, %get3A_1071 : vector<16xf32>
      %mul3A_1074 = arith.mulf %get3A_1065, %get3A_1065 : vector<16xf32>
      %add3A_1075 = arith.addf %add3A_1057, %mul3A_1074 : vector<16xf32>
      %mul3A_1076 = arith.mulf %get3A_1071, %get3A_1071 : vector<16xf32>
      %add3A_1077 = arith.addf %add3A_1059, %mul3A_1076 : vector<16xf32>
      %add3A_1078 = arith.constant 19 : i32
      %add3A_1079 = arith.addi %mul3A_744, %add3A_1078 : i32
      %get3A_1080 = arith.index_cast %add3A_1079 : i32 to index
      %get3A_1081 = arith.constant 0 : index
      %get3A_1082 = tpu.vector_load %arg9[%get3A_1080, %get3A_1081] {strides = array<i32>} : memref<3328x32xf32, #tpu.memory_space<vmem>>, vector<1x16xf32>,
      %get3A_1083 = vector.shape_cast %get3A_1082 : vector<1x16xf32> to vector<16xf32>
      %add3A_1084 = arith.constant 19 : i32
      %add3A_1085 = arith.addi %mul3A_744, %add3A_1084 : i32
      %get3A_1086 = arith.index_cast %add3A_1085 : i32 to index
      %get3A_1087 = arith.constant 16 : index
      %get3A_1088 = tpu.vector_load %arg9[%get3A_1086, %get3A_1087] {strides = array<i32>} : memref<3328x32xf32, #tpu.memory_space<vmem>>, vector<1x16xf32>,
      %get3A_1089 = vector.shape_cast %get3A_1088 : vector<1x16xf32> to vector<16xf32>
      %add3A_1090 = arith.addf %add3A_1072, %get3A_1083 : vector<16xf32>
      %add3A_1091 = arith.addf %add3A_1073, %get3A_1089 : vector<16xf32>
      %mul3A_1092 = arith.mulf %get3A_1083, %get3A_1083 : vector<16xf32>
      %add3A_1093 = arith.addf %add3A_1075, %mul3A_1092 : vector<16xf32>
      %mul3A_1094 = arith.mulf %get3A_1089, %get3A_1089 : vector<16xf32>
      %add3A_1095 = arith.addf %add3A_1077, %mul3A_1094 : vector<16xf32>
      %add3A_1096 = arith.constant 20 : i32
      %add3A_1097 = arith.addi %mul3A_744, %add3A_1096 : i32
      %get3A_1098 = arith.index_cast %add3A_1097 : i32 to index
      %get3A_1099 = arith.constant 0 : index
      %get3A_1100 = tpu.vector_load %arg9[%get3A_1098, %get3A_1099] {strides = array<i32>} : memref<3328x32xf32, #tpu.memory_space<vmem>>, vector<1x16xf32>,
      %get3A_1101 = vector.shape_cast %get3A_1100 : vector<1x16xf32> to vector<16xf32>
      %add3A_1102 = arith.constant 20 : i32
      %add3A_1103 = arith.addi %mul3A_744, %add3A_1102 : i32
      %get3A_1104 = arith.index_cast %add3A_1103 : i32 to index
      %get3A_1105 = arith.constant 16 : index
      %get3A_1106 = tpu.vector_load %arg9[%get3A_1104, %get3A_1105] {strides = array<i32>} : memref<3328x32xf32, #tpu.memory_space<vmem>>, vector<1x16xf32>,
      %get3A_1107 = vector.shape_cast %get3A_1106 : vector<1x16xf32> to vector<16xf32>
      %add3A_1108 = arith.addf %add3A_1090, %get3A_1101 : vector<16xf32>
      %add3A_1109 = arith.addf %add3A_1091, %get3A_1107 : vector<16xf32>
      %mul3A_1110 = arith.mulf %get3A_1101, %get3A_1101 : vector<16xf32>
      %add3A_1111 = arith.addf %add3A_1093, %mul3A_1110 : vector<16xf32>
      %mul3A_1112 = arith.mulf %get3A_1107, %get3A_1107 : vector<16xf32>
      %add3A_1113 = arith.addf %add3A_1095, %mul3A_1112 : vector<16xf32>
      %add3A_1114 = arith.constant 21 : i32
      %add3A_1115 = arith.addi %mul3A_744, %add3A_1114 : i32
      %get3A_1116 = arith.index_cast %add3A_1115 : i32 to index
      %get3A_1117 = arith.constant 0 : index
      %get3A_1118 = tpu.vector_load %arg9[%get3A_1116, %get3A_1117] {strides = array<i32>} : memref<3328x32xf32, #tpu.memory_space<vmem>>, vector<1x16xf32>,
      %get3A_1119 = vector.shape_cast %get3A_1118 : vector<1x16xf32> to vector<16xf32>
      %add3A_1120 = arith.constant 21 : i32
      %add3A_1121 = arith.addi %mul3A_744, %add3A_1120 : i32
      %get3A_1122 = arith.index_cast %add3A_1121 : i32 to index
      %get3A_1123 = arith.constant 16 : index
      %get3A_1124 = tpu.vector_load %arg9[%get3A_1122, %get3A_1123] {strides = array<i32>} : memref<3328x32xf32, #tpu.memory_space<vmem>>, vector<1x16xf32>,
      %get3A_1125 = vector.shape_cast %get3A_1124 : vector<1x16xf32> to vector<16xf32>
      %add3A_1126 = arith.addf %add3A_1108, %get3A_1119 : vector<16xf32>
      %add3A_1127 = arith.addf %add3A_1109, %get3A_1125 : vector<16xf32>
      %mul3A_1128 = arith.mulf %get3A_1119, %get3A_1119 : vector<16xf32>
      %add3A_1129 = arith.addf %add3A_1111, %mul3A_1128 : vector<16xf32>
      %mul3A_1130 = arith.mulf %get3A_1125, %get3A_1125 : vector<16xf32>
      %add3A_1131 = arith.addf %add3A_1113, %mul3A_1130 : vector<16xf32>
      %add3A_1132 = arith.constant 22 : i32
      %add3A_1133 = arith.addi %mul3A_744, %add3A_1132 : i32
      %get3A_1134 = arith.index_cast %add3A_1133 : i32 to index
      %get3A_1135 = arith.constant 0 : index
      %get3A_1136 = tpu.vector_load %arg9[%get3A_1134, %get3A_1135] {strides = array<i32>} : memref<3328x32xf32, #tpu.memory_space<vmem>>, vector<1x16xf32>,
      %get3A_1137 = vector.shape_cast %get3A_1136 : vector<1x16xf32> to vector<16xf32>
      %add3A_1138 = arith.constant 22 : i32
      %add3A_1139 = arith.addi %mul3A_744, %add3A_1138 : i32
      %get3A_1140 = arith.index_cast %add3A_1139 : i32 to index
      %get3A_1141 = arith.constant 16 : index
      %get3A_1142 = tpu.vector_load %arg9[%get3A_1140, %get3A_1141] {strides = array<i32>} : memref<3328x32xf32, #tpu.memory_space<vmem>>, vector<1x16xf32>,
      %get3A_1143 = vector.shape_cast %get3A_1142 : vector<1x16xf32> to vector<16xf32>
      %add3A_1144 = arith.addf %add3A_1126, %get3A_1137 : vector<16xf32>
      %add3A_1145 = arith.addf %add3A_1127, %get3A_1143 : vector<16xf32>
      %mul3A_1146 = arith.mulf %get3A_1137, %get3A_1137 : vector<16xf32>
      %add3A_1147 = arith.addf %add3A_1129, %mul3A_1146 : vector<16xf32>
      %mul3A_1148 = arith.mulf %get3A_1143, %get3A_1143 : vector<16xf32>
      %add3A_1149 = arith.addf %add3A_1131, %mul3A_1148 : vector<16xf32>
      %add3A_1150 = arith.constant 23 : i32
      %add3A_1151 = arith.addi %mul3A_744, %add3A_1150 : i32
      %get3A_1152 = arith.index_cast %add3A_1151 : i32 to index
      %get3A_1153 = arith.constant 0 : index
      %get3A_1154 = tpu.vector_load %arg9[%get3A_1152, %get3A_1153] {strides = array<i32>} : memref<3328x32xf32, #tpu.memory_space<vmem>>, vector<1x16xf32>,
      %get3A_1155 = vector.shape_cast %get3A_1154 : vector<1x16xf32> to vector<16xf32>
      %add3A_1156 = arith.constant 23 : i32
      %add3A_1157 = arith.addi %mul3A_744, %add3A_1156 : i32
      %get3A_1158 = arith.index_cast %add3A_1157 : i32 to index
      %get3A_1159 = arith.constant 16 : index
      %get3A_1160 = tpu.vector_load %arg9[%get3A_1158, %get3A_1159] {strides = array<i32>} : memref<3328x32xf32, #tpu.memory_space<vmem>>, vector<1x16xf32>,
      %get3A_1161 = vector.shape_cast %get3A_1160 : vector<1x16xf32> to vector<16xf32>
      %add3A_1162 = arith.addf %add3A_1144, %get3A_1155 : vector<16xf32>
      %add3A_1163 = arith.addf %add3A_1145, %get3A_1161 : vector<16xf32>
      %mul3A_1164 = arith.mulf %get3A_1155, %get3A_1155 : vector<16xf32>
      %add3A_1165 = arith.addf %add3A_1147, %mul3A_1164 : vector<16xf32>
      %mul3A_1166 = arith.mulf %get3A_1161, %get3A_1161 : vector<16xf32>
      %add3A_1167 = arith.addf %add3A_1149, %mul3A_1166 : vector<16xf32>
      %add3A_1168 = arith.constant 24 : i32
      %add3A_1169 = arith.addi %mul3A_744, %add3A_1168 : i32
      %get3A_1170 = arith.index_cast %add3A_1169 : i32 to index
      %get3A_1171 = arith.constant 0 : index
      %get3A_1172 = tpu.vector_load %arg9[%get3A_1170, %get3A_1171] {strides = array<i32>} : memref<3328x32xf32, #tpu.memory_space<vmem>>, vector<1x16xf32>,
      %get3A_1173 = vector.shape_cast %get3A_1172 : vector<1x16xf32> to vector<16xf32>
      %add3A_1174 = arith.constant 24 : i32
      %add3A_1175 = arith.addi %mul3A_744, %add3A_1174 : i32
      %get3A_1176 = arith.index_cast %add3A_1175 : i32 to index
      %get3A_1177 = arith.constant 16 : index
      %get3A_1178 = tpu.vector_load %arg9[%get3A_1176, %get3A_1177] {strides = array<i32>} : memref<3328x32xf32, #tpu.memory_space<vmem>>, vector<1x16xf32>,
      %get3A_1179 = vector.shape_cast %get3A_1178 : vector<1x16xf32> to vector<16xf32>
      %add3A_1180 = arith.addf %add3A_1162, %get3A_1173 : vector<16xf32>
      %add3A_1181 = arith.addf %add3A_1163, %get3A_1179 : vector<16xf32>
      %mul3A_1182 = arith.mulf %get3A_1173, %get3A_1173 : vector<16xf32>
      %add3A_1183 = arith.addf %add3A_1165, %mul3A_1182 : vector<16xf32>
      %mul3A_1184 = arith.mulf %get3A_1179, %get3A_1179 : vector<16xf32>
      %add3A_1185 = arith.addf %add3A_1167, %mul3A_1184 : vector<16xf32>
      %add3A_1186 = arith.constant 25 : i32
      %add3A_1187 = arith.addi %mul3A_744, %add3A_1186 : i32
      %get3A_1188 = arith.index_cast %add3A_1187 : i32 to index
      %get3A_1189 = arith.constant 0 : index
      %get3A_1190 = tpu.vector_load %arg9[%get3A_1188, %get3A_1189] {strides = array<i32>} : memref<3328x32xf32, #tpu.memory_space<vmem>>, vector<1x16xf32>,
      %get3A_1191 = vector.shape_cast %get3A_1190 : vector<1x16xf32> to vector<16xf32>
      %add3A_1192 = arith.constant 25 : i32
      %add3A_1193 = arith.addi %mul3A_744, %add3A_1192 : i32
      %get3A_1194 = arith.index_cast %add3A_1193 : i32 to index
      %get3A_1195 = arith.constant 16 : index
      %get3A_1196 = tpu.vector_load %arg9[%get3A_1194, %get3A_1195] {strides = array<i32>} : memref<3328x32xf32, #tpu.memory_space<vmem>>, vector<1x16xf32>,
      %get3A_1197 = vector.shape_cast %get3A_1196 : vector<1x16xf32> to vector<16xf32>
      %add3A_1198 = arith.addf %add3A_1180, %get3A_1191 : vector<16xf32>
      %add3A_1199 = arith.addf %add3A_1181, %get3A_1197 : vector<16xf32>
      %mul3A_1200 = arith.mulf %get3A_1191, %get3A_1191 : vector<16xf32>
      %add3A_1201 = arith.addf %add3A_1183, %mul3A_1200 : vector<16xf32>
      %mul3A_1202 = arith.mulf %get3A_1197, %get3A_1197 : vector<16xf32>
      %add3A_1203 = arith.addf %add3A_1185, %mul3A_1202 : vector<16xf32>
      %swap3A = arith.index_cast %scan3A_742 : i32 to index
      %swap3A_1204 = arith.constant 0 : index
      %swap3A_1205 = tpu.vector_load %arg11[%swap3A, %swap3A_1204] {strides = array<i32>} : memref<128x32xf32, #tpu.memory_space<vmem>>, vector<1x16xf32>,
      %swap3A_1206 = vector.shape_cast %swap3A_1205 : vector<1x16xf32> to vector<16xf32>
      %swap3A_1207 = vector.shape_cast %add3A_1198 : vector<16xf32> to vector<1x16xf32>
      tpu.vector_store %arg11[%swap3A, %swap3A_1204], %swap3A_1207 {strides = array<i32>} : memref<128x32xf32, #tpu.memory_space<vmem>>, vector<1x16xf32>,
      %swap3A_1208 = arith.index_cast %scan3A_742 : i32 to index
      %swap3A_1209 = arith.constant 16 : index
      %swap3A_1210 = tpu.vector_load %arg11[%swap3A_1208, %swap3A_1209] {strides = array<i32>} : memref<128x32xf32, #tpu.memory_space<vmem>>, vector<1x16xf32>,
      %swap3A_1211 = vector.shape_cast %swap3A_1210 : vector<1x16xf32> to vector<16xf32>
      %swap3A_1212 = vector.shape_cast %add3A_1199 : vector<16xf32> to vector<1x16xf32>
      tpu.vector_store %arg11[%swap3A_1208, %swap3A_1209], %swap3A_1212 {strides = array<i32>} : memref<128x32xf32, #tpu.memory_space<vmem>>, vector<1x16xf32>,
      %swap3A_1213 = arith.index_cast %scan3A_742 : i32 to index
      %swap3A_1214 = arith.constant 0 : index
      %swap3A_1215 = tpu.vector_load %arg12[%swap3A_1213, %swap3A_1214] {strides = array<i32>} : memref<128x32xf32, #tpu.memory_space<vmem>>, vector<1x16xf32>,
      %swap3A_1216 = vector.shape_cast %swap3A_1215 : vector<1x16xf32> to vector<16xf32>
      %swap3A_1217 = vector.shape_cast %add3A_1201 : vector<16xf32> to vector<1x16xf32>
      tpu.vector_store %arg12[%swap3A_1213, %swap3A_1214], %swap3A_1217 {strides = array<i32>} : memref<128x32xf32, #tpu.memory_space<vmem>>, vector<1x16xf32>,
      %swap3A_1218 = arith.index_cast %scan3A_742 : i32 to index
      %swap3A_1219 = arith.constant 16 : index
      %swap3A_1220 = tpu.vector_load %arg12[%swap3A_1218, %swap3A_1219] {strides = array<i32>} : memref<128x32xf32, #tpu.memory_space<vmem>>, vector<1x16xf32>,
      %swap3A_1221 = vector.shape_cast %swap3A_1220 : vector<1x16xf32> to vector<16xf32>
      %swap3A_1222 = vector.shape_cast %add3A_1203 : vector<16xf32> to vector<1x16xf32>
      tpu.vector_store %arg12[%swap3A_1218, %swap3A_1219], %swap3A_1222 {strides = array<i32>} : memref<128x32xf32, #tpu.memory_space<vmem>>, vector<1x16xf32>,
    }
    %scan3A_739 = arith.constant 128 : i32
    "tpu.region"() ({
      %run_scoped3A = tpu.sem_alloc : memref<!tpu.dma_semaphore, #tpu.memory_space<semaphore_mem>>
      %dma_start3A_742 = arith.constant 0 : i32
      %dma_start3A_743 = tpu.memref_slice %arg5[%mul3A_2, %dma_start3A_742] : memref<4096x32xf32, #tpu.memory_space<hbm>> -> memref<128x32xf32, #tpu.memory_space<hbm>>
      %dma_start3A_744 = arith.constant 0 : i32
      %dma_start3A_745 = tpu.memref_slice %arg5[%mul3A_2, %dma_start3A_744] : memref<4096x32xf32, #tpu.memory_space<hbm>> -> memref<128x32xf32, #tpu.memory_space<hbm>>
      tpu.enqueue_dma source(%arg11 : memref<128x32xf32, #tpu.memory_space<vmem>>) target(%dma_start3A_745 : memref<128x32xf32, #tpu.memory_space<hbm>>) target_semaphore(%run_scoped3A : memref<!tpu.dma_semaphore, #tpu.memory_space<semaphore_mem>>)
      %dma_wait3A_746 = arith.constant 0 : i32
      %dma_wait3A_747 = tpu.memref_slice %arg5[%mul3A_2, %dma_wait3A_746] : memref<4096x32xf32, #tpu.memory_space<hbm>> -> memref<128x32xf32, #tpu.memory_space<hbm>>
      %dma_wait3A_748 = arith.constant 0 : i32
      %dma_wait3A_749 = tpu.memref_slice %arg5[%mul3A_2, %dma_wait3A_748] : memref<4096x32xf32, #tpu.memory_space<hbm>> -> memref<128x32xf32, #tpu.memory_space<hbm>>
      tpu.wait_dma2 semaphore(%run_scoped3A : memref<!tpu.dma_semaphore, #tpu.memory_space<semaphore_mem>>) src(%arg11 : memref<128x32xf32, #tpu.memory_space<vmem>>) dst(%dma_wait3A_749 : memref<128x32xf32, #tpu.memory_space<hbm>>)
      tpu.yield
    }) : () -> ()
    "tpu.region"() ({
      %run_scoped3A = tpu.sem_alloc : memref<!tpu.dma_semaphore, #tpu.memory_space<semaphore_mem>>
      %dma_start3A_742 = arith.constant 0 : i32
      %dma_start3A_743 = tpu.memref_slice %arg6[%mul3A_2, %dma_start3A_742] : memref<4096x32xf32, #tpu.memory_space<hbm>> -> memref<128x32xf32, #tpu.memory_space<hbm>>
      %dma_start3A_744 = arith.constant 0 : i32
      %dma_start3A_745 = tpu.memref_slice %arg6[%mul3A_2, %dma_start3A_744] : memref<4096x32xf32, #tpu.memory_space<hbm>> -> memref<128x32xf32, #tpu.memory_space<hbm>>
      tpu.enqueue_dma source(%arg12 : memref<128x32xf32, #tpu.memory_space<vmem>>) target(%dma_start3A_745 : memref<128x32xf32, #tpu.memory_space<hbm>>) target_semaphore(%run_scoped3A : memref<!tpu.dma_semaphore, #tpu.memory_space<semaphore_mem>>)
      %dma_wait3A_746 = arith.constant 0 : i32
      %dma_wait3A_747 = tpu.memref_slice %arg6[%mul3A_2, %dma_wait3A_746] : memref<4096x32xf32, #tpu.memory_space<hbm>> -> memref<128x32xf32, #tpu.memory_space<hbm>>
      %dma_wait3A_748 = arith.constant 0 : i32
      %dma_wait3A_749 = tpu.memref_slice %arg6[%mul3A_2, %dma_wait3A_748] : memref<4096x32xf32, #tpu.memory_space<hbm>> -> memref<128x32xf32, #tpu.memory_space<hbm>>
      tpu.wait_dma2 semaphore(%run_scoped3A : memref<!tpu.dma_semaphore, #tpu.memory_space<semaphore_mem>>) src(%arg12 : memref<128x32xf32, #tpu.memory_space<vmem>>) dst(%dma_wait3A_749 : memref<128x32xf32, #tpu.memory_space<hbm>>)
      tpu.yield
    }) : () -> ()
    %mul3A_740 = arith.constant 26 : i32
    %mul3A_741 = arith.muli %mul3A_2, %mul3A_740 : i32
    "tpu.region"() ({
      %run_scoped3A = tpu.sem_alloc : memref<!tpu.dma_semaphore, #tpu.memory_space<semaphore_mem>>
      %dma_start3A_742 = tpu.memref_slice %arg7[%mul3A_741] : memref<106496xf32, #tpu.memory_space<hbm>> -> memref<3328xf32, #tpu.memory_space<hbm>>
      %dma_start3A_743 = tpu.memref_slice %arg7[%mul3A_741] : memref<106496xf32, #tpu.memory_space<hbm>> -> memref<3328xf32, #tpu.memory_space<hbm>>
      tpu.enqueue_dma source(%arg10 : memref<3328xf32, #tpu.memory_space<vmem>>) target(%dma_start3A_743 : memref<3328xf32, #tpu.memory_space<hbm>>) target_semaphore(%run_scoped3A : memref<!tpu.dma_semaphore, #tpu.memory_space<semaphore_mem>>)
      %dma_wait3A_744 = tpu.memref_slice %arg7[%mul3A_741] : memref<106496xf32, #tpu.memory_space<hbm>> -> memref<3328xf32, #tpu.memory_space<hbm>>
      %dma_wait3A_745 = tpu.memref_slice %arg7[%mul3A_741] : memref<106496xf32, #tpu.memory_space<hbm>> -> memref<3328xf32, #tpu.memory_space<hbm>>
      tpu.wait_dma2 semaphore(%run_scoped3A : memref<!tpu.dma_semaphore, #tpu.memory_space<semaphore_mem>>) src(%arg10 : memref<3328xf32, #tpu.memory_space<vmem>>) dst(%dma_wait3A_745 : memref<3328xf32, #tpu.memory_space<hbm>>)
      tpu.yield
    }) : () -> ()
    return
  }
}

module attributes {stable_mosaic.version = 14 : i64} {
  func.func @body(%arg0: memref<4096x32xf32, #tpu.memory_space<vmem>>, %arg1: memref<4096x32xf32, #tpu.memory_space<vmem>>, %arg2: memref<4096x26xf32, #tpu.memory_space<vmem>>, %arg3: memref<4096x13xf32, #tpu.memory_space<vmem>>, %arg4: memref<13x32xf32, #tpu.memory_space<vmem>>, %arg5: memref<1x1xf32, #tpu.memory_space<vmem>>, %arg6: memref<4096x1xf32, #tpu.memory_space<vmem>>) attributes {dimension_semantics = [], scalar_prefetch = 0 : i64, scratch_operands = 0 : i64, tpu.core_type = #tpu.core_type<tc>} {
    %get3A = arith.constant 0 : index
    %get3A_0 = arith.constant 0 : index
    %get3A_1 = vector.load %arg4[%get3A, %get3A_0] : memref<13x32xf32, #tpu.memory_space<vmem>>, vector<13x32xf32>
    %get3A_2 = arith.constant 0 : index
    %get3A_3 = arith.constant 0 : index
    %get3A_4 = vector.load %arg3[%get3A_2, %get3A_3] : memref<4096x13xf32, #tpu.memory_space<vmem>>, vector<4096x13xf32>
    %get3A_5 = arith.constant 0 : index
    %get3A_6 = arith.constant 0 : index
    %get3A_7 = vector.load %arg0[%get3A_5, %get3A_6] : memref<4096x32xf32, #tpu.memory_space<vmem>>, vector<4096x32xf32>
    %get3A_8 = arith.constant 0 : index
    %get3A_9 = arith.constant 0 : index
    %get3A_10 = vector.load %arg1[%get3A_8, %get3A_9] : memref<4096x32xf32, #tpu.memory_space<vmem>>, vector<4096x32xf32>
    %slice3A = vector.extract_strided_slice %get3A_4 {offsets = [0, 0], sizes = [4096, 1], strides = [1, 1]} : vector<4096x13xf32> to vector<4096x1xf32>
    %slice3A_11 = vector.extract_strided_slice %get3A_1 {offsets = [0, 0], sizes = [1, 32], strides = [1, 1]} : vector<13x32xf32> to vector<1x32xf32>
    %mul3A = vector.broadcast %slice3A : vector<4096x1xf32> to vector<4096x32xf32>
    %mul3A_12 = vector.broadcast %slice3A_11 : vector<1x32xf32> to vector<4096x32xf32>
    %mul3A_13 = arith.mulf %mul3A, %mul3A_12 : vector<4096x32xf32>
    %add3A = arith.addf %get3A_7, %mul3A_13 : vector<4096x32xf32>
    %mul3A_14 = arith.mulf %mul3A_13, %mul3A_13 : vector<4096x32xf32>
    %add3A_15 = arith.addf %get3A_10, %mul3A_14 : vector<4096x32xf32>
    %slice3A_16 = vector.extract_strided_slice %get3A_4 {offsets = [0, 1], sizes = [4096, 1], strides = [1, 1]} : vector<4096x13xf32> to vector<4096x1xf32>
    %slice3A_17 = vector.extract_strided_slice %get3A_1 {offsets = [1, 0], sizes = [1, 32], strides = [1, 1]} : vector<13x32xf32> to vector<1x32xf32>
    %mul3A_18 = vector.broadcast %slice3A_16 : vector<4096x1xf32> to vector<4096x32xf32>
    %mul3A_19 = vector.broadcast %slice3A_17 : vector<1x32xf32> to vector<4096x32xf32>
    %mul3A_20 = arith.mulf %mul3A_18, %mul3A_19 : vector<4096x32xf32>
    %add3A_21 = arith.addf %add3A, %mul3A_20 : vector<4096x32xf32>
    %mul3A_22 = arith.mulf %mul3A_20, %mul3A_20 : vector<4096x32xf32>
    %add3A_23 = arith.addf %add3A_15, %mul3A_22 : vector<4096x32xf32>
    %slice3A_24 = vector.extract_strided_slice %get3A_4 {offsets = [0, 2], sizes = [4096, 1], strides = [1, 1]} : vector<4096x13xf32> to vector<4096x1xf32>
    %slice3A_25 = vector.extract_strided_slice %get3A_1 {offsets = [2, 0], sizes = [1, 32], strides = [1, 1]} : vector<13x32xf32> to vector<1x32xf32>
    %mul3A_26 = vector.broadcast %slice3A_24 : vector<4096x1xf32> to vector<4096x32xf32>
    %mul3A_27 = vector.broadcast %slice3A_25 : vector<1x32xf32> to vector<4096x32xf32>
    %mul3A_28 = arith.mulf %mul3A_26, %mul3A_27 : vector<4096x32xf32>
    %add3A_29 = arith.addf %add3A_21, %mul3A_28 : vector<4096x32xf32>
    %mul3A_30 = arith.mulf %mul3A_28, %mul3A_28 : vector<4096x32xf32>
    %add3A_31 = arith.addf %add3A_23, %mul3A_30 : vector<4096x32xf32>
    %slice3A_32 = vector.extract_strided_slice %get3A_4 {offsets = [0, 3], sizes = [4096, 1], strides = [1, 1]} : vector<4096x13xf32> to vector<4096x1xf32>
    %slice3A_33 = vector.extract_strided_slice %get3A_1 {offsets = [3, 0], sizes = [1, 32], strides = [1, 1]} : vector<13x32xf32> to vector<1x32xf32>
    %mul3A_34 = vector.broadcast %slice3A_32 : vector<4096x1xf32> to vector<4096x32xf32>
    %mul3A_35 = vector.broadcast %slice3A_33 : vector<1x32xf32> to vector<4096x32xf32>
    %mul3A_36 = arith.mulf %mul3A_34, %mul3A_35 : vector<4096x32xf32>
    %add3A_37 = arith.addf %add3A_29, %mul3A_36 : vector<4096x32xf32>
    %mul3A_38 = arith.mulf %mul3A_36, %mul3A_36 : vector<4096x32xf32>
    %add3A_39 = arith.addf %add3A_31, %mul3A_38 : vector<4096x32xf32>
    %slice3A_40 = vector.extract_strided_slice %get3A_4 {offsets = [0, 4], sizes = [4096, 1], strides = [1, 1]} : vector<4096x13xf32> to vector<4096x1xf32>
    %slice3A_41 = vector.extract_strided_slice %get3A_1 {offsets = [4, 0], sizes = [1, 32], strides = [1, 1]} : vector<13x32xf32> to vector<1x32xf32>
    %mul3A_42 = vector.broadcast %slice3A_40 : vector<4096x1xf32> to vector<4096x32xf32>
    %mul3A_43 = vector.broadcast %slice3A_41 : vector<1x32xf32> to vector<4096x32xf32>
    %mul3A_44 = arith.mulf %mul3A_42, %mul3A_43 : vector<4096x32xf32>
    %add3A_45 = arith.addf %add3A_37, %mul3A_44 : vector<4096x32xf32>
    %mul3A_46 = arith.mulf %mul3A_44, %mul3A_44 : vector<4096x32xf32>
    %add3A_47 = arith.addf %add3A_39, %mul3A_46 : vector<4096x32xf32>
    %slice3A_48 = vector.extract_strided_slice %get3A_4 {offsets = [0, 5], sizes = [4096, 1], strides = [1, 1]} : vector<4096x13xf32> to vector<4096x1xf32>
    %slice3A_49 = vector.extract_strided_slice %get3A_1 {offsets = [5, 0], sizes = [1, 32], strides = [1, 1]} : vector<13x32xf32> to vector<1x32xf32>
    %mul3A_50 = vector.broadcast %slice3A_48 : vector<4096x1xf32> to vector<4096x32xf32>
    %mul3A_51 = vector.broadcast %slice3A_49 : vector<1x32xf32> to vector<4096x32xf32>
    %mul3A_52 = arith.mulf %mul3A_50, %mul3A_51 : vector<4096x32xf32>
    %add3A_53 = arith.addf %add3A_45, %mul3A_52 : vector<4096x32xf32>
    %mul3A_54 = arith.mulf %mul3A_52, %mul3A_52 : vector<4096x32xf32>
    %add3A_55 = arith.addf %add3A_47, %mul3A_54 : vector<4096x32xf32>
    %slice3A_56 = vector.extract_strided_slice %get3A_4 {offsets = [0, 6], sizes = [4096, 1], strides = [1, 1]} : vector<4096x13xf32> to vector<4096x1xf32>
    %slice3A_57 = vector.extract_strided_slice %get3A_1 {offsets = [6, 0], sizes = [1, 32], strides = [1, 1]} : vector<13x32xf32> to vector<1x32xf32>
    %mul3A_58 = vector.broadcast %slice3A_56 : vector<4096x1xf32> to vector<4096x32xf32>
    %mul3A_59 = vector.broadcast %slice3A_57 : vector<1x32xf32> to vector<4096x32xf32>
    %mul3A_60 = arith.mulf %mul3A_58, %mul3A_59 : vector<4096x32xf32>
    %add3A_61 = arith.addf %add3A_53, %mul3A_60 : vector<4096x32xf32>
    %mul3A_62 = arith.mulf %mul3A_60, %mul3A_60 : vector<4096x32xf32>
    %add3A_63 = arith.addf %add3A_55, %mul3A_62 : vector<4096x32xf32>
    %slice3A_64 = vector.extract_strided_slice %get3A_4 {offsets = [0, 7], sizes = [4096, 1], strides = [1, 1]} : vector<4096x13xf32> to vector<4096x1xf32>
    %slice3A_65 = vector.extract_strided_slice %get3A_1 {offsets = [7, 0], sizes = [1, 32], strides = [1, 1]} : vector<13x32xf32> to vector<1x32xf32>
    %mul3A_66 = vector.broadcast %slice3A_64 : vector<4096x1xf32> to vector<4096x32xf32>
    %mul3A_67 = vector.broadcast %slice3A_65 : vector<1x32xf32> to vector<4096x32xf32>
    %mul3A_68 = arith.mulf %mul3A_66, %mul3A_67 : vector<4096x32xf32>
    %add3A_69 = arith.addf %add3A_61, %mul3A_68 : vector<4096x32xf32>
    %mul3A_70 = arith.mulf %mul3A_68, %mul3A_68 : vector<4096x32xf32>
    %add3A_71 = arith.addf %add3A_63, %mul3A_70 : vector<4096x32xf32>
    %slice3A_72 = vector.extract_strided_slice %get3A_4 {offsets = [0, 8], sizes = [4096, 1], strides = [1, 1]} : vector<4096x13xf32> to vector<4096x1xf32>
    %slice3A_73 = vector.extract_strided_slice %get3A_1 {offsets = [8, 0], sizes = [1, 32], strides = [1, 1]} : vector<13x32xf32> to vector<1x32xf32>
    %mul3A_74 = vector.broadcast %slice3A_72 : vector<4096x1xf32> to vector<4096x32xf32>
    %mul3A_75 = vector.broadcast %slice3A_73 : vector<1x32xf32> to vector<4096x32xf32>
    %mul3A_76 = arith.mulf %mul3A_74, %mul3A_75 : vector<4096x32xf32>
    %add3A_77 = arith.addf %add3A_69, %mul3A_76 : vector<4096x32xf32>
    %mul3A_78 = arith.mulf %mul3A_76, %mul3A_76 : vector<4096x32xf32>
    %add3A_79 = arith.addf %add3A_71, %mul3A_78 : vector<4096x32xf32>
    %slice3A_80 = vector.extract_strided_slice %get3A_4 {offsets = [0, 9], sizes = [4096, 1], strides = [1, 1]} : vector<4096x13xf32> to vector<4096x1xf32>
    %slice3A_81 = vector.extract_strided_slice %get3A_1 {offsets = [9, 0], sizes = [1, 32], strides = [1, 1]} : vector<13x32xf32> to vector<1x32xf32>
    %mul3A_82 = vector.broadcast %slice3A_80 : vector<4096x1xf32> to vector<4096x32xf32>
    %mul3A_83 = vector.broadcast %slice3A_81 : vector<1x32xf32> to vector<4096x32xf32>
    %mul3A_84 = arith.mulf %mul3A_82, %mul3A_83 : vector<4096x32xf32>
    %add3A_85 = arith.addf %add3A_77, %mul3A_84 : vector<4096x32xf32>
    %mul3A_86 = arith.mulf %mul3A_84, %mul3A_84 : vector<4096x32xf32>
    %add3A_87 = arith.addf %add3A_79, %mul3A_86 : vector<4096x32xf32>
    %slice3A_88 = vector.extract_strided_slice %get3A_4 {offsets = [0, 10], sizes = [4096, 1], strides = [1, 1]} : vector<4096x13xf32> to vector<4096x1xf32>
    %slice3A_89 = vector.extract_strided_slice %get3A_1 {offsets = [10, 0], sizes = [1, 32], strides = [1, 1]} : vector<13x32xf32> to vector<1x32xf32>
    %mul3A_90 = vector.broadcast %slice3A_88 : vector<4096x1xf32> to vector<4096x32xf32>
    %mul3A_91 = vector.broadcast %slice3A_89 : vector<1x32xf32> to vector<4096x32xf32>
    %mul3A_92 = arith.mulf %mul3A_90, %mul3A_91 : vector<4096x32xf32>
    %add3A_93 = arith.addf %add3A_85, %mul3A_92 : vector<4096x32xf32>
    %mul3A_94 = arith.mulf %mul3A_92, %mul3A_92 : vector<4096x32xf32>
    %add3A_95 = arith.addf %add3A_87, %mul3A_94 : vector<4096x32xf32>
    %slice3A_96 = vector.extract_strided_slice %get3A_4 {offsets = [0, 11], sizes = [4096, 1], strides = [1, 1]} : vector<4096x13xf32> to vector<4096x1xf32>
    %slice3A_97 = vector.extract_strided_slice %get3A_1 {offsets = [11, 0], sizes = [1, 32], strides = [1, 1]} : vector<13x32xf32> to vector<1x32xf32>
    %mul3A_98 = vector.broadcast %slice3A_96 : vector<4096x1xf32> to vector<4096x32xf32>
    %mul3A_99 = vector.broadcast %slice3A_97 : vector<1x32xf32> to vector<4096x32xf32>
    %mul3A_100 = arith.mulf %mul3A_98, %mul3A_99 : vector<4096x32xf32>
    %add3A_101 = arith.addf %add3A_93, %mul3A_100 : vector<4096x32xf32>
    %mul3A_102 = arith.mulf %mul3A_100, %mul3A_100 : vector<4096x32xf32>
    %add3A_103 = arith.addf %add3A_95, %mul3A_102 : vector<4096x32xf32>
    %slice3A_104 = vector.extract_strided_slice %get3A_4 {offsets = [0, 12], sizes = [4096, 1], strides = [1, 1]} : vector<4096x13xf32> to vector<4096x1xf32>
    %slice3A_105 = vector.extract_strided_slice %get3A_1 {offsets = [12, 0], sizes = [1, 32], strides = [1, 1]} : vector<13x32xf32> to vector<1x32xf32>
    %mul3A_106 = vector.broadcast %slice3A_104 : vector<4096x1xf32> to vector<4096x32xf32>
    %mul3A_107 = vector.broadcast %slice3A_105 : vector<1x32xf32> to vector<4096x32xf32>
    %mul3A_108 = arith.mulf %mul3A_106, %mul3A_107 : vector<4096x32xf32>
    %add3A_109 = arith.addf %add3A_101, %mul3A_108 : vector<4096x32xf32>
    %mul3A_110 = arith.mulf %mul3A_108, %mul3A_108 : vector<4096x32xf32>
    %add3A_111 = arith.addf %add3A_103, %mul3A_110 : vector<4096x32xf32>
    %mul3A_112 = arith.mulf %add3A_109, %add3A_109 : vector<4096x32xf32>
    %sub3A = arith.subf %mul3A_112, %add3A_111 : vector<4096x32xf32>
    %reduce_sum3A = arith.constant dense<0.000000e+00> : vector<4096xf32>
    %reduce_sum3A_113 = vector.multi_reduction <add>, %sub3A, %reduce_sum3A [1] : vector<4096x32xf32> to vector<4096xf32>
    %broadcast_in_dim3A = vector.shape_cast %reduce_sum3A_113 : vector<4096xf32> to vector<4096x1xf32>
    %mul3A_114 = arith.constant 5.000000e-01 : f32
    %mul3A_115 = vector.broadcast %mul3A_114 : f32 to vector<4096x1xf32>
    %mul3A_116 = arith.mulf %mul3A_115, %broadcast_in_dim3A : vector<4096x1xf32>
    %get3A_117 = arith.constant 0 : index
    %get3A_118 = arith.constant 0 : index
    %get3A_119 = vector.load %arg2[%get3A_117, %get3A_118] : memref<4096x26xf32, #tpu.memory_space<vmem>>, vector<4096x26xf32>
    %reduce_sum3A_120 = arith.constant dense<0.000000e+00> : vector<4096xf32>
    %reduce_sum3A_121 = vector.multi_reduction <add>, %get3A_119, %reduce_sum3A_120 [1] : vector<4096x26xf32> to vector<4096xf32>
    %broadcast_in_dim3A_122 = vector.shape_cast %reduce_sum3A_121 : vector<4096xf32> to vector<4096x1xf32>
    %get3A_123 = arith.constant 0 : index
    %get3A_124 = arith.constant 0 : index
    %get3A_125 = vector.load %arg5[%get3A_123, %get3A_124] : memref<1x1xf32, #tpu.memory_space<vmem>>, vector<1x1xf32>
    %add3A_126 = vector.broadcast %get3A_125 : vector<1x1xf32> to vector<4096x1xf32>
    %add3A_127 = arith.addf %add3A_126, %broadcast_in_dim3A_122 : vector<4096x1xf32>
    %add3A_128 = arith.addf %add3A_127, %mul3A_116 : vector<4096x1xf32>
    %swap3A = arith.constant 0 : index
    %swap3A_129 = arith.constant 0 : index
    %swap3A_130 = vector.load %arg6[%swap3A, %swap3A_129] : memref<4096x1xf32, #tpu.memory_space<vmem>>, vector<4096x1xf32>
    tpu.vector_store %arg6[%swap3A, %swap3A_129], %add3A_128 {strides = array<i32>} : memref<4096x1xf32, #tpu.memory_space<vmem>>, vector<4096x1xf32>,
    return
  }
}

</mosaic_0001>

<sc_bundles>
// kernel: kernel.4.cloned.1.call-start
scs
__scs_entry_jumppad:
0x0: {  	(pc) =	sbr.rel $0x88, $3  }
0x1: {  	(tag) =	ssettag $0x0;
	lr =	simm.s32 $0x1  }
0x2: {  	[smem:$0x3F9B] =	sst lr;
	_ =	strace $0xD0000000  }
0x3: {  	_ = 	snop  }
0x4: {  	_ = 	snop  }
0x5: {  	_ = 	snop  }
0x6: {  	_ = 	snop  }
0x7: {  	_ = 	snop  }
__scs_overlays_trampoline_lowered:
0x8: {  	[smem:$0x3FAA] =	sst s0  }
0x9: {  	[smem:$0x3FAB] =	sst s1  }
0xa: {  	[smem:$0x3FAC] =	sst s2  }
0xb: {  	[smem:$0x3FAD] =	sst s3  }
0xc: {  	[smem:$0x3FAE] =	sst s4  }
0xd: {  	[smem:$0x3FAF] =	sst s5  }
0xe: {  	[smem:$0x3FB0] =	sst s6  }
0xf: {  	[smem:$0x3FB1] =	sst s7  }
0x10: {  	[smem:$0x3FB2] =	sst s8  }
0x11: {  	[smem:$0x3FB3] =	sst s9;
	s0 =	simm.s32 @!p0 $0x0  }
0x12: {  	s1 =	sld [smem:$0x3F99];
	s0 =	simm.s32 @p0 $0x1  }
0x13: {  	[smem:$0x3FB4] =	sst s0;
	s0 =	simm.s32 @!p1 $0x0  }
0x14: {  	s2 =	sld [smem:$0x3F98];
	s0 =	simm.s32 @p1 $0x1  }
0x15: {  	[smem:$0x3FB5] =	sst s0;
	s0 =	simm.s32 @!p2 $0x0  }
0x16: {  	s3 =	sld [smem:$0x3FDB];
	s0 =	simm.s32 @p2 $0x1  }
0x17: {  	s4 =	simm.s32 $0x1BF5;
	[smem:$0x3FB7] =	sst s0  }
0x18: {  	s0 =	sld [smem:$0x3F9A];
	_ =	swait.ge [sflag:s4], $0x0  }
0x19: {  	s7 =	sld [smem:$0x3F9B]  }
0x1a: {  	s8 =	sadd.s32 $0xFFFFE003, lr  }
0x1b: {  	s9 =	sadd.s32 $0xFFFFFEF7, lr;
	s5 =	simm.s32 $0xFFFFFFFF;
	p2 =	slt.u32 s8, $0xFFFFF086  }
0x1c: {  	p1 =	slt.u32 s9, $0xF7A;
	s5 =	simm.s32 @!p2 $0x0  }
0x1d: {  	s5 =	simm.s32 @p1 $0x1;
	p0 =	seq.s32 s7, s2  }
0x1e: {  	s7 =	smul.u32 @!p0 $0xF7A, s2;
	p2 =	seq.s32 @!p0 s5, $0x0  }
0x1f: {  	s9 =	smul.u32 $0xF7A, s1;
	s8 =	simm.s32 @!p0 $0x1BF5;
	p2 =	por !p2, p0  }
0x20: {  	[sflag:s8] =	ssyncset.s32 @!p0 $0xFFFFF086;
	s6 =	sadd.s32 @!p0 s3, s7;
	s7 =	simm.s32 @!p0 $0x108  }
0x21: {  	s3 =	sadd.s32 s3, s9;
	s6 =	sadd.s32 @!p0 $0x88, s6;
	s7 =	simm.s32 @p2 $0x1082  }
0x22: {  	[simem:s7], [sflag:s8] =	dma.local @!p0 [hbm:s6], $0xF7A  }
0x23: {  	s9 =	sor.u32 $0xD0000000, s2;
	s6 =	simm.s32 $0x108;
	_ =	swait.ge @!p0 [sflag:s8], $0x0  }
0x24: {  	s3 =	sadd.s32 $0x88, s3;
	s6 =	simm.s32 @!p1 $0x1082;
	[sflag:s4] =	ssyncset.s32 $0xFFFFF086  }
0x25: {  	[simem:s6], [sflag:s4] =	dma.local [hbm:s3], $0xF7A  }
0x26: {  	[smem:$0x3F9B] =	sst s1;
	(tag) =	ssettag s2;
	_ =	strace s9  }
0x27: {  	s1 =	sld [smem:$0x3FAB]  }
0x28: {  	s2 =	sld [smem:$0x3FAC]  }
0x29: {  	s4 =	sld [smem:$0x3FAE]  }
0x2a: {  	p0 =	seq.s32 s5, $0x0;
	s5 =	sld [smem:$0x3FAF]  }
0x2b: {  	s6 =	sld [smem:$0x3FB0]  }
0x2c: {  	s7 =	sld [smem:$0x3FB1]  }
0x2d: {  	s3 =	simm.s32 $0x108;
	s8 =	sld [smem:$0x3FB2]  }
0x2e: {  	s3 =	simm.s32 @!p0 $0x1082;
	s9 =	sld [smem:$0x3FB3]  }
0x2f: {  	lr =	sadd.s32 s0, s3;
	s0 =	sld [smem:$0x3FAA]  }
0x30: {  	s3 =	sld [smem:$0x3FAD]  }
0x31: {  	[smem:$0x3FB6] =	sst s10  }
0x32: {  	s10 =	sld [smem:$0x3FB4];
	_ =	sdelay $0x3  }
0x33: {  	p0 =	seq.s32 s10, $0x1;
	s10 =	sld [smem:$0x3FB6];
	_ =	sdelay $0x3  }
0x34: {  	[smem:$0x3FB6] =	sst s10  }
0x35: {  	s10 =	sld [smem:$0x3FB5];
	_ =	sdelay $0x3  }
0x36: {  	p1 =	seq.s32 s10, $0x1;
	s10 =	sld [smem:$0x3FB6];
	_ =	sdelay $0x3  }
0x37: {  	[smem:$0x3FB6] =	sst s10  }
0x38: {  	s10 =	sld [smem:$0x3FB7]  }
0x39: {  	_ = 	snop;
	(pc) =	sbr.ind lr, $3  }
0x3a: {  	_ = 	snop  }
0x3b: {  	_ = 	snop  }
0x3c: {  	p2 =	seq.s32 s10, $0x1;
	s10 =	sld [smem:$0x3FB6]  }
0x3d: {  	_ =	shalt  }
0x3e: {  	_ =	shalt  }
0x3f: {  	_ =	shalt  }
0x40: {  	_ =	shalt  }
0x41: {  	_ =	shalt  }
0x42: {  	_ =	shalt  }
0x43: {  	_ =	shalt  }
0x44: {  	_ =	shalt  }
0x45: {  	_ =	shalt  }
0x46: {  	_ =	shalt  }
0x47: {  	_ =	shalt  }
0x48: {  	_ =	shalt  }
0x49: {  	_ =	shalt  }
0x4a: {  	_ =	shalt  }
0x4b: {  	_ =	shalt  }
0x4c: {  	_ =	shalt  }
0x4d: {  	_ =	shalt  }
0x4e: {  	_ =	shalt  }
0x4f: {  	_ =	shalt  }
0x50: {  	_ =	shalt  }
0x51: {  	_ =	shalt  }
0x52: {  	_ =	shalt  }
0x53: {  	_ =	shalt  }
0x54: {  	_ =	shalt  }
0x55: {  	_ =	shalt  }
0x56: {  	_ =	shalt  }
0x57: {  	_ =	shalt  }
0x58: {  	_ =	shalt  }
0x59: {  	_ =	shalt  }
0x5a: {  	_ =	shalt  }
0x5b: {  	_ =	shalt  }
0x5c: {  	_ =	shalt  }
0x5d: {  	_ =	shalt  }
0x5e: {  	_ =	shalt  }
0x5f: {  	_ =	shalt  }
0x60: {  	_ =	shalt  }
0x61: {  	_ =	shalt  }
0x62: {  	_ =	shalt  }
0x63: {  	_ =	shalt  }
0x64: {  	_ =	shalt  }
0x65: {  	_ =	shalt  }
0x66: {  	_ =	shalt  }
0x67: {  	_ =	shalt  }
0x68: {  	_ =	shalt  }
0x69: {  	_ =	shalt  }
0x6a: {  	_ =	shalt  }
0x6b: {  	_ =	shalt  }
0x6c: {  	_ =	shalt  }
0x6d: {  	_ =	shalt  }
0x6e: {  	_ =	shalt  }
0x6f: {  	_ =	shalt  }
0x70: {  	_ =	shalt  }
0x71: {  	_ =	shalt  }
0x72: {  	_ =	shalt  }
0x73: {  	_ =	shalt  }
0x74: {  	_ =	shalt  }
0x75: {  	_ =	shalt  }
0x76: {  	_ =	shalt  }
0x77: {  	_ =	shalt  }
0x78: {  	_ =	shalt  }
0x79: {  	_ =	shalt  }
0x7a: {  	_ =	shalt  }
0x7b: {  	_ =	shalt  }
0x7c: {  	_ =	shalt  }
0x7d: {  	_ =	shalt  }
0x7e: {  	_ =	shalt  }
0x7f: {  	_ =	shalt  }
0x80: {  	_ =	shalt  }
0x81: {  	_ =	shalt  }
0x82: {  	_ =	shalt  }
0x83: {  	_ =	shalt  }
0x84: {  	_ =	shalt  }
0x85: {  	_ =	shalt  }
0x86: {  	_ =	shalt  }
0x87: {  	_ =	shalt  }
.Lfunc_end0:
.L_simem_size_0:
called_computation_lowered:
.L_overlay_start_0:
0x88: {  	s2 =	sld [smem:$0x3FD9]  }
0x89: {  	s3 =	sld [smem:$0x3FFE];
	_ =	sdelay $0x1  }
0x8a: {  	s1 =	srdreg.scid  }
0x8b: {  	s0 =	sand.u32 $0x1, s1  }
0x8c: {  	s16 =	sshll.u32 s0, $0xA;
	s2 =	sadd.s32 s3, s2  }
0x8d: {  	s2 =	sadd.s32 s2, s16  }
0x8e: {  	[smem:$0x3FC2] =	sst s2  }
0x8f: {  	_ = 	snop  }
0x90: {  	(tm) =	ssettm $0x1  }
0x91: {  	s17 =	sld [smem:$0x3FFB];
	_ =	sdelay $0x3  }
0x92: {  	_ =	strace s17  }
0x93: {  	s2 =	sld [smem:$0x3FFC];
	_ =	sdelay $0x3  }
0x94: {  	_ =	strace s2  }
0x95: {  	s2 =	sld [smem:$0x3FFD];
	_ =	sdelay $0x3  }
0x96: {  	_ =	strace s2  }
0x97: {  	_ =	strace $0x8FFFFFFF  }
0x98: {  	s18 =	sld [smem:$0x3FDB];
	_ =	sdelay $0x1  }
0x99: {  	s19 =	simm.s32 $_scs_section_size  }
0x9a: {  	s4 =	simm.s32 $_size__tile_overlayer_lowered;
	s5 =	simm.s32 $_tile_overlayer_lowered  }
0x9b: {  	s22 =	simm.s32 $0x1BFF;
	s21 =	sshll.u32 s5, $0x1;
	s2 =	sadd.s32 s19, s18  }
0x9c: {  	s6 =	simm.s32 $0x0;
	s20 =	sshll.u32 s4, $0x1;
	s4 =	sadd.s32 s21, s2  }
0x9d: {  	[timem:s6], [sflag:s22] =	dma.local [hbm:s4], s20  }
0x9e: {  	_ =	swait.ge [sflag:s22], s20  }
0x9f: {  	s3 =	ssub.s32 $0x0, s20;
	[sflag:s22] =	ssyncset.done $0x0  }
0xa0: {  	[sflag:s22] =	ssyncadd.s32 s3;
	_ =	sdelay $0x1  }
0xa1: {  	s23 =	simm.s32 $0x1B8B  }
0xa2: {  	_ =	swait.ge [sflag:s23], $0x1  }
0xa3: {  	[sflag:s23] =	ssyncset.done $0x0  }
0xa4: {  	s25 =	simm.s32 $0x1B8E;
	s24 =	sld [smem:$0x3FFE];
	[sflag:s23] =	ssyncadd.s32 $0xFFFFFFFF  }
0xa5: {  	s26 =	simm.s32 $execute0_lowered;
	[smem:$0x3FD2] =	sst s25  }
0xa6: {  	s4 =	sshll.u32 s26, $0x1;
	_ =	strace $0x80000046;
	[dreg:$0x1] =	wrdreg $0xFFFFFFFF  }
0xa7: {  	s28 =	simm.s32 $_size_execute0_lowered;
	s2 =	sadd.s32 s2, s4;
	[dreg:$0x0] =	wrdreg $0x0  }
0xa8: {  	s4 =	sshll.u32 s28, $0x1;
	[dreg:$0x2] =	wrdreg s2  }
0xa9: {  	[dreg:$0x3] =	wrdreg s4  }
0xaa: {  	[dreg:$0x4] =	wrdreg $0xC0  }
0xab: {  	_ =	task [dreg:s6], $0x5FFFF  }
0xac: {  	[dreg:$0x1] =	wrdreg $0xFFFFFFFF  }
0xad: {  	[dreg:$0x0] =	wrdreg $0x60  }
0xae: {  	[dreg:$0x2] =	wrdreg s24  }
0xaf: {  	[dreg:$0x3] =	wrdreg $0x9  }
0xb0: {  	_ =	task.clear_ibuf [dreg:s6], $0x4FFFF;
	_ =	strace $0x90000046  }
0xb1: {  	s29 =	simm.s32 $0x9;
	_ =	strace $0x80000048  }
0xb2: {  	_ =	swait.ge [sflag:s29], $0x1  }
0xb3: {  	[sflag:s29] =	ssyncadd.s32 $0xFFFFFFFF  }
0xb4: {  	_ =	strace $0x90000048  }
0xb5: {  	_ =	sfence  }
0xb6: {  	s30 =	sld [smem:$0x0];
	_ =	sdelay $0x2  }
0xb7: {  	s31 =	sshll.u32 s1, $0xD;
	s1 =	sshrl.u32 s1, $0x2  }
0xb8: {  	s3 =	sand.u32 $0x4000, s31;
	s1 =	sadd.s32 s1, s30  }
0xb9: {  	s0 =	sor.u32 s3, s0;
	s1 =	sshll.u32 s1, $0x11  }
0xba: {  	s0 =	sor.u32 s1, s0  }
0xbb: {  	s0 =	sadd.s32 $0x8F2B, s0  }
0xbc: {  	[sflag:s0] =	ssyncadd.remote.s32 $0x1  }
0xbd: {  	_ =	sfence.sel $0xFFFF  }
0xbe: {  	[dreg:$0x0] =	wrdreg $0xFFFFFFFF;
	(pc) =	sbr.abs _section_cstart, $3  }
0xbf: {  	[dreg:$0x1] =	wrdreg $0xFFFFFFFF  }
0xc0: {  	_ =	task.clear_ibuf [dreg:s6], $0x2FFFF;
	_ =	strace $0x9FFFFFFF  }
0xc1: {  	(tm) =	ssettm $0x7FFFFFFF  }
tec
execute0_lowered:
.L_overlay_start_1:
0x0: {  	(tag) =	ssettag $0x1  }
0x1: {  	s0 =	rddreg [dreg:$0x0]  }
0x2: {  	s1 =	srdreg.scid;
	s3 =	stileid.u32  }
0x3: {  	s2 =	simm.s32 $0x0;
	s10 =	simm.s32 $0x3;
	s11 =	simm.s32 $0x80  }
0x4: {  	s29 =	simm.s32 $0x300;
	s14 =	simm.s32 $0x400;
	s18 =	simm.s32 $0x480  }
0x5: {  	s28 =	simm.s32 $0x580;
	s17 =	simm.s32 $0x680;
	s31 =	simm.s32 $0x780  }
0x6: {  	s20 =	simm.s32 $0x800;
	s30 =	simm.s32 $0x880;
	s21 =	simm.s32 $0x900  }
0x7: {  	s15 =	simm.s32 $0x980;
	s12 =	simm.s32 $0xA80;
	s13 =	simm.s32 $0xB00  }
0x8: {  	s16 =	simm.s32 $0xB80;
	s19 =	simm.s32 $0xC80;
	s8 =	simm.s32 $0x0  }
0x9: {  	s1 =	sand.u32 $0x1, s1;
	s3 =	sshll.u32 s3, $0x1;
	[smem:$0x7FF] =	sst s2  }
0xa: {  	s4 =	sadd.s32 $0x600, s0;
	s5 =	sor.u32 s1, s3;
	s1 =	ssub.s32 $0x2, s1  }
0xb: {  	_ =	strace $0x80000047;
	s6 =	smul.u32 $0x1A0, s5;
	s7 =	sshrl.u32 s1, $0x1  }
0xc: {  	s3 =	sadd.s32 $0x27ACA00, s0;
	s5 =	sshll.u32 s5, $0x9;
	s1 =	ssub.s32 s1, s7  }
0xd: {  	s7 =	simm.s32 $0x2;
	s6 =	sadd.s32 s6, s0;
	s26 =	smax.u32 s1, $0x1  }
0xe: {  	s0 =	sadd.s32 s5, s0;
	s23 =	sadd.s32 $0x4FC00, s6;
	[dreg:$0x6] =	wrdreg s26  }
0xf: {  	s1 =	simm.s32 $0x600;
	s24 =	sadd.s32 $0x57000, s0;
	[dreg:$0x2] =	wrdreg s23  }
0x10: {  	s5 =	simm.s32 $0xC00;
	s0 =	sadd.s32 $0x53000, s0;
	[dreg:$0x3] =	wrdreg s24  }
0x11: {  	s25 =	sadd.s32 $0x5B000, s6;
	s26 =	simm.s32 $0xA00;
	[dreg:$0x4] =	wrdreg s0  }
0x12: {  	s6 =	simm.s32 $0x1;
	[dreg:$0x5] =	wrdreg s25;
	s25 =	simm.s32 $0x1AD00  }
0x13: {  	v0 =	vlaneseq.u32;
	s0 =	simm.s32 $0x380;
	s23 =	simm.s32 $0x500;
	s24 =	simm.s32 $0x700  }
.LBB2_1:
0x14: {  	v1 =	vor.u32 s2, v0  }
0x15: {  	s9 =	rddreg [dreg:$0x2];
	v2 =	vmulhi.u32 $0x4EC4EC4F, v1  }
0x16: {  	[tilespmem:s2], [sflag:$0x3] =	stream.linear.gather [hbm4b:s9+s2], $0xD00, $0x38;
	[tilespmem:$0x1DA00] =	vst v63  }
0x17: {  	_ =	swait.ge [sflag:s10], $0xD00;
	v2 =	vshrl.u32 v2, $0x3  }
0x18: {  	[sflag:s10] =	ssyncset.done $0x0;
	v2 =	vmul.u32 $0x1A, v2  }
0x19: {  	[sflag:s10] =	ssyncadd.s32 $0xFFFFF300  }
0x1a: {  	v3 =	vsub.s32 v1, v2;
	v2 =	vld [tilespmem:s2+$0x0];
	_ =	sdelay $0x1  }
0x1b: {  	s22 =	simm.s32 $0x10  }
0x1c: {  	s9 =	simm.s32 $0x0;
	v1 =	vor.u32 s22, v0;
	s22 =	simm.s32 $0x20;
	v3 =	vmul.u32 $0x186A0, v3  }
.LBB2_2:
0x1d: {  	p0 =	sne.s32 s22, $0xCF0;
	v4 =	vmulhi.u32 $0x4EC4EC4F, v1  }
0x1e: {  	v2 =	vadd.s32 v3, v2  }
.Ltmp0:
0x1f: {  	v3 =	vshrl.u32 v4, $0x3;
	[tilespmem:s9+$0x0] =	vst v2;
	s9 =	sadd.s32 $0x10, s9;
	(pc) =	sbr.rel @p0 .LBB2_2-.Ltmp0, $3  }
0x20: {  	v3 =	vmul.u32 $0x1A, v3;
	v2 =	vld [tilespmem:s9+$0x0];
	_ =	sdelay $0x1  }
0x21: {  	v3 =	vsub.s32 v1, v3  }
0x22: {  	v1 =	vor.u32 s22, v0;
	s22 =	sadd.s32 $0x10, s22;
	v3 =	vmul.u32 $0x186A0, v3  }
0x23: {  	v4 =	vmulhi.u32 $0x4EC4EC4F, v1  }
0x24: {  	v2 =	vadd.s32 v3, v2  }
0x25: {  	s22 =	sadd.s32 $0x10, s9;
	v3 =	vshrl.u32 v4, $0x3;
	[tilespmem:s9+$0x0] =	vst v2  }
0x26: {  	v2 =	vmul.u32 $0x1A, v3;
	v3 =	vld [tilespmem:s22+$0x0];
	_ =	sdelay $0x1  }
0x27: {  	v1 =	vsub.s32 v1, v2  }
0x28: {  	v1 =	vmul.u32 $0x186A0, v1;
	_ =	sdelay $0x1  }
0x29: {  	v1 =	vadd.s32 v1, v3  }
0x2a: {  	s9 =	simm.s32 $0x0;
	[tilespmem:s22+$0x0] =	vst v1;
	s22 =	simm.s32 $0xD00  }
0x2b: {  	[tilespmem:s22], [sflag:$0x1] =	stream.indirect.gather [hbm4b:s3+s11], $0x20, s9, s11, $0xb8;
	[tilespmem:$0x1DA00] =	vst v63  }
0x2c: {  	_ = 	snop  }
0x2d: {  	[tilespmem:s25], [sflag:$0x2] =	stream.indirect.gather [hbm4b:s4+s11], $0x1, s9, s11, $0xb8;
	[tilespmem:$0x1DA00] =	vst v63  }
0x2e: {  	s25 =	simm.s32 $0x1D00  }
0x2f: {  	[tilespmem:s25], [sflag:$0x1] =	stream.indirect.gather [hbm4b:s3+s11], $0x20, s11, s11, $0xb8;
	[tilespmem:$0x1DA00] =	vst v63  }
0x30: {  	s22 =	simm.s32 $0x1AD80  }
0x31: {  	[tilespmem:s22], [sflag:$0x2] =	stream.indirect.gather [hbm4b:s4+s11], $0x1, s11, s11, $0xb8;
	[tilespmem:$0x1DA00] =	vst v63  }
0x32: {  	s9 =	simm.s32 $0x100;
	s25 =	simm.s32 $0x2D00  }
0x33: {  	[tilespmem:s25], [sflag:$0x1] =	stream.indirect.gather [hbm4b:s3+s11], $0x20, s9, s11, $0xb8;
	[tilespmem:$0x1DA00] =	vst v63  }
0x34: {  	s25 =	simm.s32 $0x1AE00  }
0x35: {  	[tilespmem:s25], [sflag:$0x2] =	stream.indirect.gather [hbm4b:s4+s11], $0x1, s9, s11, $0xb8;
	[tilespmem:$0x1DA00] =	vst v63  }
0x36: {  	s9 =	simm.s32 $0x180;
	s25 =	simm.s32 $0x3D00  }
0x37: {  	[tilespmem:s25], [sflag:$0x1] =	stream.indirect.gather [hbm4b:s3+s11], $0x20, s9, s11, $0xb8;
	[tilespmem:$0x1DA00] =	vst v63  }
0x38: {  	s25 =	simm.s32 $0x1AE80  }
0x39: {  	[tilespmem:s25], [sflag:$0x2] =	stream.indirect.gather [hbm4b:s4+s11], $0x1, s9, s11, $0xb8;
	[tilespmem:$0x1DA00] =	vst v63  }
0x3a: {  	s9 =	simm.s32 $0x200;
	s25 =	simm.s32 $0x4D00  }
0x3b: {  	[tilespmem:s25], [sflag:$0x1] =	stream.indirect.gather [hbm4b:s3+s11], $0x20, s9, s11, $0xb8;
	[tilespmem:$0x1DA00] =	vst v63  }
0x3c: {  	s25 =	simm.s32 $0x1AF00  }
0x3d: {  	[tilespmem:s25], [sflag:$0x2] =	stream.indirect.gather [hbm4b:s4+s11], $0x1, s9, s11, $0xb8;
	[tilespmem:$0x1DA00] =	vst v63  }
0x3e: {  	s9 =	simm.s32 $0x280;
	s25 =	simm.s32 $0x5D00  }
0x3f: {  	[tilespmem:s25], [sflag:$0x1] =	stream.indirect.gather [hbm4b:s3+s11], $0x20, s9, s11, $0xb8;
	[tilespmem:$0x1DA00] =	vst v63  }
0x40: {  	s25 =	simm.s32 $0x1AF80  }
0x41: {  	[tilespmem:s25], [sflag:$0x2] =	stream.indirect.gather [hbm4b:s4+s11], $0x1, s9, s11, $0xb8;
	[tilespmem:$0x1DA00] =	vst v63  }
0x42: {  	s22 =	simm.s32 $0x6D00  }
0x43: {  	[tilespmem:s22], [sflag:$0x1] =	stream.indirect.gather [hbm4b:s3+s11], $0x20, s29, s11, $0xb8;
	[tilespmem:$0x1DA00] =	vst v63  }
0x44: {  	s25 =	simm.s32 $0x1B000  }
0x45: {  	[tilespmem:s25], [sflag:$0x2] =	stream.indirect.gather [hbm4b:s4+s11], $0x1, s29, s11, $0xb8;
	[tilespmem:$0x1DA00] =	vst v63  }
0x46: {  	s22 =	simm.s32 $0x7D00  }
0x47: {  	[tilespmem:s22], [sflag:$0x1] =	stream.indirect.gather [hbm4b:s3+s11], $0x20, s0, s11, $0xb8;
	[tilespmem:$0x1DA00] =	vst v63  }
0x48: {  	s25 =	simm.s32 $0x1B080  }
0x49: {  	[tilespmem:s25], [sflag:$0x2] =	stream.indirect.gather [hbm4b:s4+s11], $0x1, s0, s11, $0xb8;
	[tilespmem:$0x1DA00] =	vst v63  }
0x4a: {  	s22 =	simm.s32 $0x8D00  }
0x4b: {  	[tilespmem:s22], [sflag:$0x1] =	stream.indirect.gather [hbm4b:s3+s11], $0x20, s14, s11, $0xb8;
	[tilespmem:$0x1DA00] =	vst v63  }
0x4c: {  	s25 =	simm.s32 $0x1B100  }
0x4d: {  	[tilespmem:s25], [sflag:$0x2] =	stream.indirect.gather [hbm4b:s4+s11], $0x1, s14, s11, $0xb8;
	[tilespmem:$0x1DA00] =	vst v63  }
0x4e: {  	s22 =	simm.s32 $0x9D00  }
0x4f: {  	[tilespmem:s22], [sflag:$0x1] =	stream.indirect.gather [hbm4b:s3+s11], $0x20, s18, s11, $0xb8;
	[tilespmem:$0x1DA00] =	vst v63  }
0x50: {  	s25 =	simm.s32 $0x1B180  }
0x51: {  	[tilespmem:s25], [sflag:$0x2] =	stream.indirect.gather [hbm4b:s4+s11], $0x1, s18, s11, $0xb8;
	[tilespmem:$0x1DA00] =	vst v63  }
0x52: {  	s22 =	simm.s32 $0xAD00  }
0x53: {  	[tilespmem:s22], [sflag:$0x1] =	stream.indirect.gather [hbm4b:s3+s11], $0x20, s23, s11, $0xb8;
	[tilespmem:$0x1DA00] =	vst v63  }
0x54: {  	s25 =	simm.s32 $0x1B200  }
0x55: {  	[tilespmem:s25], [sflag:$0x2] =	stream.indirect.gather [hbm4b:s4+s11], $0x1, s23, s11, $0xb8;
	[tilespmem:$0x1DA00] =	vst v63  }
0x56: {  	s22 =	simm.s32 $0xBD00  }
0x57: {  	[tilespmem:s22], [sflag:$0x1] =	stream.indirect.gather [hbm4b:s3+s11], $0x20, s28, s11, $0xb8;
	[tilespmem:$0x1DA00] =	vst v63  }
0x58: {  	s25 =	simm.s32 $0x1B280  }
0x59: {  	[tilespmem:s25], [sflag:$0x2] =	stream.indirect.gather [hbm4b:s4+s11], $0x1, s28, s11, $0xb8;
	[tilespmem:$0x1DA00] =	vst v63  }
0x5a: {  	s22 =	simm.s32 $0xCD00  }
0x5b: {  	[tilespmem:s22], [sflag:$0x1] =	stream.indirect.gather [hbm4b:s3+s11], $0x20, s1, s11, $0xb8;
	[tilespmem:$0x1DA00] =	vst v63  }
0x5c: {  	s25 =	simm.s32 $0x1B300  }
0x5d: {  	[tilespmem:s25], [sflag:$0x2] =	stream.indirect.gather [hbm4b:s4+s11], $0x1, s1, s11, $0xb8;
	[tilespmem:$0x1DA00] =	vst v63  }
0x5e: {  	s22 =	simm.s32 $0xDD00  }
0x5f: {  	[tilespmem:s22], [sflag:$0x1] =	stream.indirect.gather [hbm4b:s3+s11], $0x20, s17, s11, $0xb8;
	[tilespmem:$0x1DA00] =	vst v63  }
0x60: {  	s25 =	simm.s32 $0x1B380  }
0x61: {  	[tilespmem:s25], [sflag:$0x2] =	stream.indirect.gather [hbm4b:s4+s11], $0x1, s17, s11, $0xb8;
	[tilespmem:$0x1DA00] =	vst v63  }
0x62: {  	s22 =	simm.s32 $0xED00  }
0x63: {  	[tilespmem:s22], [sflag:$0x1] =	stream.indirect.gather [hbm4b:s3+s11], $0x20, s24, s11, $0xb8;
	[tilespmem:$0x1DA00] =	vst v63  }
0x64: {  	s25 =	simm.s32 $0x1B400  }
0x65: {  	[tilespmem:s25], [sflag:$0x2] =	stream.indirect.gather [hbm4b:s4+s11], $0x1, s24, s11, $0xb8;
	[tilespmem:$0x1DA00] =	vst v63  }
0x66: {  	s22 =	simm.s32 $0xFD00  }
0x67: {  	[tilespmem:s22], [sflag:$0x1] =	stream.indirect.gather [hbm4b:s3+s11], $0x20, s31, s11, $0xb8;
	[tilespmem:$0x1DA00] =	vst v63  }
0x68: {  	s25 =	simm.s32 $0x1B480  }
0x69: {  	[tilespmem:s25], [sflag:$0x2] =	stream.indirect.gather [hbm4b:s4+s11], $0x1, s31, s11, $0xb8;
	[tilespmem:$0x1DA00] =	vst v63  }
0x6a: {  	s22 =	simm.s32 $0x10D00  }
0x6b: {  	[tilespmem:s22], [sflag:$0x1] =	stream.indirect.gather [hbm4b:s3+s11], $0x20, s20, s11, $0xb8;
	[tilespmem:$0x1DA00] =	vst v63  }
0x6c: {  	s25 =	simm.s32 $0x1B500  }
0x6d: {  	[tilespmem:s25], [sflag:$0x2] =	stream.indirect.gather [hbm4b:s4+s11], $0x1, s20, s11, $0xb8;
	[tilespmem:$0x1DA00] =	vst v63  }
0x6e: {  	s22 =	simm.s32 $0x11D00  }
0x6f: {  	[tilespmem:s22], [sflag:$0x1] =	stream.indirect.gather [hbm4b:s3+s11], $0x20, s30, s11, $0xb8;
	[tilespmem:$0x1DA00] =	vst v63  }
0x70: {  	s25 =	simm.s32 $0x1B580  }
0x71: {  	[tilespmem:s25], [sflag:$0x2] =	stream.indirect.gather [hbm4b:s4+s11], $0x1, s30, s11, $0xb8;
	[tilespmem:$0x1DA00] =	vst v63  }
0x72: {  	s22 =	simm.s32 $0x12D00  }
0x73: {  	[tilespmem:s22], [sflag:$0x1] =	stream.indirect.gather [hbm4b:s3+s11], $0x20, s21, s11, $0xb8;
	[tilespmem:$0x1DA00] =	vst v63  }
0x74: {  	s25 =	simm.s32 $0x1B600  }
0x75: {  	[tilespmem:s25], [sflag:$0x2] =	stream.indirect.gather [hbm4b:s4+s11], $0x1, s21, s11, $0xb8;
	[tilespmem:$0x1DA00] =	vst v63  }
0x76: {  	s22 =	simm.s32 $0x13D00  }
0x77: {  	[tilespmem:s22], [sflag:$0x1] =	stream.indirect.gather [hbm4b:s3+s11], $0x20, s15, s11, $0xb8;
	[tilespmem:$0x1DA00] =	vst v63  }
0x78: {  	s25 =	simm.s32 $0x1B680  }
0x79: {  	[tilespmem:s25], [sflag:$0x2] =	stream.indirect.gather [hbm4b:s4+s11], $0x1, s15, s11, $0xb8;
	[tilespmem:$0x1DA00] =	vst v63  }
0x7a: {  	s22 =	simm.s32 $0x14D00  }
0x7b: {  	[tilespmem:s22], [sflag:$0x1] =	stream.indirect.gather [hbm4b:s3+s11], $0x20, s26, s11, $0xb8;
	[tilespmem:$0x1DA00] =	vst v63  }
0x7c: {  	s25 =	simm.s32 $0x1B700  }
0x7d: {  	[tilespmem:s25], [sflag:$0x2] =	stream.indirect.gather [hbm4b:s4+s11], $0x1, s26, s11, $0xb8;
	[tilespmem:$0x1DA00] =	vst v63  }
0x7e: {  	s22 =	simm.s32 $0x15D00  }
0x7f: {  	[tilespmem:s22], [sflag:$0x1] =	stream.indirect.gather [hbm4b:s3+s11], $0x20, s12, s11, $0xb8;
	[tilespmem:$0x1DA00] =	vst v63  }
0x80: {  	s25 =	simm.s32 $0x1B780  }
0x81: {  	[tilespmem:s25], [sflag:$0x2] =	stream.indirect.gather [hbm4b:s4+s11], $0x1, s12, s11, $0xb8;
	[tilespmem:$0x1DA00] =	vst v63  }
0x82: {  	s22 =	simm.s32 $0x16D00  }
0x83: {  	[tilespmem:s22], [sflag:$0x1] =	stream.indirect.gather [hbm4b:s3+s11], $0x20, s13, s11, $0xb8;
	[tilespmem:$0x1DA00] =	vst v63  }
0x84: {  	s25 =	simm.s32 $0x1B800  }
0x85: {  	[tilespmem:s25], [sflag:$0x2] =	stream.indirect.gather [hbm4b:s4+s11], $0x1, s13, s11, $0xb8;
	[tilespmem:$0x1DA00] =	vst v63  }
0x86: {  	s22 =	simm.s32 $0x17D00  }
0x87: {  	[tilespmem:s22], [sflag:$0x1] =	stream.indirect.gather [hbm4b:s3+s11], $0x20, s16, s11, $0xb8;
	[tilespmem:$0x1DA00] =	vst v63  }
0x88: {  	s25 =	simm.s32 $0x1B880  }
0x89: {  	[tilespmem:s25], [sflag:$0x2] =	stream.indirect.gather [hbm4b:s4+s11], $0x1, s16, s11, $0xb8;
	[tilespmem:$0x1DA00] =	vst v63  }
0x8a: {  	s22 =	simm.s32 $0x18D00  }
0x8b: {  	[tilespmem:s22], [sflag:$0x1] =	stream.indirect.gather [hbm4b:s3+s11], $0x20, s5, s11, $0xb8;
	[tilespmem:$0x1DA00] =	vst v63  }
0x8c: {  	s25 =	simm.s32 $0x1B900  }
0x8d: {  	[tilespmem:s25], [sflag:$0x2] =	stream.indirect.gather [hbm4b:s4+s11], $0x1, s5, s11, $0xb8;
	[tilespmem:$0x1DA00] =	vst v63  }
0x8e: {  	s22 =	simm.s32 $0x19D00  }
0x8f: {  	[tilespmem:s22], [sflag:$0x1] =	stream.indirect.gather [hbm4b:s3+s11], $0x20, s19, s11, $0xb8;
	[tilespmem:$0x1DA00] =	vst v63  }
0x90: {  	s25 =	simm.s32 $0x1B980  }
0x91: {  	[tilespmem:s25], [sflag:$0x2] =	stream.indirect.gather [hbm4b:s4+s11], $0x1, s19, s11, $0xb8;
	[tilespmem:$0x1DA00] =	vst v63  }
0x92: {  	_ =	swait.ge [sflag:s6], $0x1000  }
0x93: {  	[sflag:s6] =	ssyncset.done $0x0  }
0x94: {  	[sflag:s6] =	ssyncadd.s32 $0xFFFFF000  }
0x95: {  	_ =	swait.ge [sflag:s7], $0x80  }
0x96: {  	[sflag:s7] =	ssyncset.done $0x0  }
0x97: {  	[sflag:s7] =	ssyncadd.s32 $0xFFFFFF80  }
0x98: {  	_ =	swait.ge [sflag:s6], $0x1000  }
0x99: {  	[sflag:s6] =	ssyncset.done $0x0  }
0x9a: {  	[sflag:s6] =	ssyncadd.s32 $0xFFFFF000  }
0x9b: {  	_ =	swait.ge [sflag:s7], $0x80  }
0x9c: {  	[sflag:s7] =	ssyncset.done $0x0  }
0x9d: {  	[sflag:s7] =	ssyncadd.s32 $0xFFFFFF80  }
0x9e: {  	_ =	swait.ge [sflag:s6], $0x1000  }
0x9f: {  	[sflag:s6] =	ssyncset.done $0x0  }
0xa0: {  	[sflag:s6] =	ssyncadd.s32 $0xFFFFF000  }
0xa1: {  	_ =	swait.ge [sflag:s7], $0x80  }
0xa2: {  	[sflag:s7] =	ssyncset.done $0x0  }
0xa3: {  	[sflag:s7] =	ssyncadd.s32 $0xFFFFFF80  }
0xa4: {  	_ =	swait.ge [sflag:s6], $0x1000  }
0xa5: {  	[sflag:s6] =	ssyncset.done $0x0  }
0xa6: {  	[sflag:s6] =	ssyncadd.s32 $0xFFFFF000  }
0xa7: {  	_ =	swait.ge [sflag:s7], $0x80  }
0xa8: {  	[sflag:s7] =	ssyncset.done $0x0  }
0xa9: {  	[sflag:s7] =	ssyncadd.s32 $0xFFFFFF80  }
0xaa: {  	_ =	swait.ge [sflag:s6], $0x1000  }
0xab: {  	[sflag:s6] =	ssyncset.done $0x0  }
0xac: {  	[sflag:s6] =	ssyncadd.s32 $0xFFFFF000  }
0xad: {  	_ =	swait.ge [sflag:s7], $0x80  }
0xae: {  	[sflag:s7] =	ssyncset.done $0x0  }
0xaf: {  	[sflag:s7] =	ssyncadd.s32 $0xFFFFFF80  }
0xb0: {  	_ =	swait.ge [sflag:s6], $0x1000  }
0xb1: {  	[sflag:s6] =	ssyncset.done $0x0  }
0xb2: {  	[sflag:s6] =	ssyncadd.s32 $0xFFFFF000  }
0xb3: {  	_ =	swait.ge [sflag:s7], $0x80  }
0xb4: {  	[sflag:s7] =	ssyncset.done $0x0  }
0xb5: {  	[sflag:s7] =	ssyncadd.s32 $0xFFFFFF80  }
0xb6: {  	_ =	swait.ge [sflag:s6], $0x1000  }
0xb7: {  	[sflag:s6] =	ssyncset.done $0x0  }
0xb8: {  	[sflag:s6] =	ssyncadd.s32 $0xFFFFF000  }
0xb9: {  	_ =	swait.ge [sflag:s7], $0x80  }
0xba: {  	[sflag:s7] =	ssyncset.done $0x0  }
0xbb: {  	[sflag:s7] =	ssyncadd.s32 $0xFFFFFF80  }
0xbc: {  	_ =	swait.ge [sflag:s6], $0x1000  }
0xbd: {  	[sflag:s6] =	ssyncset.done $0x0  }
0xbe: {  	[sflag:s6] =	ssyncadd.s32 $0xFFFFF000  }
0xbf: {  	_ =	swait.ge [sflag:s7], $0x80  }
0xc0: {  	[sflag:s7] =	ssyncset.done $0x0  }
0xc1: {  	[sflag:s7] =	ssyncadd.s32 $0xFFFFFF80  }
0xc2: {  	_ =	swait.ge [sflag:s6], $0x1000  }
0xc3: {  	[sflag:s6] =	ssyncset.done $0x0  }
0xc4: {  	[sflag:s6] =	ssyncadd.s32 $0xFFFFF000  }
0xc5: {  	_ =	swait.ge [sflag:s7], $0x80  }
0xc6: {  	[sflag:s7] =	ssyncset.done $0x0  }
0xc7: {  	[sflag:s7] =	ssyncadd.s32 $0xFFFFFF80  }
0xc8: {  	_ =	swait.ge [sflag:s6], $0x1000  }
0xc9: {  	[sflag:s6] =	ssyncset.done $0x0  }
0xca: {  	[sflag:s6] =	ssyncadd.s32 $0xFFFFF000  }
0xcb: {  	_ =	swait.ge [sflag:s7], $0x80  }
0xcc: {  	[sflag:s7] =	ssyncset.done $0x0  }
0xcd: {  	[sflag:s7] =	ssyncadd.s32 $0xFFFFFF80  }
0xce: {  	_ =	swait.ge [sflag:s6], $0x1000  }
0xcf: {  	[sflag:s6] =	ssyncset.done $0x0  }
0xd0: {  	[sflag:s6] =	ssyncadd.s32 $0xFFFFF000  }
0xd1: {  	_ =	swait.ge [sflag:s7], $0x80  }
0xd2: {  	[sflag:s7] =	ssyncset.done $0x0  }
0xd3: {  	[sflag:s7] =	ssyncadd.s32 $0xFFFFFF80  }
0xd4: {  	_ =	swait.ge [sflag:s6], $0x1000  }
0xd5: {  	[sflag:s6] =	ssyncset.done $0x0  }
0xd6: {  	[sflag:s6] =	ssyncadd.s32 $0xFFFFF000  }
0xd7: {  	_ =	swait.ge [sflag:s7], $0x80  }
0xd8: {  	[sflag:s7] =	ssyncset.done $0x0  }
0xd9: {  	[sflag:s7] =	ssyncadd.s32 $0xFFFFFF80  }
0xda: {  	_ =	swait.ge [sflag:s6], $0x1000  }
0xdb: {  	[sflag:s6] =	ssyncset.done $0x0  }
0xdc: {  	[sflag:s6] =	ssyncadd.s32 $0xFFFFF000  }
0xdd: {  	_ =	swait.ge [sflag:s7], $0x80  }
0xde: {  	[sflag:s7] =	ssyncset.done $0x0  }
0xdf: {  	[sflag:s7] =	ssyncadd.s32 $0xFFFFFF80  }
0xe0: {  	_ =	swait.ge [sflag:s6], $0x1000  }
0xe1: {  	[sflag:s6] =	ssyncset.done $0x0  }
0xe2: {  	[sflag:s6] =	ssyncadd.s32 $0xFFFFF000  }
0xe3: {  	_ =	swait.ge [sflag:s7], $0x80  }
0xe4: {  	[sflag:s7] =	ssyncset.done $0x0  }
0xe5: {  	[sflag:s7] =	ssyncadd.s32 $0xFFFFFF80  }
0xe6: {  	_ =	swait.ge [sflag:s6], $0x1000  }
0xe7: {  	[sflag:s6] =	ssyncset.done $0x0  }
0xe8: {  	[sflag:s6] =	ssyncadd.s32 $0xFFFFF000  }
0xe9: {  	_ =	swait.ge [sflag:s7], $0x80  }
0xea: {  	[sflag:s7] =	ssyncset.done $0x0  }
0xeb: {  	[sflag:s7] =	ssyncadd.s32 $0xFFFFFF80  }
0xec: {  	_ =	swait.ge [sflag:s6], $0x1000  }
0xed: {  	[sflag:s6] =	ssyncset.done $0x0  }
0xee: {  	[sflag:s6] =	ssyncadd.s32 $0xFFFFF000  }
0xef: {  	_ =	swait.ge [sflag:s7], $0x80  }
0xf0: {  	[sflag:s7] =	ssyncset.done $0x0  }
0xf1: {  	[sflag:s7] =	ssyncadd.s32 $0xFFFFFF80  }
0xf2: {  	_ =	swait.ge [sflag:s6], $0x1000  }
0xf3: {  	[sflag:s6] =	ssyncset.done $0x0  }
0xf4: {  	[sflag:s6] =	ssyncadd.s32 $0xFFFFF000  }
0xf5: {  	_ =	swait.ge [sflag:s7], $0x80  }
0xf6: {  	[sflag:s7] =	ssyncset.done $0x0  }
0xf7: {  	[sflag:s7] =	ssyncadd.s32 $0xFFFFFF80  }
0xf8: {  	_ =	swait.ge [sflag:s6], $0x1000  }
0xf9: {  	[sflag:s6] =	ssyncset.done $0x0  }
0xfa: {  	[sflag:s6] =	ssyncadd.s32 $0xFFFFF000  }
0xfb: {  	_ =	swait.ge [sflag:s7], $0x80  }
0xfc: {  	[sflag:s7] =	ssyncset.done $0x0  }
0xfd: {  	[sflag:s7] =	ssyncadd.s32 $0xFFFFFF80  }
0xfe: {  	_ =	swait.ge [sflag:s6], $0x1000  }
0xff: {  	[sflag:s6] =	ssyncset.done $0x0  }
0x100: {  	[sflag:s6] =	ssyncadd.s32 $0xFFFFF000  }
0x101: {  	_ =	swait.ge [sflag:s7], $0x80  }
0x102: {  	[sflag:s7] =	ssyncset.done $0x0  }
0x103: {  	[sflag:s7] =	ssyncadd.s32 $0xFFFFFF80  }
0x104: {  	_ =	swait.ge [sflag:s6], $0x1000  }
0x105: {  	[sflag:s6] =	ssyncset.done $0x0  }
0x106: {  	[sflag:s6] =	ssyncadd.s32 $0xFFFFF000  }
0x107: {  	_ =	swait.ge [sflag:s7], $0x80  }
0x108: {  	[sflag:s7] =	ssyncset.done $0x0  }
0x109: {  	[sflag:s7] =	ssyncadd.s32 $0xFFFFFF80  }
0x10a: {  	_ =	swait.ge [sflag:s6], $0x1000  }
0x10b: {  	[sflag:s6] =	ssyncset.done $0x0  }
0x10c: {  	[sflag:s6] =	ssyncadd.s32 $0xFFFFF000  }
0x10d: {  	_ =	swait.ge [sflag:s7], $0x80  }
0x10e: {  	[sflag:s7] =	ssyncset.done $0x0  }
0x10f: {  	[sflag:s7] =	ssyncadd.s32 $0xFFFFFF80  }
0x110: {  	_ =	swait.ge [sflag:s6], $0x1000  }
0x111: {  	[sflag:s6] =	ssyncset.done $0x0  }
0x112: {  	[sflag:s6] =	ssyncadd.s32 $0xFFFFF000  }
0x113: {  	_ =	swait.ge [sflag:s7], $0x80  }
0x114: {  	[sflag:s7] =	ssyncset.done $0x0  }
0x115: {  	[sflag:s7] =	ssyncadd.s32 $0xFFFFFF80  }
0x116: {  	_ =	swait.ge [sflag:s6], $0x1000  }
0x117: {  	[sflag:s6] =	ssyncset.done $0x0  }
0x118: {  	[sflag:s6] =	ssyncadd.s32 $0xFFFFF000  }
0x119: {  	_ =	swait.ge [sflag:s7], $0x80  }
0x11a: {  	[sflag:s7] =	ssyncset.done $0x0  }
0x11b: {  	[sflag:s7] =	ssyncadd.s32 $0xFFFFFF80  }
0x11c: {  	_ =	swait.ge [sflag:s6], $0x1000  }
0x11d: {  	[sflag:s6] =	ssyncset.done $0x0  }
0x11e: {  	[sflag:s6] =	ssyncadd.s32 $0xFFFFF000  }
0x11f: {  	_ =	swait.ge [sflag:s7], $0x80  }
0x120: {  	[sflag:s7] =	ssyncset.done $0x0  }
0x121: {  	[sflag:s7] =	ssyncadd.s32 $0xFFFFFF80  }
0x122: {  	_ =	swait.ge [sflag:s6], $0x1000  }
0x123: {  	[sflag:s6] =	ssyncset.done $0x0  }
0x124: {  	[sflag:s6] =	ssyncadd.s32 $0xFFFFF000  }
0x125: {  	_ =	swait.ge [sflag:s7], $0x80  }
0x126: {  	[sflag:s7] =	ssyncset.done $0x0  }
0x127: {  	[sflag:s7] =	ssyncadd.s32 $0xFFFFFF80  }
0x128: {  	_ =	swait.ge [sflag:s6], $0x1000  }
0x129: {  	[sflag:s6] =	ssyncset.done $0x0  }
0x12a: {  	[sflag:s6] =	ssyncadd.s32 $0xFFFFF000  }
0x12b: {  	_ =	swait.ge [sflag:s7], $0x80  }
0x12c: {  	[sflag:s7] =	ssyncset.done $0x0  }
0x12d: {  	s22 =	simm.s32 $0xEA0;
	[sflag:s7] =	ssyncadd.s32 $0xFFFFFF80  }
0x12e: {  	v1 =	vld [tilespmem:s22+$0xFFFFFE80]  }
0x12f: {  	v2 =	vld [tilespmem:s22+$0xFFFFFE90]  }
0x130: {  	v3 =	vld [tilespmem:s22+$0xFFFFFE60]  }
0x131: {  	v26 =	vld [tilespmem:s22+$0xFFFFFE70]  }
0x132: {  	v5 =	vld [tilespmem:s22+$0xFFFFFEA0]  }
0x133: {  	v6 =	vld [tilespmem:s22+$0xFFFFFEB0]  }
0x134: {  	v7 =	vld [tilespmem:s22+$0xFFFFFEC0]  }
0x135: {  	v9 =	vld [tilespmem:s22+$0xFFFFFED0];
	v8 =	vmul.f32 v3, v3;
	v3 =	vadd.f32 v1, v3;
	v1 =	vmul.f32 v1, v1  }
0x136: {  	v11 =	vld [tilespmem:s22+$0xFFFFFEE0];
	v10 =	vmul.f32 v26, v26;
	v4 =	vadd.f32 v2, v26;
	v2 =	vmul.f32 v2, v2  }
0x137: {  	v27 =	vld [tilespmem:s22+$0xFFFFFEF0];
	v1 =	vadd.f32 v1, v8;
	v3 =	vadd.f32 v5, v3;
	v5 =	vmul.f32 v5, v5  }
0x138: {  	v28 =	vld [tilespmem:s22+$0xFFFFFF00];
	v2 =	vadd.f32 v2, v10;
	v4 =	vadd.f32 v6, v4;
	v6 =	vmul.f32 v6, v6  }
0x139: {  	v30 =	vld [tilespmem:s22+$0xFFFFFF10];
	v29 =	vmul.f32 v7, v7;
	v1 =	vadd.f32 v5, v1;
	v3 =	vadd.f32 v7, v3  }
0x13a: {  	v32 =	vld [tilespmem:s22+$0xFFFFFF20];
	v31 =	vmul.f32 v9, v9;
	v2 =	vadd.f32 v6, v2;
	v4 =	vadd.f32 v9, v4  }
0x13b: {  	v34 =	vld [tilespmem:s22+$0xFFFFFF30];
	v33 =	vmul.f32 v11, v11;
	v1 =	vadd.f32 v29, v1;
	v3 =	vadd.f32 v11, v3  }
0x13c: {  	v36 =	vld [tilespmem:s22+$0xFFFFFF40];
	v35 =	vmul.f32 v27, v27;
	v2 =	vadd.f32 v31, v2;
	v4 =	vadd.f32 v27, v4  }
0x13d: {  	v38 =	vld [tilespmem:s22+$0xFFFFFF50];
	v37 =	vmul.f32 v28, v28;
	v1 =	vadd.f32 v33, v1;
	v3 =	vadd.f32 v28, v3  }
0x13e: {  	v40 =	vld [tilespmem:s22+$0xFFFFFF60];
	v39 =	vmul.f32 v30, v30;
	v2 =	vadd.f32 v35, v2;
	v4 =	vadd.f32 v30, v4  }
0x13f: {  	v42 =	vld [tilespmem:s22+$0xFFFFFF70];
	v41 =	vmul.f32 v32, v32;
	v1 =	vadd.f32 v37, v1;
	v3 =	vadd.f32 v32, v3  }
0x140: {  	v44 =	vld [tilespmem:s22+$0xFFFFFF80];
	v43 =	vmul.f32 v34, v34;
	v2 =	vadd.f32 v39, v2;
	v4 =	vadd.f32 v34, v4  }
0x141: {  	v46 =	vld [tilespmem:s22+$0xFFFFFF90];
	v45 =	vmul.f32 v36, v36;
	v1 =	vadd.f32 v41, v1;
	v3 =	vadd.f32 v36, v3  }
0x142: {  	v48 =	vld [tilespmem:s22+$0xFFFFFFA0];
	v47 =	vmul.f32 v38, v38;
	v2 =	vadd.f32 v43, v2;
	v4 =	vadd.f32 v38, v4  }
0x143: {  	v50 =	vld [tilespmem:s22+$0xFFFFFFB0];
	v49 =	vmul.f32 v40, v40;
	v1 =	vadd.f32 v45, v1;
	v3 =	vadd.f32 v40, v3  }
0x144: {  	v52 =	vld [tilespmem:s22+$0xFFFFFFC0];
	v51 =	vmul.f32 v42, v42;
	v2 =	vadd.f32 v47, v2;
	v4 =	vadd.f32 v42, v4  }
0x145: {  	v54 =	vld [tilespmem:s22+$0xFFFFFFD0];
	v53 =	vmul.f32 v44, v44;
	v1 =	vadd.f32 v49, v1;
	v3 =	vadd.f32 v44, v3  }
0x146: {  	v56 =	vld [tilespmem:s22+$0xFFFFFFE0];
	v55 =	vmul.f32 v46, v46;
	v2 =	vadd.f32 v51, v2;
	v4 =	vadd.f32 v46, v4  }
0x147: {  	v58 =	vld [tilespmem:s22+$0xFFFFFFF0];
	v57 =	vmul.f32 v48, v48;
	v1 =	vadd.f32 v53, v1;
	v3 =	vadd.f32 v48, v3  }
0x148: {  	v60 =	vld [tilespmem:s22+$0x0];
	v59 =	vmul.f32 v50, v50;
	v2 =	vadd.f32 v55, v2;
	v4 =	vadd.f32 v50, v4  }
0x149: {  	v62 =	vld [tilespmem:s22+$0x10];
	v61 =	vmul.f32 v52, v52;
	v1 =	vadd.f32 v57, v1;
	v3 =	vadd.f32 v52, v3  }
0x14a: {  	v12 =	vld [tilespmem:s22+$0x20];
	v63 =	vmul.f32 v54, v54;
	v2 =	vadd.f32 v59, v2;
	v4 =	vadd.f32 v54, v4  }
0x14b: {  	v14 =	vld [tilespmem:s22+$0x30];
	v13 =	vmul.f32 v56, v56;
	v1 =	vadd.f32 v61, v1;
	v3 =	vadd.f32 v56, v3  }
0x14c: {  	v16 =	vld [tilespmem:s22+$0x40];
	v15 =	vmul.f32 v58, v58;
	v2 =	vadd.f32 v63, v2;
	v4 =	vadd.f32 v58, v4  }
0x14d: {  	v18 =	vld [tilespmem:s22+$0x50];
	v17 =	vmul.f32 v60, v60;
	v1 =	vadd.f32 v13, v1;
	v3 =	vadd.f32 v60, v3  }
0x14e: {  	v20 =	vld [tilespmem:s22+$0x60];
	v19 =	vmul.f32 v62, v62;
	v2 =	vadd.f32 v15, v2;
	v4 =	vadd.f32 v62, v4  }
0x14f: {  	v22 =	vld [tilespmem:s22+$0x70];
	v21 =	vmul.f32 v12, v12;
	v1 =	vadd.f32 v17, v1;
	v3 =	vadd.f32 v12, v3  }
0x150: {  	v24 =	vld [tilespmem:s22+$0x80];
	v23 =	vmul.f32 v14, v14;
	v2 =	vadd.f32 v19, v2;
	v4 =	vadd.f32 v14, v4  }
0x151: {  	v25 =	vmul.f32 v16, v16;
	v26 =	vld [tilespmem:s22+$0x90];
	v1 =	vadd.f32 v21, v1;
	v3 =	vadd.f32 v16, v3  }
0x152: {  	v27 =	vmul.f32 v18, v18;
	v28 =	vld [tilespmem:s22+$0xA0];
	v2 =	vadd.f32 v23, v2;
	v4 =	vadd.f32 v18, v4  }
0x153: {  	v29 =	vmul.f32 v20, v20;
	v30 =	vld [tilespmem:s22+$0xB0];
	v1 =	vadd.f32 v25, v1;
	v3 =	vadd.f32 v20, v3  }
0x154: {  	v31 =	vmul.f32 v22, v22;
	v32 =	vld [tilespmem:s22+$0xC0];
	v2 =	vadd.f32 v27, v2;
	v4 =	vadd.f32 v22, v4  }
0x155: {  	v33 =	vmul.f32 v24, v24;
	v34 =	vld [tilespmem:s22+$0xD0];
	v1 =	vadd.f32 v29, v1;
	v3 =	vadd.f32 v24, v3  }
0x156: {  	v35 =	vmul.f32 v26, v26;
	v36 =	vld [tilespmem:s22+$0xE0];
	v2 =	vadd.f32 v31, v2;
	v4 =	vadd.f32 v26, v4  }
0x157: {  	v38 =	vld [tilespmem:s22+$0xF0];
	v37 =	vmul.f32 v28, v28;
	v1 =	vadd.f32 v33, v1;
	v3 =	vadd.f32 v28, v3  }
0x158: {  	v39 =	vmul.f32 v30, v30;
	v40 =	vld [tilespmem:s22+$0x100];
	v2 =	vadd.f32 v35, v2;
	v4 =	vadd.f32 v30, v4  }
0x159: {  	v42 =	vld [tilespmem:s22+$0x110];
	v41 =	vmul.f32 v32, v32;
	v1 =	vadd.f32 v37, v1;
	v3 =	vadd.f32 v32, v3  }
0x15a: {  	v43 =	vmul.f32 v34, v34;
	v44 =	vld [tilespmem:s22+$0x120];
	v2 =	vadd.f32 v39, v2;
	v4 =	vadd.f32 v34, v4  }
0x15b: {  	v46 =	vld [tilespmem:s22+$0x130];
	v45 =	vmul.f32 v36, v36;
	v1 =	vadd.f32 v41, v1;
	v3 =	vadd.f32 v36, v3  }
0x15c: {  	v47 =	vmul.f32 v38, v38;
	v48 =	vld [tilespmem:s22+$0x140];
	v2 =	vadd.f32 v43, v2;
	v4 =	vadd.f32 v38, v4  }
0x15d: {  	v50 =	vld [tilespmem:s22+$0x150];
	v49 =	vmul.f32 v40, v40;
	v1 =	vadd.f32 v45, v1;
	v3 =	vadd.f32 v40, v3  }
0x15e: {  	v51 =	vmul.f32 v42, v42;
	v52 =	vld [tilespmem:s22+$0x160];
	v2 =	vadd.f32 v47, v2;
	v4 =	vadd.f32 v42, v4  }
0x15f: {  	v54 =	vld [tilespmem:s22+$0x170];
	v53 =	vmul.f32 v44, v44;
	v1 =	vadd.f32 v49, v1;
	v3 =	vadd.f32 v44, v3  }
0x160: {  	v55 =	vmul.f32 v46, v46;
	v56 =	vld [tilespmem:s22+$0x180];
	v2 =	vadd.f32 v51, v2;
	v4 =	vadd.f32 v46, v4  }
0x161: {  	v58 =	vld [tilespmem:s22+$0x190];
	v57 =	vmul.f32 v48, v48;
	v1 =	vadd.f32 v53, v1;
	v3 =	vadd.f32 v48, v3  }
0x162: {  	v59 =	vmul.f32 v50, v50;
	v2 =	vadd.f32 v55, v2;
	v4 =	vadd.f32 v50, v4  }
0x163: {  	v60 =	vmul.f32 v52, v52;
	v1 =	vadd.f32 v57, v1;
	v3 =	vadd.f32 v52, v3  }
0x164: {  	v61 =	vmul.f32 v54, v54;
	v2 =	vadd.f32 v59, v2;
	v4 =	vadd.f32 v54, v4  }
0x165: {  	v62 =	vmul.f32 v56, v56;
	v1 =	vadd.f32 v60, v1;
	v3 =	vadd.f32 v56, v3  }
0x166: {  	s25 =	simm.s32 $0x0;
	v4 =	vadd.f32 v58, v4  }
0x167: {  	v63 =	vmul.f32 v58, v58;
	v2 =	vadd.f32 v61, v2;
	v5 =	vadd.f32 v62, v1;
	[tilespmem:s25+$0x1BA00] =	vst v3  }
0x168: {  	[tilespmem:s25+$0x1BA10] =	vst v4  }
0x169: {  	s9 =	simm.s32 $0x80;
	v1 =	vadd.f32 v63, v2;
	[tilespmem:s25+$0x1CA00] =	vst v5  }
.LBB2_4:
0x16a: {  	p0 =	sne.s32 s9, $0x3F80  }
0x16b: {  	[tilespmem:s25+$0x1CA10] =	vst v1;
	s22 =	sadd.s32 $0x340, s22;
	s25 =	smov.u32 s9;
	s9 =	sadd.s32 $0x80, s9  }
0x16c: {  	v1 =	vld [tilespmem:s22+$0xFFFFFE80]  }
0x16d: {  	v2 =	vld [tilespmem:s22+$0xFFFFFE90]  }
0x16e: {  	v3 =	vld [tilespmem:s22+$0xFFFFFE60]  }
0x16f: {  	v4 =	vld [tilespmem:s22+$0xFFFFFE70]  }
0x170: {  	v5 =	vld [tilespmem:s22+$0xFFFFFEA0]  }
0x171: {  	v6 =	vld [tilespmem:s22+$0xFFFFFEB0]  }
0x172: {  	v7 =	vld [tilespmem:s22+$0xFFFFFEC0]  }
0x173: {  	v8 =	vmul.f32 v3, v3;
	v3 =	vadd.f32 v1, v3;
	v1 =	vmul.f32 v1, v1;
	v9 =	vld [tilespmem:s22+$0xFFFFFED0]  }
0x174: {  	v10 =	vmul.f32 v4, v4;
	v4 =	vadd.f32 v2, v4;
	v2 =	vmul.f32 v2, v2;
	v11 =	vld [tilespmem:s22+$0xFFFFFEE0]  }
0x175: {  	v1 =	vadd.f32 v1, v8;
	v3 =	vadd.f32 v5, v3;
	v5 =	vmul.f32 v5, v5;
	v8 =	vld [tilespmem:s22+$0xFFFFFEF0]  }
0x176: {  	v2 =	vadd.f32 v2, v10;
	v4 =	vadd.f32 v6, v4;
	v6 =	vmul.f32 v6, v6;
	v10 =	vld [tilespmem:s22+$0xFFFFFF00]  }
0x177: {  	v1 =	vadd.f32 v5, v1;
	v3 =	vadd.f32 v7, v3;
	v5 =	vmul.f32 v7, v7;
	v7 =	vld [tilespmem:s22+$0xFFFFFF10]  }
0x178: {  	v2 =	vadd.f32 v6, v2;
	v4 =	vadd.f32 v9, v4;
	v6 =	vmul.f32 v9, v9;
	v9 =	vld [tilespmem:s22+$0xFFFFFF20]  }
0x179: {  	v1 =	vadd.f32 v5, v1;
	v3 =	vadd.f32 v11, v3;
	v5 =	vmul.f32 v11, v11;
	v11 =	vld [tilespmem:s22+$0xFFFFFF30]  }
0x17a: {  	v2 =	vadd.f32 v6, v2;
	v4 =	vadd.f32 v8, v4;
	v6 =	vmul.f32 v8, v8;
	v8 =	vld [tilespmem:s22+$0xFFFFFF40]  }
0x17b: {  	v1 =	vadd.f32 v5, v1;
	v3 =	vadd.f32 v10, v3;
	v5 =	vmul.f32 v10, v10;
	v10 =	vld [tilespmem:s22+$0xFFFFFF50]  }
0x17c: {  	v2 =	vadd.f32 v6, v2;
	v4 =	vadd.f32 v7, v4;
	v6 =	vmul.f32 v7, v7;
	v7 =	vld [tilespmem:s22+$0xFFFFFF60]  }
0x17d: {  	v1 =	vadd.f32 v5, v1;
	v3 =	vadd.f32 v9, v3;
	v5 =	vmul.f32 v9, v9;
	v9 =	vld [tilespmem:s22+$0xFFFFFF70]  }
0x17e: {  	v2 =	vadd.f32 v6, v2;
	v4 =	vadd.f32 v11, v4;
	v6 =	vmul.f32 v11, v11;
	v11 =	vld [tilespmem:s22+$0xFFFFFF80]  }
0x17f: {  	v1 =	vadd.f32 v5, v1;
	v3 =	vadd.f32 v8, v3;
	v5 =	vmul.f32 v8, v8;
	v8 =	vld [tilespmem:s22+$0xFFFFFF90]  }
0x180: {  	v2 =	vadd.f32 v6, v2;
	v4 =	vadd.f32 v10, v4;
	v6 =	vmul.f32 v10, v10;
	v10 =	vld [tilespmem:s22+$0xFFFFFFA0]  }
0x181: {  	v1 =	vadd.f32 v5, v1;
	v3 =	vadd.f32 v7, v3;
	v5 =	vmul.f32 v7, v7;
	v7 =	vld [tilespmem:s22+$0xFFFFFFB0]  }
0x182: {  	v2 =	vadd.f32 v6, v2;
	v4 =	vadd.f32 v9, v4;
	v6 =	vmul.f32 v9, v9;
	v9 =	vld [tilespmem:s22+$0xFFFFFFC0]  }
0x183: {  	v1 =	vadd.f32 v5, v1;
	v3 =	vadd.f32 v11, v3;
	v5 =	vmul.f32 v11, v11;
	v11 =	vld [tilespmem:s22+$0xFFFFFFD0]  }
0x184: {  	v2 =	vadd.f32 v6, v2;
	v4 =	vadd.f32 v8, v4;
	v6 =	vmul.f32 v8, v8;
	v8 =	vld [tilespmem:s22+$0xFFFFFFE0]  }
0x185: {  	v1 =	vadd.f32 v5, v1;
	v3 =	vadd.f32 v10, v3;
	v5 =	vmul.f32 v10, v10;
	v10 =	vld [tilespmem:s22+$0xFFFFFFF0]  }
0x186: {  	v2 =	vadd.f32 v6, v2;
	v4 =	vadd.f32 v7, v4;
	v6 =	vmul.f32 v7, v7;
	v7 =	vld [tilespmem:s22+$0x0]  }
0x187: {  	v1 =	vadd.f32 v5, v1;
	v3 =	vadd.f32 v9, v3;
	v5 =	vmul.f32 v9, v9;
	v9 =	vld [tilespmem:s22+$0x10]  }
0x188: {  	v2 =	vadd.f32 v6, v2;
	v4 =	vadd.f32 v11, v4;
	v6 =	vmul.f32 v11, v11;
	v11 =	vld [tilespmem:s22+$0x20]  }
0x189: {  	v1 =	vadd.f32 v5, v1;
	v3 =	vadd.f32 v8, v3;
	v5 =	vmul.f32 v8, v8;
	v8 =	vld [tilespmem:s22+$0x30]  }
0x18a: {  	v2 =	vadd.f32 v6, v2;
	v4 =	vadd.f32 v10, v4;
	v6 =	vmul.f32 v10, v10;
	v10 =	vld [tilespmem:s22+$0x40]  }
0x18b: {  	v1 =	vadd.f32 v5, v1;
	v3 =	vadd.f32 v7, v3;
	v5 =	vmul.f32 v7, v7;
	v7 =	vld [tilespmem:s22+$0x50]  }
0x18c: {  	v2 =	vadd.f32 v6, v2;
	v4 =	vadd.f32 v9, v4;
	v6 =	vmul.f32 v9, v9;
	v9 =	vld [tilespmem:s22+$0x60]  }
0x18d: {  	v1 =	vadd.f32 v5, v1;
	v3 =	vadd.f32 v11, v3;
	v5 =	vmul.f32 v11, v11;
	v11 =	vld [tilespmem:s22+$0x70]  }
0x18e: {  	v2 =	vadd.f32 v6, v2;
	v4 =	vadd.f32 v8, v4;
	v6 =	vmul.f32 v8, v8;
	v8 =	vld [tilespmem:s22+$0x80]  }
0x18f: {  	v1 =	vadd.f32 v5, v1;
	v3 =	vadd.f32 v10, v3;
	v5 =	vmul.f32 v10, v10;
	v10 =	vld [tilespmem:s22+$0x90]  }
0x190: {  	v2 =	vadd.f32 v6, v2;
	v4 =	vadd.f32 v7, v4;
	v6 =	vmul.f32 v7, v7;
	v7 =	vld [tilespmem:s22+$0xA0]  }
0x191: {  	v1 =	vadd.f32 v5, v1;
	v3 =	vadd.f32 v9, v3;
	v5 =	vmul.f32 v9, v9;
	v9 =	vld [tilespmem:s22+$0xB0]  }
0x192: {  	v2 =	vadd.f32 v6, v2;
	v4 =	vadd.f32 v11, v4;
	v6 =	vmul.f32 v11, v11;
	v11 =	vld [tilespmem:s22+$0xC0]  }
0x193: {  	v1 =	vadd.f32 v5, v1;
	v3 =	vadd.f32 v8, v3;
	v5 =	vmul.f32 v8, v8;
	v8 =	vld [tilespmem:s22+$0xD0]  }
0x194: {  	v2 =	vadd.f32 v6, v2;
	v4 =	vadd.f32 v10, v4;
	v6 =	vmul.f32 v10, v10;
	v10 =	vld [tilespmem:s22+$0xE0]  }
0x195: {  	v1 =	vadd.f32 v5, v1;
	v3 =	vadd.f32 v7, v3;
	v5 =	vmul.f32 v7, v7;
	v7 =	vld [tilespmem:s22+$0xF0]  }
0x196: {  	v2 =	vadd.f32 v6, v2;
	v4 =	vadd.f32 v9, v4;
	v6 =	vmul.f32 v9, v9;
	v9 =	vld [tilespmem:s22+$0x100]  }
0x197: {  	v1 =	vadd.f32 v5, v1;
	v3 =	vadd.f32 v11, v3;
	v5 =	vmul.f32 v11, v11;
	v11 =	vld [tilespmem:s22+$0x110]  }
0x198: {  	v2 =	vadd.f32 v6, v2;
	v4 =	vadd.f32 v8, v4;
	v6 =	vmul.f32 v8, v8;
	v8 =	vld [tilespmem:s22+$0x120]  }
0x199: {  	v1 =	vadd.f32 v5, v1;
	v3 =	vadd.f32 v10, v3;
	v5 =	vmul.f32 v10, v10;
	v10 =	vld [tilespmem:s22+$0x130]  }
0x19a: {  	v2 =	vadd.f32 v6, v2;
	v4 =	vadd.f32 v7, v4;
	v6 =	vmul.f32 v7, v7;
	v7 =	vld [tilespmem:s22+$0x140]  }
0x19b: {  	v1 =	vadd.f32 v5, v1;
	v3 =	vadd.f32 v9, v3;
	v5 =	vmul.f32 v9, v9;
	v9 =	vld [tilespmem:s22+$0x150]  }
0x19c: {  	v2 =	vadd.f32 v6, v2;
	v4 =	vadd.f32 v11, v4;
	v6 =	vmul.f32 v11, v11;
	v11 =	vld [tilespmem:s22+$0x160]  }
0x19d: {  	v1 =	vadd.f32 v5, v1;
	v3 =	vadd.f32 v8, v3;
	v5 =	vmul.f32 v8, v8;
	v8 =	vld [tilespmem:s22+$0x170]  }
0x19e: {  	v2 =	vadd.f32 v6, v2;
	v4 =	vadd.f32 v10, v4;
	v6 =	vmul.f32 v10, v10;
	v10 =	vld [tilespmem:s22+$0x180]  }
0x19f: {  	v1 =	vadd.f32 v5, v1;
	v3 =	vadd.f32 v7, v3;
	v5 =	vmul.f32 v7, v7;
	v7 =	vld [tilespmem:s22+$0x190]  }
0x1a0: {  	v2 =	vadd.f32 v6, v2;
	v4 =	vadd.f32 v9, v4;
	v6 =	vmul.f32 v9, v9  }
0x1a1: {  	v1 =	vadd.f32 v5, v1;
	v3 =	vadd.f32 v11, v3;
	v5 =	vmul.f32 v11, v11  }
0x1a2: {  	v2 =	vadd.f32 v6, v2;
	v4 =	vadd.f32 v8, v4;
	v6 =	vmul.f32 v8, v8  }
.Ltmp1:
0x1a3: {  	v1 =	vadd.f32 v5, v1;
	v3 =	vadd.f32 v10, v3;
	v5 =	vmul.f32 v10, v10;
	(pc) =	sbr.rel @p0 .LBB2_4-.Ltmp1, $4  }
0x1a4: {  	s25 =	sshra.s32 s25, $0x2;
	v2 =	vadd.f32 v6, v2;
	v4 =	vadd.f32 v7, v4;
	v6 =	vmul.f32 v7, v7  }
0x1a5: {  	v5 =	vadd.f32 v5, v1;
	[tilespmem:s25+$0x1BA00] =	vst v3  }
0x1a6: {  	v1 =	vadd.f32 v6, v2;
	[tilespmem:s25+$0x1BA10] =	vst v4  }
0x1a7: {  	[tilespmem:s25+$0x1CA00] =	vst v5  }
0x1a8: {  	[tilespmem:s25+$0x1CA10] =	vst v1;
	s9 =	rddreg [dreg:$0x3];
	s22 =	simm.s32 $0x1BA00  }
0x1a9: {  	[hbm4b:s9+s2] =	stream.linear.scatter [tilespmem:s22], [sflag:$0x3], $0x1000, $0x38;
	[tilespmem:$0x1DA00] =	vst v63  }
0x1aa: {  	_ =	swait.ge [sflag:s10], $0x1000  }
0x1ab: {  	[sflag:s10] =	ssyncset.done $0x0  }
0x1ac: {  	s25 =	simm.s32 $0x1CA00;
	s22 =	rddreg [dreg:$0x4];
	[sflag:s10] =	ssyncadd.s32 $0xFFFFF000  }
0x1ad: {  	[hbm4b:s22+s2] =	stream.linear.scatter [tilespmem:s25], [sflag:$0x3], $0x1000, $0x38;
	[tilespmem:$0x1DA00] =	vst v63  }
0x1ae: {  	_ =	swait.ge [sflag:s10], $0x1000  }
0x1af: {  	[sflag:s10] =	ssyncset.done $0x0  }
0x1b0: {  	s25 =	simm.s32 $0x1AD00;
	s22 =	rddreg [dreg:$0x5];
	[sflag:s10] =	ssyncadd.s32 $0xFFFFF000  }
0x1b1: {  	[hbm4b:s22+s2] =	stream.linear.scatter [tilespmem:s25], [sflag:$0x3], $0xD00, $0x38;
	[tilespmem:$0x1DA00] =	vst v63  }
0x1b2: {  	_ =	swait.ge [sflag:s10], $0xD00  }
0x1b3: {  	s8 =	sadd.s32 $0x1, s8;
	s22 =	rddreg [dreg:$0x6]  }
0x1b4: {  	p0 =	sne.s32 s8, s22  }
.Ltmp2:
0x1b5: {  	_ = 	snop;
	(pc) =	sbr.rel @p0 .LBB2_1-.Ltmp2, $3  }
0x1b6: {  	_ =	sdelay $0x1  }
0x1b7: {  	[sflag:s10] =	ssyncset.done $0x0  }
0x1b8: {  	[sflag:s10] =	ssyncadd.s32 $0xFFFFF300  }
0x1b9: {  	_ =	sfence.sel $0x180000  }
0x1ba: {  	[bflag:$0x0] =	sbarrier.arrive $0xFFFF  }
0x1bb: {  	_ =	strace $0x90000047  }
0x1bc: {  	s0 =	stileid.u32;
	[bflag:$0x2] =	sbarrier.arrive $0xFFFF  }
0x1bd: {  	p0 =	sne.s32 s0, $0x0;
	s0 =	rddreg [dreg:$0x1]  }
0x1be: {  	s0 =	sadd.s32 @!p0 $0x100000, s0  }
0x1bf: {  	[sflag:s0] =	ssyncadd.tile.s32 @!p0 $0x1;
	_ =	shalt  }
.Lfunc_end2:
_tile_overlayer_lowered:
.L_overlay_start_2:
0x1c0: {  	(tag) =	ssettag $0x2  }
0x1c1: {  	s0 =	rddreg [dreg:$0x0];
	s2 =	stileid.u32  }
0x1c2: {  	s1 =	rddreg [dreg:$0x1];
	p0 =	sne.s32 s2, $0x0  }
0x1c3: {  	s3 =	rddreg [dreg:$0x2];
	[bflag:$0x3] =	sbarrier.arrive $0xFFFF;
	s2 =	simm.s32 @!p0 $0x1C03  }
0x1c4: {  	[timem:s3], [sflag:s2] =	dma.local @!p0 [hbm:s0], s1  }
0x1c5: {  	s0 =	simm.s32 @!p0 $0x3  }
0x1c6: {  	_ =	swait.ge @!p0 [sflag:s0], s1  }
0x1c7: {  	s1 =	ssub.s32 @!p0 $0x0, s1;
	[sflag:s0] =	ssyncset.done @!p0 $0x0  }
0x1c8: {  	[sflag:s0] =	ssyncadd.s32 @!p0 s1  }
0x1c9: {  	[bflag:$0x3] =	sbarrier.arrive $0xFFFF  }
0x1ca: {  	_ =	shalt  }

</sc_bundles>
